<compile_context>
chip_gen: v7x
topology: tpu7x:2x2x1
jax: 0.10.2.dev20260603
libtpu: 0.0.44.dev20260713+nightly
codegen_flags: <defaults>
</compile_context>

<pallas_src>
import functools
import math

import jax
import jax.numpy as jnp
from jax import lax
from jax.experimental import pallas as pl
from jax.experimental.pallas import tpu as pltpu
from jax.experimental.pallas import tpu_sc as plsc

D_MODEL = 64
SCALE = math.sqrt(D_MODEL)

NUM_CORES = 2
NUM_SUBCORES = 16
NUM_WORKERS = NUM_CORES * NUM_SUBCORES
LANES = 16

CHUNK = 256
GATHER = 128


def _emb_body(n_chunks, seq_len, batch, x_hbm, table_hbm, out_hbm,
              idx_v, rows_v, trows_v, *sems):
    isems = sems[0:4]
    gsems = sems[4:8]
    osems = sems[8:10]

    wid = lax.axis_index("s") * NUM_CORES + lax.axis_index("c")
    b0 = wid * (2 * CHUNK)
    n = n_chunks

    def boff(g):
        return (g >> 1), b0 + (g & 1) * CHUNK

    def fire_idx(g, q):
        t, b = boff(g)
        pltpu.async_copy(x_hbm.at[t, pl.ds(b, CHUNK)], idx_v.at[q], isems[q])

    def wait_idx(q):
        pltpu.make_async_copy(x_hbm.at[0, pl.ds(0, CHUNK)], idx_v.at[q],
                              isems[q]).wait()

    def fire_gathers(g, a):
        for j in range(CHUNK // GATHER):
            pltpu.async_copy(
                table_hbm.at[idx_v.at[a, pl.ds(j * GATHER, GATHER)]],
                rows_v.at[a, pl.ds(j * GATHER, GATHER)],
                gsems[a],
            )

    def wait_gathers(a):
        pltpu.make_async_copy(table_hbm.at[pl.ds(0, CHUNK)],
                              rows_v.at[a], gsems[a]).wait()

    def bcol0(g):
        return wid * 4 + (g & 1) * 2

    def fire_writeout(g, a):
        t = g >> 1
        bc = bcol0(g)
        for j in range(2):
            pltpu.async_copy(
                trows_v.at[a, :, :, pl.ds(j * 128, 128)],
                out_hbm.at[t, :, bc + j, :, :], osems[a])

    def wait_writeout(a):
        for j in range(2):
            pltpu.make_async_copy(trows_v.at[a, :, :, pl.ds(j * 128, 128)],
                                  out_hbm.at[0, :, 0, :, :],
                                  osems[a]).wait()

    base_iota = lax.iota(jnp.int32, LANES)
    dsplit = [((base_iota + c * LANES) // 8, (base_iota + c * LANES) % 8)
              for c in range(D_MODEL // LANES)]

    def transpose_scale(a4, a2):
        trows = trows_v.at[a2]

        @plsc.parallel_loop(0, CHUNK, 1, unroll=4)
        def _(r):
            colv = jnp.full((LANES,), r, jnp.int32)
            for c in range(D_MODEL // LANES):
                dr_ids, drow_ids = dsplit[c]
                val = rows_v[a4, r, pl.ds(c * LANES, LANES)] * SCALE
                plsc.store_scatter(trows, [dr_ids, drow_ids, colv], val)

    for q in range(4):
        fire_idx(q, q)
    wait_idx(0)
    fire_gathers(0, 0)
    wait_idx(1)
    fire_gathers(1, 1)

    def outer(i, carry):
        for a4 in range(4):
            g = i * 4 + a4
            a2 = a4 % 2

            @pl.when(g + 2 < n)
            def _():
                wait_idx((a4 + 2) % 4)
                fire_gathers(g + 2, (a4 + 2) % 4)

            wait_gathers(a4)

            @pl.when(g + 4 < n)
            def _():
                fire_idx(g + 4, a4)

            @pl.when(g >= 2)
            def _():
                wait_writeout(a2)

            transpose_scale(a4, a2)
            fire_writeout(g, a2)
        return carry

    lax.fori_loop(0, n // 4, outer, 0)

    wait_writeout((n - 1) % 2)
    wait_writeout(n % 2)


def kernel(x, table):
    n_rows, n_cols = x.shape
    xt = jnp.transpose(x).astype(jnp.int32)

    stripe = 2 * CHUNK
    assert n_rows % (NUM_WORKERS * stripe) == 0 or \
        n_rows == NUM_WORKERS * stripe
    n_chunks = 2 * n_cols

    mesh = plsc.VectorSubcoreMesh(core_axis_name="c", subcore_axis_name="s")
    emb = pl.kernel(
        functools.partial(_emb_body, n_chunks, n_cols, n_rows),
        out_type=jax.ShapeDtypeStruct(
            (n_cols, D_MODEL // 8, n_rows // 128, 8, 128), jnp.float32),
        mesh=mesh,
        scratch_types=(
            [pltpu.VMEM((4, CHUNK), jnp.int32),
             pltpu.VMEM((4, CHUNK, D_MODEL), jnp.float32),
             pltpu.VMEM((2, D_MODEL // 8, 8, CHUNK + 1), jnp.float32)]
            + [pltpu.SemaphoreType.DMA] * 10
        ),
        compiler_params=pltpu.CompilerParams(use_tc_tiling_on_sc=False,
                                             needs_layout_passes=False),
    )
    out5 = emb(xt, table)
    out = jnp.transpose(out5, (2, 4, 0, 1, 3))
    return out.reshape(n_rows, n_cols, D_MODEL)

# --- scband reference (transcript-rebuilt; emitter-appended) ---
"""Pipeline reference for scband-embeddings-36258113913153 (READ-ONLY COPY).

The authoritative reference and input builder live on the scoring server;
editing this copy changes nothing except your own understanding.
"""

import math
import jax, jax.numpy as jnp
import numpy as np

D_MODEL = 64
VOCAB = 1000000

def setup_inputs(seed: int = 0) -> dict:
    key = jax.random.key(seed)
    k1, k2 = jax.random.split(key)
    x = jax.random.randint(k1, (16384, 200), 0, VOCAB, dtype=jnp.int64) if jax.config.jax_enable_x64 else jax.random.randint(k1, (16384, 200), 0, VOCAB, dtype=jnp.int32)
    table = jax.random.normal(k2, (VOCAB, D_MODEL), dtype=jnp.float32)
    return {"x": x, "table": table}

def reference(x, table):
    # Embedding lookup followed by sqrt(d_model) scaling
    emb = jnp.take(table, x, axis=0)
    return emb * math.sqrt(D_MODEL)

if __name__ == "__main__":
    import jax
    _d = setup_inputs()
    print(jax.jit(kernel)(*tuple(_d.values())))

</pallas_src>

<mosaic_0001>
#map = affine_map<(d0, d1) -> (0, 0)>
#map1 = affine_map<(d0, d1) -> (0, 0, 0, 0, 0)>
module attributes {stable_mosaic.version = 14 : i64} {
  func.func @_emb_body(%arg0: i32, %arg1: i32, %arg2: memref<200x16384xi32, #tpu.memory_space<hbm>>, %arg3: memref<1000000x64xf32, #tpu.memory_space<hbm>>, %arg4: memref<200x8x128x8x128xf32, #tpu.memory_space<hbm>>, %arg5: memref<4x256xi32, #tpu.memory_space<vmem>>, %arg6: memref<4x256x64xf32, #tpu.memory_space<vmem>>, %arg7: memref<2x8x8x257xf32, #tpu.memory_space<vmem>>, %arg8: memref<!tpu.dma_semaphore, #tpu.memory_space<semaphore_mem>>, %arg9: memref<!tpu.dma_semaphore, #tpu.memory_space<semaphore_mem>>, %arg10: memref<!tpu.dma_semaphore, #tpu.memory_space<semaphore_mem>>, %arg11: memref<!tpu.dma_semaphore, #tpu.memory_space<semaphore_mem>>, %arg12: memref<!tpu.dma_semaphore, #tpu.memory_space<semaphore_mem>>, %arg13: memref<!tpu.dma_semaphore, #tpu.memory_space<semaphore_mem>>, %arg14: memref<!tpu.dma_semaphore, #tpu.memory_space<semaphore_mem>>, %arg15: memref<!tpu.dma_semaphore, #tpu.memory_space<semaphore_mem>>, %arg16: memref<!tpu.dma_semaphore, #tpu.memory_space<semaphore_mem>>, %arg17: memref<!tpu.dma_semaphore, #tpu.memory_space<semaphore_mem>>) attributes {dimension_semantics = [#tpu.dimension_semantics<core_parallel>, #tpu.dimension_semantics<subcore_parallel>], iteration_bounds = array<i64: 2, 16>, scalar_prefetch = 0 : i64, scratch_operands = 13 : i64, tpu.core_type = #tpu.core_type<sc_vector_subcore>, window_params = [{transform_indices = #map}, {transform_indices = #map}, {transform_indices = #map1}]} {
    %mul3A = arith.constant 2 : i32
    %mul3A_0 = arith.muli %arg1, %mul3A : i32
    %add3A = arith.addi %mul3A_0, %arg0 : i32
    %mul3A_1 = arith.constant 512 : i32
    %mul3A_2 = arith.muli %add3A, %mul3A_1 : i32
    %iota3A = tpu.iota {dimensions = array<i32: 0>} : vector<16xi32>
    %add3A_3 = arith.constant 0 : i32
    %add3A_4 = vector.broadcast %add3A_3 : i32 to vector<16xi32>
    %add3A_5 = arith.addi %iota3A, %add3A_4 : vector<16xi32>
    %jit3A = arith.constant 8 : i32
    %div3A = vector.broadcast %jit3A : i32 to vector<16xi32>
    %div3A_6 = arith.divsi %add3A_5, %div3A : vector<16xi32>
    %sign3A = arith.constant 0 : i32
    %sign3A_7 = vector.broadcast %sign3A : i32 to vector<16xi32>
    %sign3A_8 = arith.cmpi sgt, %add3A_5, %sign3A_7 : vector<16xi32>
    %sign3A_9 = arith.extui %sign3A_8 : vector<16xi1> to vector<16xi32>
    %sign3A_10 = arith.constant 0 : i32
    %sign3A_11 = vector.broadcast %sign3A_10 : i32 to vector<16xi32>
    %sign3A_12 = arith.cmpi slt, %add3A_5, %sign3A_11 : vector<16xi32>
    %sign3A_13 = arith.extui %sign3A_12 : vector<16xi1> to vector<16xi32>
    %sign3A_14 = arith.subi %sign3A_9, %sign3A_13 : vector<16xi32>
    %sign3A_15 = arith.constant 0 : i32
    %sign3A_16 = arith.cmpi sgt, %jit3A, %sign3A_15 : i32
    %sign3A_17 = arith.extui %sign3A_16 : i1 to i32
    %sign3A_18 = arith.constant 0 : i32
    %sign3A_19 = arith.cmpi slt, %jit3A, %sign3A_18 : i32
    %sign3A_20 = arith.extui %sign3A_19 : i1 to i32
    %sign3A_21 = arith.subi %sign3A_17, %sign3A_20 : i32
    %ne3A = vector.broadcast %sign3A_21 : i32 to vector<16xi32>
    %ne3A_22 = arith.cmpi ne, %sign3A_14, %ne3A : vector<16xi32>
    %rem3A = vector.broadcast %jit3A : i32 to vector<16xi32>
    %rem3A_23 = arith.remsi %add3A_5, %rem3A : vector<16xi32>
    %ne3A_24 = arith.constant 0 : i32
    %ne3A_25 = vector.broadcast %ne3A_24 : i32 to vector<16xi32>
    %ne3A_26 = arith.cmpi ne, %rem3A_23, %ne3A_25 : vector<16xi32>
    %and3A = arith.andi %ne3A_22, %ne3A_26 : vector<16xi1>
    %sub3A = arith.constant 1 : i32
    %sub3A_27 = vector.broadcast %sub3A : i32 to vector<16xi32>
    %sub3A_28 = arith.subi %div3A_6, %sub3A_27 : vector<16xi32>
    %select_n3A = arith.select %and3A, %sub3A_28, %div3A_6 : vector<16xi1>, vector<16xi32>
    %add3A_29 = arith.constant 0 : i32
    %add3A_30 = vector.broadcast %add3A_29 : i32 to vector<16xi32>
    %add3A_31 = arith.addi %iota3A, %add3A_30 : vector<16xi32>
    %jit3A_32 = arith.constant 8 : i32
    %eq3A = arith.constant 0 : i32
    %eq3A_33 = arith.cmpi eq, %jit3A_32, %eq3A : i32
    %jit3A_34 = arith.constant 1 : i32
    %select_n3A_35 = arith.select %eq3A_33, %jit3A_34, %jit3A_32 : i32
    %rem3A_36 = vector.broadcast %select_n3A_35 : i32 to vector<16xi32>
    %rem3A_37 = arith.remsi %add3A_31, %rem3A_36 : vector<16xi32>
    %ne3A_38 = arith.constant 0 : i32
    %ne3A_39 = vector.broadcast %ne3A_38 : i32 to vector<16xi32>
    %ne3A_40 = arith.cmpi ne, %rem3A_37, %ne3A_39 : vector<16xi32>
    %lt3A = arith.constant 0 : i32
    %lt3A_41 = vector.broadcast %lt3A : i32 to vector<16xi32>
    %lt3A_42 = arith.cmpi slt, %rem3A_37, %lt3A_41 : vector<16xi32>
    %lt3A_43 = arith.constant 0 : i32
    %lt3A_44 = arith.cmpi slt, %select_n3A_35, %lt3A_43 : i32
    %ne3A_45 = vector.broadcast %lt3A_44 : i1 to vector<16xi1>
    %ne3A_46 = vector.broadcast %ne3A_45 : vector<16xi1> to vector<16xi1>
    %ne3A_47 = arith.xori %lt3A_42, %ne3A_46 : vector<16xi1>
    %and3A_48 = arith.andi %ne3A_47, %ne3A_40 : vector<16xi1>
    %add3A_49 = vector.broadcast %select_n3A_35 : i32 to vector<16xi32>
    %add3A_50 = arith.addi %rem3A_37, %add3A_49 : vector<16xi32>
    %select_n3A_51 = arith.select %and3A_48, %add3A_50, %rem3A_37 : vector<16xi1>, vector<16xi32>
    %add3A_52 = arith.constant 16 : i32
    %add3A_53 = vector.broadcast %add3A_52 : i32 to vector<16xi32>
    %add3A_54 = arith.addi %iota3A, %add3A_53 : vector<16xi32>
    %jit3A_55 = arith.constant 8 : i32
    %div3A_56 = vector.broadcast %jit3A_55 : i32 to vector<16xi32>
    %div3A_57 = arith.divsi %add3A_54, %div3A_56 : vector<16xi32>
    %sign3A_58 = arith.constant 0 : i32
    %sign3A_59 = vector.broadcast %sign3A_58 : i32 to vector<16xi32>
    %sign3A_60 = arith.cmpi sgt, %add3A_54, %sign3A_59 : vector<16xi32>
    %sign3A_61 = arith.extui %sign3A_60 : vector<16xi1> to vector<16xi32>
    %sign3A_62 = arith.constant 0 : i32
    %sign3A_63 = vector.broadcast %sign3A_62 : i32 to vector<16xi32>
    %sign3A_64 = arith.cmpi slt, %add3A_54, %sign3A_63 : vector<16xi32>
    %sign3A_65 = arith.extui %sign3A_64 : vector<16xi1> to vector<16xi32>
    %sign3A_66 = arith.subi %sign3A_61, %sign3A_65 : vector<16xi32>
    %sign3A_67 = arith.constant 0 : i32
    %sign3A_68 = arith.cmpi sgt, %jit3A_55, %sign3A_67 : i32
    %sign3A_69 = arith.extui %sign3A_68 : i1 to i32
    %sign3A_70 = arith.constant 0 : i32
    %sign3A_71 = arith.cmpi slt, %jit3A_55, %sign3A_70 : i32
    %sign3A_72 = arith.extui %sign3A_71 : i1 to i32
    %sign3A_73 = arith.subi %sign3A_69, %sign3A_72 : i32
    %ne3A_74 = vector.broadcast %sign3A_73 : i32 to vector<16xi32>
    %ne3A_75 = arith.cmpi ne, %sign3A_66, %ne3A_74 : vector<16xi32>
    %rem3A_76 = vector.broadcast %jit3A_55 : i32 to vector<16xi32>
    %rem3A_77 = arith.remsi %add3A_54, %rem3A_76 : vector<16xi32>
    %ne3A_78 = arith.constant 0 : i32
    %ne3A_79 = vector.broadcast %ne3A_78 : i32 to vector<16xi32>
    %ne3A_80 = arith.cmpi ne, %rem3A_77, %ne3A_79 : vector<16xi32>
    %and3A_81 = arith.andi %ne3A_75, %ne3A_80 : vector<16xi1>
    %sub3A_82 = arith.constant 1 : i32
    %sub3A_83 = vector.broadcast %sub3A_82 : i32 to vector<16xi32>
    %sub3A_84 = arith.subi %div3A_57, %sub3A_83 : vector<16xi32>
    %select_n3A_85 = arith.select %and3A_81, %sub3A_84, %div3A_57 : vector<16xi1>, vector<16xi32>
    %add3A_86 = arith.constant 16 : i32
    %add3A_87 = vector.broadcast %add3A_86 : i32 to vector<16xi32>
    %add3A_88 = arith.addi %iota3A, %add3A_87 : vector<16xi32>
    %jit3A_89 = arith.constant 8 : i32
    %eq3A_90 = arith.constant 0 : i32
    %eq3A_91 = arith.cmpi eq, %jit3A_89, %eq3A_90 : i32
    %jit3A_92 = arith.constant 1 : i32
    %select_n3A_93 = arith.select %eq3A_91, %jit3A_92, %jit3A_89 : i32
    %rem3A_94 = vector.broadcast %select_n3A_93 : i32 to vector<16xi32>
    %rem3A_95 = arith.remsi %add3A_88, %rem3A_94 : vector<16xi32>
    %ne3A_96 = arith.constant 0 : i32
    %ne3A_97 = vector.broadcast %ne3A_96 : i32 to vector<16xi32>
    %ne3A_98 = arith.cmpi ne, %rem3A_95, %ne3A_97 : vector<16xi32>
    %lt3A_99 = arith.constant 0 : i32
    %lt3A_100 = vector.broadcast %lt3A_99 : i32 to vector<16xi32>
    %lt3A_101 = arith.cmpi slt, %rem3A_95, %lt3A_100 : vector<16xi32>
    %lt3A_102 = arith.constant 0 : i32
    %lt3A_103 = arith.cmpi slt, %select_n3A_93, %lt3A_102 : i32
    %ne3A_104 = vector.broadcast %lt3A_103 : i1 to vector<16xi1>
    %ne3A_105 = vector.broadcast %ne3A_104 : vector<16xi1> to vector<16xi1>
    %ne3A_106 = arith.xori %lt3A_101, %ne3A_105 : vector<16xi1>
    %and3A_107 = arith.andi %ne3A_106, %ne3A_98 : vector<16xi1>
    %add3A_108 = vector.broadcast %select_n3A_93 : i32 to vector<16xi32>
    %add3A_109 = arith.addi %rem3A_95, %add3A_108 : vector<16xi32>
    %select_n3A_110 = arith.select %and3A_107, %add3A_109, %rem3A_95 : vector<16xi1>, vector<16xi32>
    %add3A_111 = arith.constant 32 : i32
    %add3A_112 = vector.broadcast %add3A_111 : i32 to vector<16xi32>
    %add3A_113 = arith.addi %iota3A, %add3A_112 : vector<16xi32>
    %jit3A_114 = arith.constant 8 : i32
    %div3A_115 = vector.broadcast %jit3A_114 : i32 to vector<16xi32>
    %div3A_116 = arith.divsi %add3A_113, %div3A_115 : vector<16xi32>
    %sign3A_117 = arith.constant 0 : i32
    %sign3A_118 = vector.broadcast %sign3A_117 : i32 to vector<16xi32>
    %sign3A_119 = arith.cmpi sgt, %add3A_113, %sign3A_118 : vector<16xi32>
    %sign3A_120 = arith.extui %sign3A_119 : vector<16xi1> to vector<16xi32>
    %sign3A_121 = arith.constant 0 : i32
    %sign3A_122 = vector.broadcast %sign3A_121 : i32 to vector<16xi32>
    %sign3A_123 = arith.cmpi slt, %add3A_113, %sign3A_122 : vector<16xi32>
    %sign3A_124 = arith.extui %sign3A_123 : vector<16xi1> to vector<16xi32>
    %sign3A_125 = arith.subi %sign3A_120, %sign3A_124 : vector<16xi32>
    %sign3A_126 = arith.constant 0 : i32
    %sign3A_127 = arith.cmpi sgt, %jit3A_114, %sign3A_126 : i32
    %sign3A_128 = arith.extui %sign3A_127 : i1 to i32
    %sign3A_129 = arith.constant 0 : i32
    %sign3A_130 = arith.cmpi slt, %jit3A_114, %sign3A_129 : i32
    %sign3A_131 = arith.extui %sign3A_130 : i1 to i32
    %sign3A_132 = arith.subi %sign3A_128, %sign3A_131 : i32
    %ne3A_133 = vector.broadcast %sign3A_132 : i32 to vector<16xi32>
    %ne3A_134 = arith.cmpi ne, %sign3A_125, %ne3A_133 : vector<16xi32>
    %rem3A_135 = vector.broadcast %jit3A_114 : i32 to vector<16xi32>
    %rem3A_136 = arith.remsi %add3A_113, %rem3A_135 : vector<16xi32>
    %ne3A_137 = arith.constant 0 : i32
    %ne3A_138 = vector.broadcast %ne3A_137 : i32 to vector<16xi32>
    %ne3A_139 = arith.cmpi ne, %rem3A_136, %ne3A_138 : vector<16xi32>
    %and3A_140 = arith.andi %ne3A_134, %ne3A_139 : vector<16xi1>
    %sub3A_141 = arith.constant 1 : i32
    %sub3A_142 = vector.broadcast %sub3A_141 : i32 to vector<16xi32>
    %sub3A_143 = arith.subi %div3A_116, %sub3A_142 : vector<16xi32>
    %select_n3A_144 = arith.select %and3A_140, %sub3A_143, %div3A_116 : vector<16xi1>, vector<16xi32>
    %add3A_145 = arith.constant 32 : i32
    %add3A_146 = vector.broadcast %add3A_145 : i32 to vector<16xi32>
    %add3A_147 = arith.addi %iota3A, %add3A_146 : vector<16xi32>
    %jit3A_148 = arith.constant 8 : i32
    %eq3A_149 = arith.constant 0 : i32
    %eq3A_150 = arith.cmpi eq, %jit3A_148, %eq3A_149 : i32
    %jit3A_151 = arith.constant 1 : i32
    %select_n3A_152 = arith.select %eq3A_150, %jit3A_151, %jit3A_148 : i32
    %rem3A_153 = vector.broadcast %select_n3A_152 : i32 to vector<16xi32>
    %rem3A_154 = arith.remsi %add3A_147, %rem3A_153 : vector<16xi32>
    %ne3A_155 = arith.constant 0 : i32
    %ne3A_156 = vector.broadcast %ne3A_155 : i32 to vector<16xi32>
    %ne3A_157 = arith.cmpi ne, %rem3A_154, %ne3A_156 : vector<16xi32>
    %lt3A_158 = arith.constant 0 : i32
    %lt3A_159 = vector.broadcast %lt3A_158 : i32 to vector<16xi32>
    %lt3A_160 = arith.cmpi slt, %rem3A_154, %lt3A_159 : vector<16xi32>
    %lt3A_161 = arith.constant 0 : i32
    %lt3A_162 = arith.cmpi slt, %select_n3A_152, %lt3A_161 : i32
    %ne3A_163 = vector.broadcast %lt3A_162 : i1 to vector<16xi1>
    %ne3A_164 = vector.broadcast %ne3A_163 : vector<16xi1> to vector<16xi1>
    %ne3A_165 = arith.xori %lt3A_160, %ne3A_164 : vector<16xi1>
    %and3A_166 = arith.andi %ne3A_165, %ne3A_157 : vector<16xi1>
    %add3A_167 = vector.broadcast %select_n3A_152 : i32 to vector<16xi32>
    %add3A_168 = arith.addi %rem3A_154, %add3A_167 : vector<16xi32>
    %select_n3A_169 = arith.select %and3A_166, %add3A_168, %rem3A_154 : vector<16xi1>, vector<16xi32>
    %add3A_170 = arith.constant 48 : i32
    %add3A_171 = vector.broadcast %add3A_170 : i32 to vector<16xi32>
    %add3A_172 = arith.addi %iota3A, %add3A_171 : vector<16xi32>
    %jit3A_173 = arith.constant 8 : i32
    %div3A_174 = vector.broadcast %jit3A_173 : i32 to vector<16xi32>
    %div3A_175 = arith.divsi %add3A_172, %div3A_174 : vector<16xi32>
    %sign3A_176 = arith.constant 0 : i32
    %sign3A_177 = vector.broadcast %sign3A_176 : i32 to vector<16xi32>
    %sign3A_178 = arith.cmpi sgt, %add3A_172, %sign3A_177 : vector<16xi32>
    %sign3A_179 = arith.extui %sign3A_178 : vector<16xi1> to vector<16xi32>
    %sign3A_180 = arith.constant 0 : i32
    %sign3A_181 = vector.broadcast %sign3A_180 : i32 to vector<16xi32>
    %sign3A_182 = arith.cmpi slt, %add3A_172, %sign3A_181 : vector<16xi32>
    %sign3A_183 = arith.extui %sign3A_182 : vector<16xi1> to vector<16xi32>
    %sign3A_184 = arith.subi %sign3A_179, %sign3A_183 : vector<16xi32>
    %sign3A_185 = arith.constant 0 : i32
    %sign3A_186 = arith.cmpi sgt, %jit3A_173, %sign3A_185 : i32
    %sign3A_187 = arith.extui %sign3A_186 : i1 to i32
    %sign3A_188 = arith.constant 0 : i32
    %sign3A_189 = arith.cmpi slt, %jit3A_173, %sign3A_188 : i32
    %sign3A_190 = arith.extui %sign3A_189 : i1 to i32
    %sign3A_191 = arith.subi %sign3A_187, %sign3A_190 : i32
    %ne3A_192 = vector.broadcast %sign3A_191 : i32 to vector<16xi32>
    %ne3A_193 = arith.cmpi ne, %sign3A_184, %ne3A_192 : vector<16xi32>
    %rem3A_194 = vector.broadcast %jit3A_173 : i32 to vector<16xi32>
    %rem3A_195 = arith.remsi %add3A_172, %rem3A_194 : vector<16xi32>
    %ne3A_196 = arith.constant 0 : i32
    %ne3A_197 = vector.broadcast %ne3A_196 : i32 to vector<16xi32>
    %ne3A_198 = arith.cmpi ne, %rem3A_195, %ne3A_197 : vector<16xi32>
    %and3A_199 = arith.andi %ne3A_193, %ne3A_198 : vector<16xi1>
    %sub3A_200 = arith.constant 1 : i32
    %sub3A_201 = vector.broadcast %sub3A_200 : i32 to vector<16xi32>
    %sub3A_202 = arith.subi %div3A_175, %sub3A_201 : vector<16xi32>
    %select_n3A_203 = arith.select %and3A_199, %sub3A_202, %div3A_175 : vector<16xi1>, vector<16xi32>
    %add3A_204 = arith.constant 48 : i32
    %add3A_205 = vector.broadcast %add3A_204 : i32 to vector<16xi32>
    %add3A_206 = arith.addi %iota3A, %add3A_205 : vector<16xi32>
    %jit3A_207 = arith.constant 8 : i32
    %eq3A_208 = arith.constant 0 : i32
    %eq3A_209 = arith.cmpi eq, %jit3A_207, %eq3A_208 : i32
    %jit3A_210 = arith.constant 1 : i32
    %select_n3A_211 = arith.select %eq3A_209, %jit3A_210, %jit3A_207 : i32
    %rem3A_212 = vector.broadcast %select_n3A_211 : i32 to vector<16xi32>
    %rem3A_213 = arith.remsi %add3A_206, %rem3A_212 : vector<16xi32>
    %ne3A_214 = arith.constant 0 : i32
    %ne3A_215 = vector.broadcast %ne3A_214 : i32 to vector<16xi32>
    %ne3A_216 = arith.cmpi ne, %rem3A_213, %ne3A_215 : vector<16xi32>
    %lt3A_217 = arith.constant 0 : i32
    %lt3A_218 = vector.broadcast %lt3A_217 : i32 to vector<16xi32>
    %lt3A_219 = arith.cmpi slt, %rem3A_213, %lt3A_218 : vector<16xi32>
    %lt3A_220 = arith.constant 0 : i32
    %lt3A_221 = arith.cmpi slt, %select_n3A_211, %lt3A_220 : i32
    %ne3A_222 = vector.broadcast %lt3A_221 : i1 to vector<16xi1>
    %ne3A_223 = vector.broadcast %ne3A_222 : vector<16xi1> to vector<16xi1>
    %ne3A_224 = arith.xori %lt3A_219, %ne3A_223 : vector<16xi1>
    %and3A_225 = arith.andi %ne3A_224, %ne3A_216 : vector<16xi1>
    %add3A_226 = vector.broadcast %select_n3A_211 : i32 to vector<16xi32>
    %add3A_227 = arith.addi %rem3A_213, %add3A_226 : vector<16xi32>
    %select_n3A_228 = arith.select %and3A_225, %add3A_227, %rem3A_213 : vector<16xi1>, vector<16xi32>
    %add3A_229 = arith.constant 0 : i32
    %add3A_230 = arith.addi %mul3A_2, %add3A_229 : i32
    %dma_start3A = arith.constant 0 : i32
    %dma_start3A_231 = arith.constant 0 : i32
    %dma_start3A_232 = arith.constant 0 : i32
    %dma_start3A_233 = tpu.memref_slice %arg5[%dma_start3A_231, %dma_start3A_232] : memref<4x256xi32, #tpu.memory_space<vmem>> -> memref<1x256xi32, #tpu.memory_space<vmem>>
    %dma_start3A_234 = tpu.memref_squeeze %dma_start3A_233 : memref<1x256xi32, #tpu.memory_space<vmem>> -> memref<256xi32, #tpu.memory_space<vmem>>
    %dma_start3A_235 = tpu.memref_slice %arg2[%dma_start3A, %add3A_230] : memref<200x16384xi32, #tpu.memory_space<hbm>> -> memref<1x256xi32, #tpu.memory_space<hbm>>
    %dma_start3A_236 = tpu.memref_squeeze %dma_start3A_235 : memref<1x256xi32, #tpu.memory_space<hbm>> -> memref<256xi32, #tpu.memory_space<hbm>>
    %dma_start3A_237 = arith.constant 0 : i32
    %dma_start3A_238 = tpu.memref_slice %arg5[%dma_start3A_231, %dma_start3A_237] : memref<4x256xi32, #tpu.memory_space<vmem>> -> memref<1x256xi32, #tpu.memory_space<vmem>>
    %dma_start3A_239 = tpu.memref_squeeze %dma_start3A_238 : memref<1x256xi32, #tpu.memory_space<vmem>> -> memref<256xi32, #tpu.memory_space<vmem>>
    %dma_start3A_240 = tpu.memref_slice %arg2[%dma_start3A, %add3A_230] : memref<200x16384xi32, #tpu.memory_space<hbm>> -> memref<1x256xi32, #tpu.memory_space<hbm>>
    %dma_start3A_241 = tpu.memref_squeeze %dma_start3A_240 : memref<1x256xi32, #tpu.memory_space<hbm>> -> memref<256xi32, #tpu.memory_space<hbm>>
    tpu.enqueue_dma source(%dma_start3A_241 : memref<256xi32, #tpu.memory_space<hbm>>) target(%dma_start3A_239 : memref<256xi32, #tpu.memory_space<vmem>>) target_semaphore(%arg8 : memref<!tpu.dma_semaphore, #tpu.memory_space<semaphore_mem>>)
    %add3A_242 = arith.constant 256 : i32
    %add3A_243 = arith.addi %mul3A_2, %add3A_242 : i32
    %dma_start3A_244 = arith.constant 0 : i32
    %dma_start3A_245 = arith.constant 1 : i32
    %dma_start3A_246 = arith.constant 0 : i32
    %dma_start3A_247 = tpu.memref_slice %arg5[%dma_start3A_245, %dma_start3A_246] : memref<4x256xi32, #tpu.memory_space<vmem>> -> memref<1x256xi32, #tpu.memory_space<vmem>>
    %dma_start3A_248 = tpu.memref_squeeze %dma_start3A_247 : memref<1x256xi32, #tpu.memory_space<vmem>> -> memref<256xi32, #tpu.memory_space<vmem>>
    %dma_start3A_249 = tpu.memref_slice %arg2[%dma_start3A_244, %add3A_243] : memref<200x16384xi32, #tpu.memory_space<hbm>> -> memref<1x256xi32, #tpu.memory_space<hbm>>
    %dma_start3A_250 = tpu.memref_squeeze %dma_start3A_249 : memref<1x256xi32, #tpu.memory_space<hbm>> -> memref<256xi32, #tpu.memory_space<hbm>>
    %dma_start3A_251 = arith.constant 0 : i32
    %dma_start3A_252 = tpu.memref_slice %arg5[%dma_start3A_245, %dma_start3A_251] : memref<4x256xi32, #tpu.memory_space<vmem>> -> memref<1x256xi32, #tpu.memory_space<vmem>>
    %dma_start3A_253 = tpu.memref_squeeze %dma_start3A_252 : memref<1x256xi32, #tpu.memory_space<vmem>> -> memref<256xi32, #tpu.memory_space<vmem>>
    %dma_start3A_254 = tpu.memref_slice %arg2[%dma_start3A_244, %add3A_243] : memref<200x16384xi32, #tpu.memory_space<hbm>> -> memref<1x256xi32, #tpu.memory_space<hbm>>
    %dma_start3A_255 = tpu.memref_squeeze %dma_start3A_254 : memref<1x256xi32, #tpu.memory_space<hbm>> -> memref<256xi32, #tpu.memory_space<hbm>>
    tpu.enqueue_dma source(%dma_start3A_255 : memref<256xi32, #tpu.memory_space<hbm>>) target(%dma_start3A_253 : memref<256xi32, #tpu.memory_space<vmem>>) target_semaphore(%arg9 : memref<!tpu.dma_semaphore, #tpu.memory_space<semaphore_mem>>)
    %add3A_256 = arith.constant 0 : i32
    %add3A_257 = arith.addi %mul3A_2, %add3A_256 : i32
    %dma_start3A_258 = arith.constant 1 : i32
    %dma_start3A_259 = arith.constant 2 : i32
    %dma_start3A_260 = arith.constant 0 : i32
    %dma_start3A_261 = tpu.memref_slice %arg5[%dma_start3A_259, %dma_start3A_260] : memref<4x256xi32, #tpu.memory_space<vmem>> -> memref<1x256xi32, #tpu.memory_space<vmem>>
    %dma_start3A_262 = tpu.memref_squeeze %dma_start3A_261 : memref<1x256xi32, #tpu.memory_space<vmem>> -> memref<256xi32, #tpu.memory_space<vmem>>
    %dma_start3A_263 = tpu.memref_slice %arg2[%dma_start3A_258, %add3A_257] : memref<200x16384xi32, #tpu.memory_space<hbm>> -> memref<1x256xi32, #tpu.memory_space<hbm>>
    %dma_start3A_264 = tpu.memref_squeeze %dma_start3A_263 : memref<1x256xi32, #tpu.memory_space<hbm>> -> memref<256xi32, #tpu.memory_space<hbm>>
    %dma_start3A_265 = arith.constant 0 : i32
    %dma_start3A_266 = tpu.memref_slice %arg5[%dma_start3A_259, %dma_start3A_265] : memref<4x256xi32, #tpu.memory_space<vmem>> -> memref<1x256xi32, #tpu.memory_space<vmem>>
    %dma_start3A_267 = tpu.memref_squeeze %dma_start3A_266 : memref<1x256xi32, #tpu.memory_space<vmem>> -> memref<256xi32, #tpu.memory_space<vmem>>
    %dma_start3A_268 = tpu.memref_slice %arg2[%dma_start3A_258, %add3A_257] : memref<200x16384xi32, #tpu.memory_space<hbm>> -> memref<1x256xi32, #tpu.memory_space<hbm>>
    %dma_start3A_269 = tpu.memref_squeeze %dma_start3A_268 : memref<1x256xi32, #tpu.memory_space<hbm>> -> memref<256xi32, #tpu.memory_space<hbm>>
    tpu.enqueue_dma source(%dma_start3A_269 : memref<256xi32, #tpu.memory_space<hbm>>) target(%dma_start3A_267 : memref<256xi32, #tpu.memory_space<vmem>>) target_semaphore(%arg10 : memref<!tpu.dma_semaphore, #tpu.memory_space<semaphore_mem>>)
    %add3A_270 = arith.constant 256 : i32
    %add3A_271 = arith.addi %mul3A_2, %add3A_270 : i32
    %dma_start3A_272 = arith.constant 1 : i32
    %dma_start3A_273 = arith.constant 3 : i32
    %dma_start3A_274 = arith.constant 0 : i32
    %dma_start3A_275 = tpu.memref_slice %arg5[%dma_start3A_273, %dma_start3A_274] : memref<4x256xi32, #tpu.memory_space<vmem>> -> memref<1x256xi32, #tpu.memory_space<vmem>>
    %dma_start3A_276 = tpu.memref_squeeze %dma_start3A_275 : memref<1x256xi32, #tpu.memory_space<vmem>> -> memref<256xi32, #tpu.memory_space<vmem>>
    %dma_start3A_277 = tpu.memref_slice %arg2[%dma_start3A_272, %add3A_271] : memref<200x16384xi32, #tpu.memory_space<hbm>> -> memref<1x256xi32, #tpu.memory_space<hbm>>
    %dma_start3A_278 = tpu.memref_squeeze %dma_start3A_277 : memref<1x256xi32, #tpu.memory_space<hbm>> -> memref<256xi32, #tpu.memory_space<hbm>>
    %dma_start3A_279 = arith.constant 0 : i32
    %dma_start3A_280 = tpu.memref_slice %arg5[%dma_start3A_273, %dma_start3A_279] : memref<4x256xi32, #tpu.memory_space<vmem>> -> memref<1x256xi32, #tpu.memory_space<vmem>>
    %dma_start3A_281 = tpu.memref_squeeze %dma_start3A_280 : memref<1x256xi32, #tpu.memory_space<vmem>> -> memref<256xi32, #tpu.memory_space<vmem>>
    %dma_start3A_282 = tpu.memref_slice %arg2[%dma_start3A_272, %add3A_271] : memref<200x16384xi32, #tpu.memory_space<hbm>> -> memref<1x256xi32, #tpu.memory_space<hbm>>
    %dma_start3A_283 = tpu.memref_squeeze %dma_start3A_282 : memref<1x256xi32, #tpu.memory_space<hbm>> -> memref<256xi32, #tpu.memory_space<hbm>>
    tpu.enqueue_dma source(%dma_start3A_283 : memref<256xi32, #tpu.memory_space<hbm>>) target(%dma_start3A_281 : memref<256xi32, #tpu.memory_space<vmem>>) target_semaphore(%arg11 : memref<!tpu.dma_semaphore, #tpu.memory_space<semaphore_mem>>)
    %dma_wait3A = arith.constant 0 : i32
    %dma_wait3A_284 = arith.constant 0 : i32
    %dma_wait3A_285 = arith.constant 0 : i32
    %dma_wait3A_286 = tpu.memref_slice %arg5[%dma_wait3A_284, %dma_wait3A_285] : memref<4x256xi32, #tpu.memory_space<vmem>> -> memref<1x256xi32, #tpu.memory_space<vmem>>
    %dma_wait3A_287 = tpu.memref_squeeze %dma_wait3A_286 : memref<1x256xi32, #tpu.memory_space<vmem>> -> memref<256xi32, #tpu.memory_space<vmem>>
    %dma_wait3A_288 = arith.constant 0 : i32
    %dma_wait3A_289 = tpu.memref_slice %arg2[%dma_wait3A, %dma_wait3A_288] : memref<200x16384xi32, #tpu.memory_space<hbm>> -> memref<1x256xi32, #tpu.memory_space<hbm>>
    %dma_wait3A_290 = tpu.memref_squeeze %dma_wait3A_289 : memref<1x256xi32, #tpu.memory_space<hbm>> -> memref<256xi32, #tpu.memory_space<hbm>>
    %dma_wait3A_291 = arith.constant 0 : i32
    %dma_wait3A_292 = tpu.memref_slice %arg5[%dma_wait3A_284, %dma_wait3A_291] : memref<4x256xi32, #tpu.memory_space<vmem>> -> memref<1x256xi32, #tpu.memory_space<vmem>>
    %dma_wait3A_293 = tpu.memref_squeeze %dma_wait3A_292 : memref<1x256xi32, #tpu.memory_space<vmem>> -> memref<256xi32, #tpu.memory_space<vmem>>
    %dma_wait3A_294 = arith.constant 0 : i32
    %dma_wait3A_295 = tpu.memref_slice %arg2[%dma_wait3A, %dma_wait3A_294] : memref<200x16384xi32, #tpu.memory_space<hbm>> -> memref<1x256xi32, #tpu.memory_space<hbm>>
    %dma_wait3A_296 = tpu.memref_squeeze %dma_wait3A_295 : memref<1x256xi32, #tpu.memory_space<hbm>> -> memref<256xi32, #tpu.memory_space<hbm>>
    tpu.wait_dma2 semaphore(%arg8 : memref<!tpu.dma_semaphore, #tpu.memory_space<semaphore_mem>>) src(%dma_wait3A_296 : memref<256xi32, #tpu.memory_space<hbm>>) dst(%dma_wait3A_293 : memref<256xi32, #tpu.memory_space<vmem>>)
    %dma_start3A_297 = arith.constant 0 : i32
    %dma_start3A_298 = arith.constant 0 : i32
    %dma_start3A_299 = arith.constant 0 : i32
    %dma_start3A_300 = arith.constant 0 : i32
    %dma_start3A_301 = tpu.memref_slice %arg6[%dma_start3A_298, %dma_start3A_299, %dma_start3A_300] : memref<4x256x64xf32, #tpu.memory_space<vmem>> -> memref<1x128x64xf32, #tpu.memory_space<vmem>>
    %dma_start3A_302 = tpu.memref_squeeze %dma_start3A_301 : memref<1x128x64xf32, #tpu.memory_space<vmem>> -> memref<128x64xf32, #tpu.memory_space<vmem>>
    %dma_start3A_303 = arith.constant 0 : i32
    %dma_start3A_304 = tpu.memref_slice %arg5[%dma_start3A_297, %dma_start3A_303] : memref<4x256xi32, #tpu.memory_space<vmem>> -> memref<1x128xi32, #tpu.memory_space<vmem>>
    %dma_start3A_305 = tpu.memref_squeeze %dma_start3A_304 : memref<1x128xi32, #tpu.memory_space<vmem>> -> memref<128xi32, #tpu.memory_space<vmem>>
    %dma_start3A_306 = arith.constant 0 : i32
    %dma_start3A_307 = arith.constant 0 : i32
    %dma_start3A_308 = tpu.memref_slice %arg3[%dma_start3A_306, %dma_start3A_307] : memref<1000000x64xf32, #tpu.memory_space<hbm>> -> memref<1000000x64xf32, #tpu.memory_space<hbm>>
    tpu.enqueue_indirect_dma source(%dma_start3A_308 : memref<1000000x64xf32, #tpu.memory_space<hbm>>) target(%dma_start3A_302 : memref<128x64xf32, #tpu.memory_space<vmem>>) offsets(%dma_start3A_305 : memref<128xi32, #tpu.memory_space<vmem>>) semaphore(%arg12 : memref<!tpu.dma_semaphore, #tpu.memory_space<semaphore_mem>>)
    %dma_start3A_309 = arith.constant 0 : i32
    %dma_start3A_310 = arith.constant 0 : i32
    %dma_start3A_311 = arith.constant 128 : i32
    %dma_start3A_312 = arith.constant 0 : i32
    %dma_start3A_313 = tpu.memref_slice %arg6[%dma_start3A_310, %dma_start3A_311, %dma_start3A_312] : memref<4x256x64xf32, #tpu.memory_space<vmem>> -> memref<1x128x64xf32, #tpu.memory_space<vmem>>
    %dma_start3A_314 = tpu.memref_squeeze %dma_start3A_313 : memref<1x128x64xf32, #tpu.memory_space<vmem>> -> memref<128x64xf32, #tpu.memory_space<vmem>>
    %dma_start3A_315 = arith.constant 128 : i32
    %dma_start3A_316 = tpu.memref_slice %arg5[%dma_start3A_309, %dma_start3A_315] : memref<4x256xi32, #tpu.memory_space<vmem>> -> memref<1x128xi32, #tpu.memory_space<vmem>>
    %dma_start3A_317 = tpu.memref_squeeze %dma_start3A_316 : memref<1x128xi32, #tpu.memory_space<vmem>> -> memref<128xi32, #tpu.memory_space<vmem>>
    %dma_start3A_318 = arith.constant 0 : i32
    %dma_start3A_319 = arith.constant 0 : i32
    %dma_start3A_320 = tpu.memref_slice %arg3[%dma_start3A_318, %dma_start3A_319] : memref<1000000x64xf32, #tpu.memory_space<hbm>> -> memref<1000000x64xf32, #tpu.memory_space<hbm>>
    tpu.enqueue_indirect_dma source(%dma_start3A_320 : memref<1000000x64xf32, #tpu.memory_space<hbm>>) target(%dma_start3A_314 : memref<128x64xf32, #tpu.memory_space<vmem>>) offsets(%dma_start3A_317 : memref<128xi32, #tpu.memory_space<vmem>>) semaphore(%arg12 : memref<!tpu.dma_semaphore, #tpu.memory_space<semaphore_mem>>)
    %dma_wait3A_321 = arith.constant 0 : i32
    %dma_wait3A_322 = arith.constant 1 : i32
    %dma_wait3A_323 = arith.constant 0 : i32
    %dma_wait3A_324 = tpu.memref_slice %arg5[%dma_wait3A_322, %dma_wait3A_323] : memref<4x256xi32, #tpu.memory_space<vmem>> -> memref<1x256xi32, #tpu.memory_space<vmem>>
    %dma_wait3A_325 = tpu.memref_squeeze %dma_wait3A_324 : memref<1x256xi32, #tpu.memory_space<vmem>> -> memref<256xi32, #tpu.memory_space<vmem>>
    %dma_wait3A_326 = arith.constant 0 : i32
    %dma_wait3A_327 = tpu.memref_slice %arg2[%dma_wait3A_321, %dma_wait3A_326] : memref<200x16384xi32, #tpu.memory_space<hbm>> -> memref<1x256xi32, #tpu.memory_space<hbm>>
    %dma_wait3A_328 = tpu.memref_squeeze %dma_wait3A_327 : memref<1x256xi32, #tpu.memory_space<hbm>> -> memref<256xi32, #tpu.memory_space<hbm>>
    %dma_wait3A_329 = arith.constant 0 : i32
    %dma_wait3A_330 = tpu.memref_slice %arg5[%dma_wait3A_322, %dma_wait3A_329] : memref<4x256xi32, #tpu.memory_space<vmem>> -> memref<1x256xi32, #tpu.memory_space<vmem>>
    %dma_wait3A_331 = tpu.memref_squeeze %dma_wait3A_330 : memref<1x256xi32, #tpu.memory_space<vmem>> -> memref<256xi32, #tpu.memory_space<vmem>>
    %dma_wait3A_332 = arith.constant 0 : i32
    %dma_wait3A_333 = tpu.memref_slice %arg2[%dma_wait3A_321, %dma_wait3A_332] : memref<200x16384xi32, #tpu.memory_space<hbm>> -> memref<1x256xi32, #tpu.memory_space<hbm>>
    %dma_wait3A_334 = tpu.memref_squeeze %dma_wait3A_333 : memref<1x256xi32, #tpu.memory_space<hbm>> -> memref<256xi32, #tpu.memory_space<hbm>>
    tpu.wait_dma2 semaphore(%arg9 : memref<!tpu.dma_semaphore, #tpu.memory_space<semaphore_mem>>) src(%dma_wait3A_334 : memref<256xi32, #tpu.memory_space<hbm>>) dst(%dma_wait3A_331 : memref<256xi32, #tpu.memory_space<vmem>>)
    %dma_start3A_335 = arith.constant 1 : i32
    %dma_start3A_336 = arith.constant 1 : i32
    %dma_start3A_337 = arith.constant 0 : i32
    %dma_start3A_338 = arith.constant 0 : i32
    %dma_start3A_339 = tpu.memref_slice %arg6[%dma_start3A_336, %dma_start3A_337, %dma_start3A_338] : memref<4x256x64xf32, #tpu.memory_space<vmem>> -> memref<1x128x64xf32, #tpu.memory_space<vmem>>
    %dma_start3A_340 = tpu.memref_squeeze %dma_start3A_339 : memref<1x128x64xf32, #tpu.memory_space<vmem>> -> memref<128x64xf32, #tpu.memory_space<vmem>>
    %dma_start3A_341 = arith.constant 0 : i32
    %dma_start3A_342 = tpu.memref_slice %arg5[%dma_start3A_335, %dma_start3A_341] : memref<4x256xi32, #tpu.memory_space<vmem>> -> memref<1x128xi32, #tpu.memory_space<vmem>>
    %dma_start3A_343 = tpu.memref_squeeze %dma_start3A_342 : memref<1x128xi32, #tpu.memory_space<vmem>> -> memref<128xi32, #tpu.memory_space<vmem>>
    %dma_start3A_344 = arith.constant 0 : i32
    %dma_start3A_345 = arith.constant 0 : i32
    %dma_start3A_346 = tpu.memref_slice %arg3[%dma_start3A_344, %dma_start3A_345] : memref<1000000x64xf32, #tpu.memory_space<hbm>> -> memref<1000000x64xf32, #tpu.memory_space<hbm>>
    tpu.enqueue_indirect_dma source(%dma_start3A_346 : memref<1000000x64xf32, #tpu.memory_space<hbm>>) target(%dma_start3A_340 : memref<128x64xf32, #tpu.memory_space<vmem>>) offsets(%dma_start3A_343 : memref<128xi32, #tpu.memory_space<vmem>>) semaphore(%arg13 : memref<!tpu.dma_semaphore, #tpu.memory_space<semaphore_mem>>)
    %dma_start3A_347 = arith.constant 1 : i32
    %dma_start3A_348 = arith.constant 1 : i32
    %dma_start3A_349 = arith.constant 128 : i32
    %dma_start3A_350 = arith.constant 0 : i32
    %dma_start3A_351 = tpu.memref_slice %arg6[%dma_start3A_348, %dma_start3A_349, %dma_start3A_350] : memref<4x256x64xf32, #tpu.memory_space<vmem>> -> memref<1x128x64xf32, #tpu.memory_space<vmem>>
    %dma_start3A_352 = tpu.memref_squeeze %dma_start3A_351 : memref<1x128x64xf32, #tpu.memory_space<vmem>> -> memref<128x64xf32, #tpu.memory_space<vmem>>
    %dma_start3A_353 = arith.constant 128 : i32
    %dma_start3A_354 = tpu.memref_slice %arg5[%dma_start3A_347, %dma_start3A_353] : memref<4x256xi32, #tpu.memory_space<vmem>> -> memref<1x128xi32, #tpu.memory_space<vmem>>
    %dma_start3A_355 = tpu.memref_squeeze %dma_start3A_354 : memref<1x128xi32, #tpu.memory_space<vmem>> -> memref<128xi32, #tpu.memory_space<vmem>>
    %dma_start3A_356 = arith.constant 0 : i32
    %dma_start3A_357 = arith.constant 0 : i32
    %dma_start3A_358 = tpu.memref_slice %arg3[%dma_start3A_356, %dma_start3A_357] : memref<1000000x64xf32, #tpu.memory_space<hbm>> -> memref<1000000x64xf32, #tpu.memory_space<hbm>>
    tpu.enqueue_indirect_dma source(%dma_start3A_358 : memref<1000000x64xf32, #tpu.memory_space<hbm>>) target(%dma_start3A_352 : memref<128x64xf32, #tpu.memory_space<vmem>>) offsets(%dma_start3A_355 : memref<128xi32, #tpu.memory_space<vmem>>) semaphore(%arg13 : memref<!tpu.dma_semaphore, #tpu.memory_space<semaphore_mem>>)
    %scan3A = arith.constant 0 : i32
    %scan3A_359 = arith.constant 0 : i32
    %scan3A_360 = arith.constant 100 : i32
    %scan3A_361 = arith.addi %scan3A_359, %scan3A_360 : i32
    %scan3A_362 = arith.constant 1 : i32
    scf.for %scan3A_456 = %scan3A_359 to %scan3A_361 step %scan3A_362  : i32 {
      %mul3A_457 = arith.constant 4 : i32
      %mul3A_458 = arith.muli %scan3A_456, %mul3A_457 : i32
      %add3A_459 = arith.constant 0 : i32
      %add3A_460 = arith.addi %mul3A_458, %add3A_459 : i32
      %add3A_461 = arith.constant 2 : i32
      %add3A_462 = arith.addi %add3A_460, %add3A_461 : i32
      %lt3A_463 = arith.constant 400 : i32
      %lt3A_464 = arith.cmpi slt, %add3A_462, %lt3A_463 : i32
      %convert_element_type3A = arith.extui %lt3A_464 : i1 to i32
      %cond3A = arith.constant 0 : i32
      %cond3A_465 = arith.cmpi ne, %convert_element_type3A, %cond3A : i32
      scf.if %cond3A_465 {
        %dma_wait3A_840 = arith.constant 0 : i32
        %dma_wait3A_841 = arith.constant 2 : i32
        %dma_wait3A_842 = arith.constant 0 : i32
        %dma_wait3A_843 = tpu.memref_slice %arg5[%dma_wait3A_841, %dma_wait3A_842] : memref<4x256xi32, #tpu.memory_space<vmem>> -> memref<1x256xi32, #tpu.memory_space<vmem>>
        %dma_wait3A_844 = tpu.memref_squeeze %dma_wait3A_843 : memref<1x256xi32, #tpu.memory_space<vmem>> -> memref<256xi32, #tpu.memory_space<vmem>>
        %dma_wait3A_845 = arith.constant 0 : i32
        %dma_wait3A_846 = tpu.memref_slice %arg2[%dma_wait3A_840, %dma_wait3A_845] : memref<200x16384xi32, #tpu.memory_space<hbm>> -> memref<1x256xi32, #tpu.memory_space<hbm>>
        %dma_wait3A_847 = tpu.memref_squeeze %dma_wait3A_846 : memref<1x256xi32, #tpu.memory_space<hbm>> -> memref<256xi32, #tpu.memory_space<hbm>>
        %dma_wait3A_848 = arith.constant 0 : i32
        %dma_wait3A_849 = tpu.memref_slice %arg5[%dma_wait3A_841, %dma_wait3A_848] : memref<4x256xi32, #tpu.memory_space<vmem>> -> memref<1x256xi32, #tpu.memory_space<vmem>>
        %dma_wait3A_850 = tpu.memref_squeeze %dma_wait3A_849 : memref<1x256xi32, #tpu.memory_space<vmem>> -> memref<256xi32, #tpu.memory_space<vmem>>
        %dma_wait3A_851 = arith.constant 0 : i32
        %dma_wait3A_852 = tpu.memref_slice %arg2[%dma_wait3A_840, %dma_wait3A_851] : memref<200x16384xi32, #tpu.memory_space<hbm>> -> memref<1x256xi32, #tpu.memory_space<hbm>>
        %dma_wait3A_853 = tpu.memref_squeeze %dma_wait3A_852 : memref<1x256xi32, #tpu.memory_space<hbm>> -> memref<256xi32, #tpu.memory_space<hbm>>
        tpu.wait_dma2 semaphore(%arg10 : memref<!tpu.dma_semaphore, #tpu.memory_space<semaphore_mem>>) src(%dma_wait3A_853 : memref<256xi32, #tpu.memory_space<hbm>>) dst(%dma_wait3A_850 : memref<256xi32, #tpu.memory_space<vmem>>)
        %add3A_854 = arith.constant 2 : i32
        %add3A_855 = arith.addi %add3A_460, %add3A_854 : i32
        %dma_start3A_856 = arith.constant 2 : i32
        %dma_start3A_857 = arith.constant 2 : i32
        %dma_start3A_858 = arith.constant 0 : i32
        %dma_start3A_859 = arith.constant 0 : i32
        %dma_start3A_860 = tpu.memref_slice %arg6[%dma_start3A_857, %dma_start3A_858, %dma_start3A_859] : memref<4x256x64xf32, #tpu.memory_space<vmem>> -> memref<1x128x64xf32, #tpu.memory_space<vmem>>
        %dma_start3A_861 = tpu.memref_squeeze %dma_start3A_860 : memref<1x128x64xf32, #tpu.memory_space<vmem>> -> memref<128x64xf32, #tpu.memory_space<vmem>>
        %dma_start3A_862 = arith.constant 0 : i32
        %dma_start3A_863 = tpu.memref_slice %arg5[%dma_start3A_856, %dma_start3A_862] : memref<4x256xi32, #tpu.memory_space<vmem>> -> memref<1x128xi32, #tpu.memory_space<vmem>>
        %dma_start3A_864 = tpu.memref_squeeze %dma_start3A_863 : memref<1x128xi32, #tpu.memory_space<vmem>> -> memref<128xi32, #tpu.memory_space<vmem>>
        %dma_start3A_865 = arith.constant 0 : i32
        %dma_start3A_866 = arith.constant 0 : i32
        %dma_start3A_867 = tpu.memref_slice %arg3[%dma_start3A_865, %dma_start3A_866] : memref<1000000x64xf32, #tpu.memory_space<hbm>> -> memref<1000000x64xf32, #tpu.memory_space<hbm>>
        tpu.enqueue_indirect_dma source(%dma_start3A_867 : memref<1000000x64xf32, #tpu.memory_space<hbm>>) target(%dma_start3A_861 : memref<128x64xf32, #tpu.memory_space<vmem>>) offsets(%dma_start3A_864 : memref<128xi32, #tpu.memory_space<vmem>>) semaphore(%arg14 : memref<!tpu.dma_semaphore, #tpu.memory_space<semaphore_mem>>)
        %dma_start3A_868 = arith.constant 2 : i32
        %dma_start3A_869 = arith.constant 2 : i32
        %dma_start3A_870 = arith.constant 128 : i32
        %dma_start3A_871 = arith.constant 0 : i32
        %dma_start3A_872 = tpu.memref_slice %arg6[%dma_start3A_869, %dma_start3A_870, %dma_start3A_871] : memref<4x256x64xf32, #tpu.memory_space<vmem>> -> memref<1x128x64xf32, #tpu.memory_space<vmem>>
        %dma_start3A_873 = tpu.memref_squeeze %dma_start3A_872 : memref<1x128x64xf32, #tpu.memory_space<vmem>> -> memref<128x64xf32, #tpu.memory_space<vmem>>
        %dma_start3A_874 = arith.constant 128 : i32
        %dma_start3A_875 = tpu.memref_slice %arg5[%dma_start3A_868, %dma_start3A_874] : memref<4x256xi32, #tpu.memory_space<vmem>> -> memref<1x128xi32, #tpu.memory_space<vmem>>
        %dma_start3A_876 = tpu.memref_squeeze %dma_start3A_875 : memref<1x128xi32, #tpu.memory_space<vmem>> -> memref<128xi32, #tpu.memory_space<vmem>>
        %dma_start3A_877 = arith.constant 0 : i32
        %dma_start3A_878 = arith.constant 0 : i32
        %dma_start3A_879 = tpu.memref_slice %arg3[%dma_start3A_877, %dma_start3A_878] : memref<1000000x64xf32, #tpu.memory_space<hbm>> -> memref<1000000x64xf32, #tpu.memory_space<hbm>>
        tpu.enqueue_indirect_dma source(%dma_start3A_879 : memref<1000000x64xf32, #tpu.memory_space<hbm>>) target(%dma_start3A_873 : memref<128x64xf32, #tpu.memory_space<vmem>>) offsets(%dma_start3A_876 : memref<128xi32, #tpu.memory_space<vmem>>) semaphore(%arg14 : memref<!tpu.dma_semaphore, #tpu.memory_space<semaphore_mem>>)
      } else {
      }
      %dma_wait3A_466 = arith.constant 0 : i32
      %dma_wait3A_467 = arith.constant 0 : i32
      %dma_wait3A_468 = arith.constant 0 : i32
      %dma_wait3A_469 = tpu.memref_slice %arg6[%dma_wait3A_466, %dma_wait3A_467, %dma_wait3A_468] : memref<4x256x64xf32, #tpu.memory_space<vmem>> -> memref<1x256x64xf32, #tpu.memory_space<vmem>>
      %dma_wait3A_470 = tpu.memref_squeeze %dma_wait3A_469 : memref<1x256x64xf32, #tpu.memory_space<vmem>> -> memref<256x64xf32, #tpu.memory_space<vmem>>
      %dma_wait3A_471 = arith.constant 0 : i32
      %dma_wait3A_472 = arith.constant 0 : i32
      %dma_wait3A_473 = tpu.memref_slice %arg3[%dma_wait3A_471, %dma_wait3A_472] : memref<1000000x64xf32, #tpu.memory_space<hbm>> -> memref<256x64xf32, #tpu.memory_space<hbm>>
      %dma_wait3A_474 = arith.constant 0 : i32
      %dma_wait3A_475 = arith.constant 0 : i32
      %dma_wait3A_476 = tpu.memref_slice %arg6[%dma_wait3A_466, %dma_wait3A_474, %dma_wait3A_475] : memref<4x256x64xf32, #tpu.memory_space<vmem>> -> memref<1x256x64xf32, #tpu.memory_space<vmem>>
      %dma_wait3A_477 = tpu.memref_squeeze %dma_wait3A_476 : memref<1x256x64xf32, #tpu.memory_space<vmem>> -> memref<256x64xf32, #tpu.memory_space<vmem>>
      %dma_wait3A_478 = arith.constant 0 : i32
      %dma_wait3A_479 = arith.constant 0 : i32
      %dma_wait3A_480 = tpu.memref_slice %arg3[%dma_wait3A_478, %dma_wait3A_479] : memref<1000000x64xf32, #tpu.memory_space<hbm>> -> memref<256x64xf32, #tpu.memory_space<hbm>>
      tpu.wait_dma2 semaphore(%arg12 : memref<!tpu.dma_semaphore, #tpu.memory_space<semaphore_mem>>) src(%dma_wait3A_480 : memref<256x64xf32, #tpu.memory_space<hbm>>) dst(%dma_wait3A_477 : memref<256x64xf32, #tpu.memory_space<vmem>>)
      %add3A_481 = arith.constant 4 : i32
      %add3A_482 = arith.addi %add3A_460, %add3A_481 : i32
      %lt3A_483 = arith.constant 400 : i32
      %lt3A_484 = arith.cmpi slt, %add3A_482, %lt3A_483 : i32
      %convert_element_type3A_485 = arith.extui %lt3A_484 : i1 to i32
      %cond3A_486 = arith.constant 0 : i32
      %cond3A_487 = arith.cmpi ne, %convert_element_type3A_485, %cond3A_486 : i32
      scf.if %cond3A_487 {
        %add3A_840 = arith.constant 4 : i32
        %add3A_841 = arith.addi %add3A_460, %add3A_840 : i32
        %shift_right_arithmetic3A_842 = arith.constant 1 : i32
        %shift_right_arithmetic3A_843 = arith.shrsi %add3A_841, %shift_right_arithmetic3A_842 : i32
        %and3A_844 = arith.constant 1 : i32
        %and3A_845 = arith.andi %add3A_841, %and3A_844 : i32
        %mul3A_846 = arith.constant 256 : i32
        %mul3A_847 = arith.muli %and3A_845, %mul3A_846 : i32
        %add3A_848 = arith.addi %mul3A_2, %mul3A_847 : i32
        %dma_start3A_849 = arith.constant 0 : i32
        %dma_start3A_850 = arith.constant 0 : i32
        %dma_start3A_851 = tpu.memref_slice %arg5[%dma_start3A_849, %dma_start3A_850] : memref<4x256xi32, #tpu.memory_space<vmem>> -> memref<1x256xi32, #tpu.memory_space<vmem>>
        %dma_start3A_852 = tpu.memref_squeeze %dma_start3A_851 : memref<1x256xi32, #tpu.memory_space<vmem>> -> memref<256xi32, #tpu.memory_space<vmem>>
        %dma_start3A_853 = tpu.memref_slice %arg2[%shift_right_arithmetic3A_843, %add3A_848] : memref<200x16384xi32, #tpu.memory_space<hbm>> -> memref<1x256xi32, #tpu.memory_space<hbm>>
        %dma_start3A_854 = tpu.memref_squeeze %dma_start3A_853 : memref<1x256xi32, #tpu.memory_space<hbm>> -> memref<256xi32, #tpu.memory_space<hbm>>
        %dma_start3A_855 = arith.constant 0 : i32
        %dma_start3A_856 = tpu.memref_slice %arg5[%dma_start3A_849, %dma_start3A_855] : memref<4x256xi32, #tpu.memory_space<vmem>> -> memref<1x256xi32, #tpu.memory_space<vmem>>
        %dma_start3A_857 = tpu.memref_squeeze %dma_start3A_856 : memref<1x256xi32, #tpu.memory_space<vmem>> -> memref<256xi32, #tpu.memory_space<vmem>>
        %dma_start3A_858 = tpu.memref_slice %arg2[%shift_right_arithmetic3A_843, %add3A_848] : memref<200x16384xi32, #tpu.memory_space<hbm>> -> memref<1x256xi32, #tpu.memory_space<hbm>>
        %dma_start3A_859 = tpu.memref_squeeze %dma_start3A_858 : memref<1x256xi32, #tpu.memory_space<hbm>> -> memref<256xi32, #tpu.memory_space<hbm>>
        tpu.enqueue_dma source(%dma_start3A_859 : memref<256xi32, #tpu.memory_space<hbm>>) target(%dma_start3A_857 : memref<256xi32, #tpu.memory_space<vmem>>) target_semaphore(%arg8 : memref<!tpu.dma_semaphore, #tpu.memory_space<semaphore_mem>>)
      } else {
      }
      %ge3A = arith.constant 2 : i32
      %ge3A_488 = arith.cmpi sge, %add3A_460, %ge3A : i32
      %convert_element_type3A_489 = arith.extui %ge3A_488 : i1 to i32
      %cond3A_490 = arith.constant 0 : i32
      %cond3A_491 = arith.cmpi ne, %convert_element_type3A_489, %cond3A_490 : i32
      scf.if %cond3A_491 {
        %dma_wait3A_840 = arith.constant 0 : i32
        %dma_wait3A_841 = arith.constant 0 : i32
        %dma_wait3A_842 = arith.constant 0 : i32
        %dma_wait3A_843 = arith.constant 0 : i32
        %dma_wait3A_844 = arith.constant 0 : i32
        %dma_wait3A_845 = arith.constant 0 : i32
        %dma_wait3A_846 = tpu.memref_slice %arg7[%dma_wait3A_840, %dma_wait3A_843, %dma_wait3A_844, %dma_wait3A_845] : memref<2x8x8x257xf32, #tpu.memory_space<vmem>> -> memref<1x8x8x128xf32, #tpu.memory_space<vmem>>
        %dma_wait3A_847 = tpu.memref_squeeze %dma_wait3A_846 : memref<1x8x8x128xf32, #tpu.memory_space<vmem>> -> memref<8x8x128xf32, #tpu.memory_space<vmem>>
        %dma_wait3A_848 = arith.constant 0 : i32
        %dma_wait3A_849 = arith.constant 0 : i32
        %dma_wait3A_850 = arith.constant 0 : i32
        %dma_wait3A_851 = tpu.memref_slice %arg4[%dma_wait3A_841, %dma_wait3A_848, %dma_wait3A_842, %dma_wait3A_849, %dma_wait3A_850] : memref<200x8x128x8x128xf32, #tpu.memory_space<hbm>> -> memref<1x8x1x8x128xf32, #tpu.memory_space<hbm>>
        %dma_wait3A_852 = tpu.memref_squeeze %dma_wait3A_851 : memref<1x8x1x8x128xf32, #tpu.memory_space<hbm>> -> memref<8x8x128xf32, #tpu.memory_space<hbm>>
        %dma_wait3A_853 = arith.constant 0 : i32
        %dma_wait3A_854 = arith.constant 0 : i32
        %dma_wait3A_855 = arith.constant 0 : i32
        %dma_wait3A_856 = tpu.memref_slice %arg4[%dma_wait3A_841, %dma_wait3A_853, %dma_wait3A_842, %dma_wait3A_854, %dma_wait3A_855] : memref<200x8x128x8x128xf32, #tpu.memory_space<hbm>> -> memref<1x8x1x8x128xf32, #tpu.memory_space<hbm>>
        %dma_wait3A_857 = tpu.memref_squeeze %dma_wait3A_856 : memref<1x8x1x8x128xf32, #tpu.memory_space<hbm>> -> memref<8x8x128xf32, #tpu.memory_space<hbm>>
        %dma_wait3A_858 = arith.constant 0 : i32
        %dma_wait3A_859 = arith.constant 0 : i32
        %dma_wait3A_860 = arith.constant 0 : i32
        %dma_wait3A_861 = tpu.memref_slice %arg7[%dma_wait3A_840, %dma_wait3A_858, %dma_wait3A_859, %dma_wait3A_860] : memref<2x8x8x257xf32, #tpu.memory_space<vmem>> -> memref<1x8x8x128xf32, #tpu.memory_space<vmem>>
        %dma_wait3A_862 = tpu.memref_squeeze %dma_wait3A_861 : memref<1x8x8x128xf32, #tpu.memory_space<vmem>> -> memref<8x8x128xf32, #tpu.memory_space<vmem>>
        tpu.wait_dma2 semaphore(%arg16 : memref<!tpu.dma_semaphore, #tpu.memory_space<semaphore_mem>>) src(%dma_wait3A_862 : memref<8x8x128xf32, #tpu.memory_space<vmem>>) dst(%dma_wait3A_857 : memref<8x8x128xf32, #tpu.memory_space<hbm>>)
        %dma_wait3A_863 = arith.constant 0 : i32
        %dma_wait3A_864 = arith.constant 0 : i32
        %dma_wait3A_865 = arith.constant 0 : i32
        %dma_wait3A_866 = arith.constant 0 : i32
        %dma_wait3A_867 = arith.constant 0 : i32
        %dma_wait3A_868 = arith.constant 128 : i32
        %dma_wait3A_869 = tpu.memref_slice %arg7[%dma_wait3A_863, %dma_wait3A_866, %dma_wait3A_867, %dma_wait3A_868] : memref<2x8x8x257xf32, #tpu.memory_space<vmem>> -> memref<1x8x8x128xf32, #tpu.memory_space<vmem>>
        %dma_wait3A_870 = tpu.memref_squeeze %dma_wait3A_869 : memref<1x8x8x128xf32, #tpu.memory_space<vmem>> -> memref<8x8x128xf32, #tpu.memory_space<vmem>>
        %dma_wait3A_871 = arith.constant 0 : i32
        %dma_wait3A_872 = arith.constant 0 : i32
        %dma_wait3A_873 = arith.constant 0 : i32
        %dma_wait3A_874 = tpu.memref_slice %arg4[%dma_wait3A_864, %dma_wait3A_871, %dma_wait3A_865, %dma_wait3A_872, %dma_wait3A_873] : memref<200x8x128x8x128xf32, #tpu.memory_space<hbm>> -> memref<1x8x1x8x128xf32, #tpu.memory_space<hbm>>
        %dma_wait3A_875 = tpu.memref_squeeze %dma_wait3A_874 : memref<1x8x1x8x128xf32, #tpu.memory_space<hbm>> -> memref<8x8x128xf32, #tpu.memory_space<hbm>>
        %dma_wait3A_876 = arith.constant 0 : i32
        %dma_wait3A_877 = arith.constant 0 : i32
        %dma_wait3A_878 = arith.constant 0 : i32
        %dma_wait3A_879 = tpu.memref_slice %arg4[%dma_wait3A_864, %dma_wait3A_876, %dma_wait3A_865, %dma_wait3A_877, %dma_wait3A_878] : memref<200x8x128x8x128xf32, #tpu.memory_space<hbm>> -> memref<1x8x1x8x128xf32, #tpu.memory_space<hbm>>
        %dma_wait3A_880 = tpu.memref_squeeze %dma_wait3A_879 : memref<1x8x1x8x128xf32, #tpu.memory_space<hbm>> -> memref<8x8x128xf32, #tpu.memory_space<hbm>>
        %dma_wait3A_881 = arith.constant 0 : i32
        %dma_wait3A_882 = arith.constant 0 : i32
        %dma_wait3A_883 = arith.constant 128 : i32
        %dma_wait3A_884 = tpu.memref_slice %arg7[%dma_wait3A_863, %dma_wait3A_881, %dma_wait3A_882, %dma_wait3A_883] : memref<2x8x8x257xf32, #tpu.memory_space<vmem>> -> memref<1x8x8x128xf32, #tpu.memory_space<vmem>>
        %dma_wait3A_885 = tpu.memref_squeeze %dma_wait3A_884 : memref<1x8x8x128xf32, #tpu.memory_space<vmem>> -> memref<8x8x128xf32, #tpu.memory_space<vmem>>
        tpu.wait_dma2 semaphore(%arg16 : memref<!tpu.dma_semaphore, #tpu.memory_space<semaphore_mem>>) src(%dma_wait3A_885 : memref<8x8x128xf32, #tpu.memory_space<vmem>>) dst(%dma_wait3A_880 : memref<8x8x128xf32, #tpu.memory_space<hbm>>)
      } else {
      }
      %parallel_loop3A = arith.constant 0 : i32
      %parallel_loop3A_492 = arith.constant 256 : i32
      %parallel_loop3A_493 = arith.constant 1 : i32
      %parallel_loop3A_494 = arith.constant 0 : i32
      scf.for %parallel_loop3A_840 = %parallel_loop3A to %parallel_loop3A_492 step %parallel_loop3A_493  : i32 {
        %parallel_loop3A_841 = vector.broadcast %parallel_loop3A_840 : i32 to vector<16xi32>
        %parallel_loop3A_842 = arith.constant 0 : i32
        %parallel_loop3A_843 = arith.index_cast %parallel_loop3A_842 : i32 to index
        %parallel_loop3A_844 = arith.index_cast %parallel_loop3A_840 : i32 to index
        %parallel_loop3A_845 = arith.constant 0 : index
        %parallel_loop3A_846 = tpu.vector_load %arg6[%parallel_loop3A_843, %parallel_loop3A_844, %parallel_loop3A_845] {strides = array<i32>} : memref<4x256x64xf32, #tpu.memory_space<vmem>>, vector<16xf32>,
        %parallel_loop3A_847 = arith.constant 8.000000e+00 : f32
        %parallel_loop3A_848 = vector.broadcast %parallel_loop3A_847 : f32 to vector<16xf32>
        %parallel_loop3A_849 = arith.mulf %parallel_loop3A_846, %parallel_loop3A_848 : vector<16xf32>
        %parallel_loop3A_850 = arith.constant 0 : i32
        %parallel_loop3A_851 = arith.constant 0 : i32
        %parallel_loop3A_852 = arith.constant 0 : i32
        %parallel_loop3A_853 = tpu.memref_slice %arg7[%parallel_loop3A_494, %parallel_loop3A_850, %parallel_loop3A_851, %parallel_loop3A_852] : memref<2x8x8x257xf32, #tpu.memory_space<vmem>> -> memref<1x8x8x257xf32, #tpu.memory_space<vmem>>
        %parallel_loop3A_854 = tpu.memref_squeeze %parallel_loop3A_853 : memref<1x8x8x257xf32, #tpu.memory_space<vmem>> -> memref<8x8x257xf32, #tpu.memory_space<vmem>>
        tpu.vector_store_idx %parallel_loop3A_854[%select_n3A, %select_n3A_51, %parallel_loop3A_841], %parallel_loop3A_849 : memref<8x8x257xf32, #tpu.memory_space<vmem>>[vector<16xi32>, vector<16xi32>, vector<16xi32>], vector<16xf32>,
        %parallel_loop3A_855 = arith.constant 0 : i32
        %parallel_loop3A_856 = arith.index_cast %parallel_loop3A_855 : i32 to index
        %parallel_loop3A_857 = arith.index_cast %parallel_loop3A_840 : i32 to index
        %parallel_loop3A_858 = arith.constant 16 : index
        %parallel_loop3A_859 = tpu.vector_load %arg6[%parallel_loop3A_856, %parallel_loop3A_857, %parallel_loop3A_858] {strides = array<i32>} : memref<4x256x64xf32, #tpu.memory_space<vmem>>, vector<16xf32>,
        %parallel_loop3A_860 = arith.constant 8.000000e+00 : f32
        %parallel_loop3A_861 = vector.broadcast %parallel_loop3A_860 : f32 to vector<16xf32>
        %parallel_loop3A_862 = arith.mulf %parallel_loop3A_859, %parallel_loop3A_861 : vector<16xf32>
        %parallel_loop3A_863 = arith.constant 0 : i32
        %parallel_loop3A_864 = arith.constant 0 : i32
        %parallel_loop3A_865 = arith.constant 0 : i32
        %parallel_loop3A_866 = tpu.memref_slice %arg7[%parallel_loop3A_494, %parallel_loop3A_863, %parallel_loop3A_864, %parallel_loop3A_865] : memref<2x8x8x257xf32, #tpu.memory_space<vmem>> -> memref<1x8x8x257xf32, #tpu.memory_space<vmem>>
        %parallel_loop3A_867 = tpu.memref_squeeze %parallel_loop3A_866 : memref<1x8x8x257xf32, #tpu.memory_space<vmem>> -> memref<8x8x257xf32, #tpu.memory_space<vmem>>
        tpu.vector_store_idx %parallel_loop3A_867[%select_n3A_85, %select_n3A_110, %parallel_loop3A_841], %parallel_loop3A_862 : memref<8x8x257xf32, #tpu.memory_space<vmem>>[vector<16xi32>, vector<16xi32>, vector<16xi32>], vector<16xf32>,
        %parallel_loop3A_868 = arith.constant 0 : i32
        %parallel_loop3A_869 = arith.index_cast %parallel_loop3A_868 : i32 to index
        %parallel_loop3A_870 = arith.index_cast %parallel_loop3A_840 : i32 to index
        %parallel_loop3A_871 = arith.constant 32 : index
        %parallel_loop3A_872 = tpu.vector_load %arg6[%parallel_loop3A_869, %parallel_loop3A_870, %parallel_loop3A_871] {strides = array<i32>} : memref<4x256x64xf32, #tpu.memory_space<vmem>>, vector<16xf32>,
        %parallel_loop3A_873 = arith.constant 8.000000e+00 : f32
        %parallel_loop3A_874 = vector.broadcast %parallel_loop3A_873 : f32 to vector<16xf32>
        %parallel_loop3A_875 = arith.mulf %parallel_loop3A_872, %parallel_loop3A_874 : vector<16xf32>
        %parallel_loop3A_876 = arith.constant 0 : i32
        %parallel_loop3A_877 = arith.constant 0 : i32
        %parallel_loop3A_878 = arith.constant 0 : i32
        %parallel_loop3A_879 = tpu.memref_slice %arg7[%parallel_loop3A_494, %parallel_loop3A_876, %parallel_loop3A_877, %parallel_loop3A_878] : memref<2x8x8x257xf32, #tpu.memory_space<vmem>> -> memref<1x8x8x257xf32, #tpu.memory_space<vmem>>
        %parallel_loop3A_880 = tpu.memref_squeeze %parallel_loop3A_879 : memref<1x8x8x257xf32, #tpu.memory_space<vmem>> -> memref<8x8x257xf32, #tpu.memory_space<vmem>>
        tpu.vector_store_idx %parallel_loop3A_880[%select_n3A_144, %select_n3A_169, %parallel_loop3A_841], %parallel_loop3A_875 : memref<8x8x257xf32, #tpu.memory_space<vmem>>[vector<16xi32>, vector<16xi32>, vector<16xi32>], vector<16xf32>,
        %parallel_loop3A_881 = arith.constant 0 : i32
        %parallel_loop3A_882 = arith.index_cast %parallel_loop3A_881 : i32 to index
        %parallel_loop3A_883 = arith.index_cast %parallel_loop3A_840 : i32 to index
        %parallel_loop3A_884 = arith.constant 48 : index
        %parallel_loop3A_885 = tpu.vector_load %arg6[%parallel_loop3A_882, %parallel_loop3A_883, %parallel_loop3A_884] {strides = array<i32>} : memref<4x256x64xf32, #tpu.memory_space<vmem>>, vector<16xf32>,
        %parallel_loop3A_886 = arith.constant 8.000000e+00 : f32
        %parallel_loop3A_887 = vector.broadcast %parallel_loop3A_886 : f32 to vector<16xf32>
        %parallel_loop3A_888 = arith.mulf %parallel_loop3A_885, %parallel_loop3A_887 : vector<16xf32>
        %parallel_loop3A_889 = arith.constant 0 : i32
        %parallel_loop3A_890 = arith.constant 0 : i32
        %parallel_loop3A_891 = arith.constant 0 : i32
        %parallel_loop3A_892 = tpu.memref_slice %arg7[%parallel_loop3A_494, %parallel_loop3A_889, %parallel_loop3A_890, %parallel_loop3A_891] : memref<2x8x8x257xf32, #tpu.memory_space<vmem>> -> memref<1x8x8x257xf32, #tpu.memory_space<vmem>>
        %parallel_loop3A_893 = tpu.memref_squeeze %parallel_loop3A_892 : memref<1x8x8x257xf32, #tpu.memory_space<vmem>> -> memref<8x8x257xf32, #tpu.memory_space<vmem>>
        tpu.vector_store_idx %parallel_loop3A_893[%select_n3A_203, %select_n3A_228, %parallel_loop3A_841], %parallel_loop3A_888 : memref<8x8x257xf32, #tpu.memory_space<vmem>>[vector<16xi32>, vector<16xi32>, vector<16xi32>], vector<16xf32>,
      } {sc.loop_unroll_factor = 4 : i64, sc.parallel_access}
      %shift_right_arithmetic3A = arith.constant 1 : i32
      %shift_right_arithmetic3A_495 = arith.shrsi %add3A_460, %shift_right_arithmetic3A : i32
      %mul3A_496 = arith.constant 4 : i32
      %mul3A_497 = arith.muli %add3A, %mul3A_496 : i32
      %and3A_498 = arith.constant 1 : i32
      %and3A_499 = arith.andi %add3A_460, %and3A_498 : i32
      %mul3A_500 = arith.constant 2 : i32
      %mul3A_501 = arith.muli %and3A_499, %mul3A_500 : i32
      %add3A_502 = arith.addi %mul3A_497, %mul3A_501 : i32
      %add3A_503 = arith.constant 0 : i32
      %add3A_504 = arith.addi %add3A_502, %add3A_503 : i32
      %dma_start3A_505 = arith.constant 0 : i32
      %dma_start3A_506 = arith.constant 0 : i32
      %dma_start3A_507 = arith.constant 0 : i32
      %dma_start3A_508 = arith.constant 0 : i32
      %dma_start3A_509 = tpu.memref_slice %arg7[%dma_start3A_505, %dma_start3A_506, %dma_start3A_507, %dma_start3A_508] : memref<2x8x8x257xf32, #tpu.memory_space<vmem>> -> memref<1x8x8x128xf32, #tpu.memory_space<vmem>>
      %dma_start3A_510 = tpu.memref_squeeze %dma_start3A_509 : memref<1x8x8x128xf32, #tpu.memory_space<vmem>> -> memref<8x8x128xf32, #tpu.memory_space<vmem>>
      %dma_start3A_511 = arith.constant 0 : i32
      %dma_start3A_512 = arith.constant 0 : i32
      %dma_start3A_513 = arith.constant 0 : i32
      %dma_start3A_514 = tpu.memref_slice %arg4[%shift_right_arithmetic3A_495, %dma_start3A_511, %add3A_504, %dma_start3A_512, %dma_start3A_513] : memref<200x8x128x8x128xf32, #tpu.memory_space<hbm>> -> memref<1x8x1x8x128xf32, #tpu.memory_space<hbm>>
      %dma_start3A_515 = tpu.memref_squeeze %dma_start3A_514 : memref<1x8x1x8x128xf32, #tpu.memory_space<hbm>> -> memref<8x8x128xf32, #tpu.memory_space<hbm>>
      %dma_start3A_516 = arith.constant 0 : i32
      %dma_start3A_517 = arith.constant 0 : i32
      %dma_start3A_518 = arith.constant 0 : i32
      %dma_start3A_519 = tpu.memref_slice %arg4[%shift_right_arithmetic3A_495, %dma_start3A_516, %add3A_504, %dma_start3A_517, %dma_start3A_518] : memref<200x8x128x8x128xf32, #tpu.memory_space<hbm>> -> memref<1x8x1x8x128xf32, #tpu.memory_space<hbm>>
      %dma_start3A_520 = tpu.memref_squeeze %dma_start3A_519 : memref<1x8x1x8x128xf32, #tpu.memory_space<hbm>> -> memref<8x8x128xf32, #tpu.memory_space<hbm>>
      %dma_start3A_521 = arith.constant 0 : i32
      %dma_start3A_522 = arith.constant 0 : i32
      %dma_start3A_523 = arith.constant 0 : i32
      %dma_start3A_524 = tpu.memref_slice %arg7[%dma_start3A_505, %dma_start3A_521, %dma_start3A_522, %dma_start3A_523] : memref<2x8x8x257xf32, #tpu.memory_space<vmem>> -> memref<1x8x8x128xf32, #tpu.memory_space<vmem>>
      %dma_start3A_525 = tpu.memref_squeeze %dma_start3A_524 : memref<1x8x8x128xf32, #tpu.memory_space<vmem>> -> memref<8x8x128xf32, #tpu.memory_space<vmem>>
      tpu.enqueue_dma source(%dma_start3A_525 : memref<8x8x128xf32, #tpu.memory_space<vmem>>) target(%dma_start3A_520 : memref<8x8x128xf32, #tpu.memory_space<hbm>>) target_semaphore(%arg16 : memref<!tpu.dma_semaphore, #tpu.memory_space<semaphore_mem>>)
      %add3A_526 = arith.constant 1 : i32
      %add3A_527 = arith.addi %add3A_502, %add3A_526 : i32
      %dma_start3A_528 = arith.constant 0 : i32
      %dma_start3A_529 = arith.constant 0 : i32
      %dma_start3A_530 = arith.constant 0 : i32
      %dma_start3A_531 = arith.constant 128 : i32
      %dma_start3A_532 = tpu.memref_slice %arg7[%dma_start3A_528, %dma_start3A_529, %dma_start3A_530, %dma_start3A_531] : memref<2x8x8x257xf32, #tpu.memory_space<vmem>> -> memref<1x8x8x128xf32, #tpu.memory_space<vmem>>
      %dma_start3A_533 = tpu.memref_squeeze %dma_start3A_532 : memref<1x8x8x128xf32, #tpu.memory_space<vmem>> -> memref<8x8x128xf32, #tpu.memory_space<vmem>>
      %dma_start3A_534 = arith.constant 0 : i32
      %dma_start3A_535 = arith.constant 0 : i32
      %dma_start3A_536 = arith.constant 0 : i32
      %dma_start3A_537 = tpu.memref_slice %arg4[%shift_right_arithmetic3A_495, %dma_start3A_534, %add3A_527, %dma_start3A_535, %dma_start3A_536] : memref<200x8x128x8x128xf32, #tpu.memory_space<hbm>> -> memref<1x8x1x8x128xf32, #tpu.memory_space<hbm>>
      %dma_start3A_538 = tpu.memref_squeeze %dma_start3A_537 : memref<1x8x1x8x128xf32, #tpu.memory_space<hbm>> -> memref<8x8x128xf32, #tpu.memory_space<hbm>>
      %dma_start3A_539 = arith.constant 0 : i32
      %dma_start3A_540 = arith.constant 0 : i32
      %dma_start3A_541 = arith.constant 0 : i32
      %dma_start3A_542 = tpu.memref_slice %arg4[%shift_right_arithmetic3A_495, %dma_start3A_539, %add3A_527, %dma_start3A_540, %dma_start3A_541] : memref<200x8x128x8x128xf32, #tpu.memory_space<hbm>> -> memref<1x8x1x8x128xf32, #tpu.memory_space<hbm>>
      %dma_start3A_543 = tpu.memref_squeeze %dma_start3A_542 : memref<1x8x1x8x128xf32, #tpu.memory_space<hbm>> -> memref<8x8x128xf32, #tpu.memory_space<hbm>>
      %dma_start3A_544 = arith.constant 0 : i32
      %dma_start3A_545 = arith.constant 0 : i32
      %dma_start3A_546 = arith.constant 128 : i32
      %dma_start3A_547 = tpu.memref_slice %arg7[%dma_start3A_528, %dma_start3A_544, %dma_start3A_545, %dma_start3A_546] : memref<2x8x8x257xf32, #tpu.memory_space<vmem>> -> memref<1x8x8x128xf32, #tpu.memory_space<vmem>>
      %dma_start3A_548 = tpu.memref_squeeze %dma_start3A_547 : memref<1x8x8x128xf32, #tpu.memory_space<vmem>> -> memref<8x8x128xf32, #tpu.memory_space<vmem>>
      tpu.enqueue_dma source(%dma_start3A_548 : memref<8x8x128xf32, #tpu.memory_space<vmem>>) target(%dma_start3A_543 : memref<8x8x128xf32, #tpu.memory_space<hbm>>) target_semaphore(%arg16 : memref<!tpu.dma_semaphore, #tpu.memory_space<semaphore_mem>>)
      %mul3A_549 = arith.constant 4 : i32
      %mul3A_550 = arith.muli %scan3A_456, %mul3A_549 : i32
      %add3A_551 = arith.constant 1 : i32
      %add3A_552 = arith.addi %mul3A_550, %add3A_551 : i32
      %add3A_553 = arith.constant 2 : i32
      %add3A_554 = arith.addi %add3A_552, %add3A_553 : i32
      %lt3A_555 = arith.constant 400 : i32
      %lt3A_556 = arith.cmpi slt, %add3A_554, %lt3A_555 : i32
      %convert_element_type3A_557 = arith.extui %lt3A_556 : i1 to i32
      %cond3A_558 = arith.constant 0 : i32
      %cond3A_559 = arith.cmpi ne, %convert_element_type3A_557, %cond3A_558 : i32
      scf.if %cond3A_559 {
        %dma_wait3A_840 = arith.constant 0 : i32
        %dma_wait3A_841 = arith.constant 3 : i32
        %dma_wait3A_842 = arith.constant 0 : i32
        %dma_wait3A_843 = tpu.memref_slice %arg5[%dma_wait3A_841, %dma_wait3A_842] : memref<4x256xi32, #tpu.memory_space<vmem>> -> memref<1x256xi32, #tpu.memory_space<vmem>>
        %dma_wait3A_844 = tpu.memref_squeeze %dma_wait3A_843 : memref<1x256xi32, #tpu.memory_space<vmem>> -> memref<256xi32, #tpu.memory_space<vmem>>
        %dma_wait3A_845 = arith.constant 0 : i32
        %dma_wait3A_846 = tpu.memref_slice %arg2[%dma_wait3A_840, %dma_wait3A_845] : memref<200x16384xi32, #tpu.memory_space<hbm>> -> memref<1x256xi32, #tpu.memory_space<hbm>>
        %dma_wait3A_847 = tpu.memref_squeeze %dma_wait3A_846 : memref<1x256xi32, #tpu.memory_space<hbm>> -> memref<256xi32, #tpu.memory_space<hbm>>
        %dma_wait3A_848 = arith.constant 0 : i32
        %dma_wait3A_849 = tpu.memref_slice %arg5[%dma_wait3A_841, %dma_wait3A_848] : memref<4x256xi32, #tpu.memory_space<vmem>> -> memref<1x256xi32, #tpu.memory_space<vmem>>
        %dma_wait3A_850 = tpu.memref_squeeze %dma_wait3A_849 : memref<1x256xi32, #tpu.memory_space<vmem>> -> memref<256xi32, #tpu.memory_space<vmem>>
        %dma_wait3A_851 = arith.constant 0 : i32
        %dma_wait3A_852 = tpu.memref_slice %arg2[%dma_wait3A_840, %dma_wait3A_851] : memref<200x16384xi32, #tpu.memory_space<hbm>> -> memref<1x256xi32, #tpu.memory_space<hbm>>
        %dma_wait3A_853 = tpu.memref_squeeze %dma_wait3A_852 : memref<1x256xi32, #tpu.memory_space<hbm>> -> memref<256xi32, #tpu.memory_space<hbm>>
        tpu.wait_dma2 semaphore(%arg11 : memref<!tpu.dma_semaphore, #tpu.memory_space<semaphore_mem>>) src(%dma_wait3A_853 : memref<256xi32, #tpu.memory_space<hbm>>) dst(%dma_wait3A_850 : memref<256xi32, #tpu.memory_space<vmem>>)
        %add3A_854 = arith.constant 2 : i32
        %add3A_855 = arith.addi %add3A_552, %add3A_854 : i32
        %dma_start3A_856 = arith.constant 3 : i32
        %dma_start3A_857 = arith.constant 3 : i32
        %dma_start3A_858 = arith.constant 0 : i32
        %dma_start3A_859 = arith.constant 0 : i32
        %dma_start3A_860 = tpu.memref_slice %arg6[%dma_start3A_857, %dma_start3A_858, %dma_start3A_859] : memref<4x256x64xf32, #tpu.memory_space<vmem>> -> memref<1x128x64xf32, #tpu.memory_space<vmem>>
        %dma_start3A_861 = tpu.memref_squeeze %dma_start3A_860 : memref<1x128x64xf32, #tpu.memory_space<vmem>> -> memref<128x64xf32, #tpu.memory_space<vmem>>
        %dma_start3A_862 = arith.constant 0 : i32
        %dma_start3A_863 = tpu.memref_slice %arg5[%dma_start3A_856, %dma_start3A_862] : memref<4x256xi32, #tpu.memory_space<vmem>> -> memref<1x128xi32, #tpu.memory_space<vmem>>
        %dma_start3A_864 = tpu.memref_squeeze %dma_start3A_863 : memref<1x128xi32, #tpu.memory_space<vmem>> -> memref<128xi32, #tpu.memory_space<vmem>>
        %dma_start3A_865 = arith.constant 0 : i32
        %dma_start3A_866 = arith.constant 0 : i32
        %dma_start3A_867 = tpu.memref_slice %arg3[%dma_start3A_865, %dma_start3A_866] : memref<1000000x64xf32, #tpu.memory_space<hbm>> -> memref<1000000x64xf32, #tpu.memory_space<hbm>>
        tpu.enqueue_indirect_dma source(%dma_start3A_867 : memref<1000000x64xf32, #tpu.memory_space<hbm>>) target(%dma_start3A_861 : memref<128x64xf32, #tpu.memory_space<vmem>>) offsets(%dma_start3A_864 : memref<128xi32, #tpu.memory_space<vmem>>) semaphore(%arg15 : memref<!tpu.dma_semaphore, #tpu.memory_space<semaphore_mem>>)
        %dma_start3A_868 = arith.constant 3 : i32
        %dma_start3A_869 = arith.constant 3 : i32
        %dma_start3A_870 = arith.constant 128 : i32
        %dma_start3A_871 = arith.constant 0 : i32
        %dma_start3A_872 = tpu.memref_slice %arg6[%dma_start3A_869, %dma_start3A_870, %dma_start3A_871] : memref<4x256x64xf32, #tpu.memory_space<vmem>> -> memref<1x128x64xf32, #tpu.memory_space<vmem>>
        %dma_start3A_873 = tpu.memref_squeeze %dma_start3A_872 : memref<1x128x64xf32, #tpu.memory_space<vmem>> -> memref<128x64xf32, #tpu.memory_space<vmem>>
        %dma_start3A_874 = arith.constant 128 : i32
        %dma_start3A_875 = tpu.memref_slice %arg5[%dma_start3A_868, %dma_start3A_874] : memref<4x256xi32, #tpu.memory_space<vmem>> -> memref<1x128xi32, #tpu.memory_space<vmem>>
        %dma_start3A_876 = tpu.memref_squeeze %dma_start3A_875 : memref<1x128xi32, #tpu.memory_space<vmem>> -> memref<128xi32, #tpu.memory_space<vmem>>
        %dma_start3A_877 = arith.constant 0 : i32
        %dma_start3A_878 = arith.constant 0 : i32
        %dma_start3A_879 = tpu.memref_slice %arg3[%dma_start3A_877, %dma_start3A_878] : memref<1000000x64xf32, #tpu.memory_space<hbm>> -> memref<1000000x64xf32, #tpu.memory_space<hbm>>
        tpu.enqueue_indirect_dma source(%dma_start3A_879 : memref<1000000x64xf32, #tpu.memory_space<hbm>>) target(%dma_start3A_873 : memref<128x64xf32, #tpu.memory_space<vmem>>) offsets(%dma_start3A_876 : memref<128xi32, #tpu.memory_space<vmem>>) semaphore(%arg15 : memref<!tpu.dma_semaphore, #tpu.memory_space<semaphore_mem>>)
      } else {
      }
      %dma_wait3A_560 = arith.constant 1 : i32
      %dma_wait3A_561 = arith.constant 0 : i32
      %dma_wait3A_562 = arith.constant 0 : i32
      %dma_wait3A_563 = tpu.memref_slice %arg6[%dma_wait3A_560, %dma_wait3A_561, %dma_wait3A_562] : memref<4x256x64xf32, #tpu.memory_space<vmem>> -> memref<1x256x64xf32, #tpu.memory_space<vmem>>
      %dma_wait3A_564 = tpu.memref_squeeze %dma_wait3A_563 : memref<1x256x64xf32, #tpu.memory_space<vmem>> -> memref<256x64xf32, #tpu.memory_space<vmem>>
      %dma_wait3A_565 = arith.constant 0 : i32
      %dma_wait3A_566 = arith.constant 0 : i32
      %dma_wait3A_567 = tpu.memref_slice %arg3[%dma_wait3A_565, %dma_wait3A_566] : memref<1000000x64xf32, #tpu.memory_space<hbm>> -> memref<256x64xf32, #tpu.memory_space<hbm>>
      %dma_wait3A_568 = arith.constant 0 : i32
      %dma_wait3A_569 = arith.constant 0 : i32
      %dma_wait3A_570 = tpu.memref_slice %arg6[%dma_wait3A_560, %dma_wait3A_568, %dma_wait3A_569] : memref<4x256x64xf32, #tpu.memory_space<vmem>> -> memref<1x256x64xf32, #tpu.memory_space<vmem>>
      %dma_wait3A_571 = tpu.memref_squeeze %dma_wait3A_570 : memref<1x256x64xf32, #tpu.memory_space<vmem>> -> memref<256x64xf32, #tpu.memory_space<vmem>>
      %dma_wait3A_572 = arith.constant 0 : i32
      %dma_wait3A_573 = arith.constant 0 : i32
      %dma_wait3A_574 = tpu.memref_slice %arg3[%dma_wait3A_572, %dma_wait3A_573] : memref<1000000x64xf32, #tpu.memory_space<hbm>> -> memref<256x64xf32, #tpu.memory_space<hbm>>
      tpu.wait_dma2 semaphore(%arg13 : memref<!tpu.dma_semaphore, #tpu.memory_space<semaphore_mem>>) src(%dma_wait3A_574 : memref<256x64xf32, #tpu.memory_space<hbm>>) dst(%dma_wait3A_571 : memref<256x64xf32, #tpu.memory_space<vmem>>)
      %add3A_575 = arith.constant 4 : i32
      %add3A_576 = arith.addi %add3A_552, %add3A_575 : i32
      %lt3A_577 = arith.constant 400 : i32
      %lt3A_578 = arith.cmpi slt, %add3A_576, %lt3A_577 : i32
      %convert_element_type3A_579 = arith.extui %lt3A_578 : i1 to i32
      %cond3A_580 = arith.constant 0 : i32
      %cond3A_581 = arith.cmpi ne, %convert_element_type3A_579, %cond3A_580 : i32
      scf.if %cond3A_581 {
        %add3A_840 = arith.constant 4 : i32
        %add3A_841 = arith.addi %add3A_552, %add3A_840 : i32
        %shift_right_arithmetic3A_842 = arith.constant 1 : i32
        %shift_right_arithmetic3A_843 = arith.shrsi %add3A_841, %shift_right_arithmetic3A_842 : i32
        %and3A_844 = arith.constant 1 : i32
        %and3A_845 = arith.andi %add3A_841, %and3A_844 : i32
        %mul3A_846 = arith.constant 256 : i32
        %mul3A_847 = arith.muli %and3A_845, %mul3A_846 : i32
        %add3A_848 = arith.addi %mul3A_2, %mul3A_847 : i32
        %dma_start3A_849 = arith.constant 1 : i32
        %dma_start3A_850 = arith.constant 0 : i32
        %dma_start3A_851 = tpu.memref_slice %arg5[%dma_start3A_849, %dma_start3A_850] : memref<4x256xi32, #tpu.memory_space<vmem>> -> memref<1x256xi32, #tpu.memory_space<vmem>>
        %dma_start3A_852 = tpu.memref_squeeze %dma_start3A_851 : memref<1x256xi32, #tpu.memory_space<vmem>> -> memref<256xi32, #tpu.memory_space<vmem>>
        %dma_start3A_853 = tpu.memref_slice %arg2[%shift_right_arithmetic3A_843, %add3A_848] : memref<200x16384xi32, #tpu.memory_space<hbm>> -> memref<1x256xi32, #tpu.memory_space<hbm>>
        %dma_start3A_854 = tpu.memref_squeeze %dma_start3A_853 : memref<1x256xi32, #tpu.memory_space<hbm>> -> memref<256xi32, #tpu.memory_space<hbm>>
        %dma_start3A_855 = arith.constant 0 : i32
        %dma_start3A_856 = tpu.memref_slice %arg5[%dma_start3A_849, %dma_start3A_855] : memref<4x256xi32, #tpu.memory_space<vmem>> -> memref<1x256xi32, #tpu.memory_space<vmem>>
        %dma_start3A_857 = tpu.memref_squeeze %dma_start3A_856 : memref<1x256xi32, #tpu.memory_space<vmem>> -> memref<256xi32, #tpu.memory_space<vmem>>
        %dma_start3A_858 = tpu.memref_slice %arg2[%shift_right_arithmetic3A_843, %add3A_848] : memref<200x16384xi32, #tpu.memory_space<hbm>> -> memref<1x256xi32, #tpu.memory_space<hbm>>
        %dma_start3A_859 = tpu.memref_squeeze %dma_start3A_858 : memref<1x256xi32, #tpu.memory_space<hbm>> -> memref<256xi32, #tpu.memory_space<hbm>>
        tpu.enqueue_dma source(%dma_start3A_859 : memref<256xi32, #tpu.memory_space<hbm>>) target(%dma_start3A_857 : memref<256xi32, #tpu.memory_space<vmem>>) target_semaphore(%arg9 : memref<!tpu.dma_semaphore, #tpu.memory_space<semaphore_mem>>)
      } else {
      }
      %ge3A_582 = arith.constant 2 : i32
      %ge3A_583 = arith.cmpi sge, %add3A_552, %ge3A_582 : i32
      %convert_element_type3A_584 = arith.extui %ge3A_583 : i1 to i32
      %cond3A_585 = arith.constant 0 : i32
      %cond3A_586 = arith.cmpi ne, %convert_element_type3A_584, %cond3A_585 : i32
      scf.if %cond3A_586 {
        %dma_wait3A_840 = arith.constant 1 : i32
        %dma_wait3A_841 = arith.constant 0 : i32
        %dma_wait3A_842 = arith.constant 0 : i32
        %dma_wait3A_843 = arith.constant 0 : i32
        %dma_wait3A_844 = arith.constant 0 : i32
        %dma_wait3A_845 = arith.constant 0 : i32
        %dma_wait3A_846 = tpu.memref_slice %arg7[%dma_wait3A_840, %dma_wait3A_843, %dma_wait3A_844, %dma_wait3A_845] : memref<2x8x8x257xf32, #tpu.memory_space<vmem>> -> memref<1x8x8x128xf32, #tpu.memory_space<vmem>>
        %dma_wait3A_847 = tpu.memref_squeeze %dma_wait3A_846 : memref<1x8x8x128xf32, #tpu.memory_space<vmem>> -> memref<8x8x128xf32, #tpu.memory_space<vmem>>
        %dma_wait3A_848 = arith.constant 0 : i32
        %dma_wait3A_849 = arith.constant 0 : i32
        %dma_wait3A_850 = arith.constant 0 : i32
        %dma_wait3A_851 = tpu.memref_slice %arg4[%dma_wait3A_841, %dma_wait3A_848, %dma_wait3A_842, %dma_wait3A_849, %dma_wait3A_850] : memref<200x8x128x8x128xf32, #tpu.memory_space<hbm>> -> memref<1x8x1x8x128xf32, #tpu.memory_space<hbm>>
        %dma_wait3A_852 = tpu.memref_squeeze %dma_wait3A_851 : memref<1x8x1x8x128xf32, #tpu.memory_space<hbm>> -> memref<8x8x128xf32, #tpu.memory_space<hbm>>
        %dma_wait3A_853 = arith.constant 0 : i32
        %dma_wait3A_854 = arith.constant 0 : i32
        %dma_wait3A_855 = arith.constant 0 : i32
        %dma_wait3A_856 = tpu.memref_slice %arg4[%dma_wait3A_841, %dma_wait3A_853, %dma_wait3A_842, %dma_wait3A_854, %dma_wait3A_855] : memref<200x8x128x8x128xf32, #tpu.memory_space<hbm>> -> memref<1x8x1x8x128xf32, #tpu.memory_space<hbm>>
        %dma_wait3A_857 = tpu.memref_squeeze %dma_wait3A_856 : memref<1x8x1x8x128xf32, #tpu.memory_space<hbm>> -> memref<8x8x128xf32, #tpu.memory_space<hbm>>
        %dma_wait3A_858 = arith.constant 0 : i32
        %dma_wait3A_859 = arith.constant 0 : i32
        %dma_wait3A_860 = arith.constant 0 : i32
        %dma_wait3A_861 = tpu.memref_slice %arg7[%dma_wait3A_840, %dma_wait3A_858, %dma_wait3A_859, %dma_wait3A_860] : memref<2x8x8x257xf32, #tpu.memory_space<vmem>> -> memref<1x8x8x128xf32, #tpu.memory_space<vmem>>
        %dma_wait3A_862 = tpu.memref_squeeze %dma_wait3A_861 : memref<1x8x8x128xf32, #tpu.memory_space<vmem>> -> memref<8x8x128xf32, #tpu.memory_space<vmem>>
        tpu.wait_dma2 semaphore(%arg17 : memref<!tpu.dma_semaphore, #tpu.memory_space<semaphore_mem>>) src(%dma_wait3A_862 : memref<8x8x128xf32, #tpu.memory_space<vmem>>) dst(%dma_wait3A_857 : memref<8x8x128xf32, #tpu.memory_space<hbm>>)
        %dma_wait3A_863 = arith.constant 1 : i32
        %dma_wait3A_864 = arith.constant 0 : i32
        %dma_wait3A_865 = arith.constant 0 : i32
        %dma_wait3A_866 = arith.constant 0 : i32
        %dma_wait3A_867 = arith.constant 0 : i32
        %dma_wait3A_868 = arith.constant 128 : i32
        %dma_wait3A_869 = tpu.memref_slice %arg7[%dma_wait3A_863, %dma_wait3A_866, %dma_wait3A_867, %dma_wait3A_868] : memref<2x8x8x257xf32, #tpu.memory_space<vmem>> -> memref<1x8x8x128xf32, #tpu.memory_space<vmem>>
        %dma_wait3A_870 = tpu.memref_squeeze %dma_wait3A_869 : memref<1x8x8x128xf32, #tpu.memory_space<vmem>> -> memref<8x8x128xf32, #tpu.memory_space<vmem>>
        %dma_wait3A_871 = arith.constant 0 : i32
        %dma_wait3A_872 = arith.constant 0 : i32
        %dma_wait3A_873 = arith.constant 0 : i32
        %dma_wait3A_874 = tpu.memref_slice %arg4[%dma_wait3A_864, %dma_wait3A_871, %dma_wait3A_865, %dma_wait3A_872, %dma_wait3A_873] : memref<200x8x128x8x128xf32, #tpu.memory_space<hbm>> -> memref<1x8x1x8x128xf32, #tpu.memory_space<hbm>>
        %dma_wait3A_875 = tpu.memref_squeeze %dma_wait3A_874 : memref<1x8x1x8x128xf32, #tpu.memory_space<hbm>> -> memref<8x8x128xf32, #tpu.memory_space<hbm>>
        %dma_wait3A_876 = arith.constant 0 : i32
        %dma_wait3A_877 = arith.constant 0 : i32
        %dma_wait3A_878 = arith.constant 0 : i32
        %dma_wait3A_879 = tpu.memref_slice %arg4[%dma_wait3A_864, %dma_wait3A_876, %dma_wait3A_865, %dma_wait3A_877, %dma_wait3A_878] : memref<200x8x128x8x128xf32, #tpu.memory_space<hbm>> -> memref<1x8x1x8x128xf32, #tpu.memory_space<hbm>>
        %dma_wait3A_880 = tpu.memref_squeeze %dma_wait3A_879 : memref<1x8x1x8x128xf32, #tpu.memory_space<hbm>> -> memref<8x8x128xf32, #tpu.memory_space<hbm>>
        %dma_wait3A_881 = arith.constant 0 : i32
        %dma_wait3A_882 = arith.constant 0 : i32
        %dma_wait3A_883 = arith.constant 128 : i32
        %dma_wait3A_884 = tpu.memref_slice %arg7[%dma_wait3A_863, %dma_wait3A_881, %dma_wait3A_882, %dma_wait3A_883] : memref<2x8x8x257xf32, #tpu.memory_space<vmem>> -> memref<1x8x8x128xf32, #tpu.memory_space<vmem>>
        %dma_wait3A_885 = tpu.memref_squeeze %dma_wait3A_884 : memref<1x8x8x128xf32, #tpu.memory_space<vmem>> -> memref<8x8x128xf32, #tpu.memory_space<vmem>>
        tpu.wait_dma2 semaphore(%arg17 : memref<!tpu.dma_semaphore, #tpu.memory_space<semaphore_mem>>) src(%dma_wait3A_885 : memref<8x8x128xf32, #tpu.memory_space<vmem>>) dst(%dma_wait3A_880 : memref<8x8x128xf32, #tpu.memory_space<hbm>>)
      } else {
      }
      %parallel_loop3A_587 = arith.constant 0 : i32
      %parallel_loop3A_588 = arith.constant 256 : i32
      %parallel_loop3A_589 = arith.constant 1 : i32
      %parallel_loop3A_590 = arith.constant 1 : i32
      scf.for %parallel_loop3A_840 = %parallel_loop3A_587 to %parallel_loop3A_588 step %parallel_loop3A_589  : i32 {
        %parallel_loop3A_841 = vector.broadcast %parallel_loop3A_840 : i32 to vector<16xi32>
        %parallel_loop3A_842 = arith.constant 1 : i32
        %parallel_loop3A_843 = arith.index_cast %parallel_loop3A_842 : i32 to index
        %parallel_loop3A_844 = arith.index_cast %parallel_loop3A_840 : i32 to index
        %parallel_loop3A_845 = arith.constant 0 : index
        %parallel_loop3A_846 = tpu.vector_load %arg6[%parallel_loop3A_843, %parallel_loop3A_844, %parallel_loop3A_845] {strides = array<i32>} : memref<4x256x64xf32, #tpu.memory_space<vmem>>, vector<16xf32>,
        %parallel_loop3A_847 = arith.constant 8.000000e+00 : f32
        %parallel_loop3A_848 = vector.broadcast %parallel_loop3A_847 : f32 to vector<16xf32>
        %parallel_loop3A_849 = arith.mulf %parallel_loop3A_846, %parallel_loop3A_848 : vector<16xf32>
        %parallel_loop3A_850 = arith.constant 0 : i32
        %parallel_loop3A_851 = arith.constant 0 : i32
        %parallel_loop3A_852 = arith.constant 0 : i32
        %parallel_loop3A_853 = tpu.memref_slice %arg7[%parallel_loop3A_590, %parallel_loop3A_850, %parallel_loop3A_851, %parallel_loop3A_852] : memref<2x8x8x257xf32, #tpu.memory_space<vmem>> -> memref<1x8x8x257xf32, #tpu.memory_space<vmem>>
        %parallel_loop3A_854 = tpu.memref_squeeze %parallel_loop3A_853 : memref<1x8x8x257xf32, #tpu.memory_space<vmem>> -> memref<8x8x257xf32, #tpu.memory_space<vmem>>
        tpu.vector_store_idx %parallel_loop3A_854[%select_n3A, %select_n3A_51, %parallel_loop3A_841], %parallel_loop3A_849 : memref<8x8x257xf32, #tpu.memory_space<vmem>>[vector<16xi32>, vector<16xi32>, vector<16xi32>], vector<16xf32>,
        %parallel_loop3A_855 = arith.constant 1 : i32
        %parallel_loop3A_856 = arith.index_cast %parallel_loop3A_855 : i32 to index
        %parallel_loop3A_857 = arith.index_cast %parallel_loop3A_840 : i32 to index
        %parallel_loop3A_858 = arith.constant 16 : index
        %parallel_loop3A_859 = tpu.vector_load %arg6[%parallel_loop3A_856, %parallel_loop3A_857, %parallel_loop3A_858] {strides = array<i32>} : memref<4x256x64xf32, #tpu.memory_space<vmem>>, vector<16xf32>,
        %parallel_loop3A_860 = arith.constant 8.000000e+00 : f32
        %parallel_loop3A_861 = vector.broadcast %parallel_loop3A_860 : f32 to vector<16xf32>
        %parallel_loop3A_862 = arith.mulf %parallel_loop3A_859, %parallel_loop3A_861 : vector<16xf32>
        %parallel_loop3A_863 = arith.constant 0 : i32
        %parallel_loop3A_864 = arith.constant 0 : i32
        %parallel_loop3A_865 = arith.constant 0 : i32
        %parallel_loop3A_866 = tpu.memref_slice %arg7[%parallel_loop3A_590, %parallel_loop3A_863, %parallel_loop3A_864, %parallel_loop3A_865] : memref<2x8x8x257xf32, #tpu.memory_space<vmem>> -> memref<1x8x8x257xf32, #tpu.memory_space<vmem>>
        %parallel_loop3A_867 = tpu.memref_squeeze %parallel_loop3A_866 : memref<1x8x8x257xf32, #tpu.memory_space<vmem>> -> memref<8x8x257xf32, #tpu.memory_space<vmem>>
        tpu.vector_store_idx %parallel_loop3A_867[%select_n3A_85, %select_n3A_110, %parallel_loop3A_841], %parallel_loop3A_862 : memref<8x8x257xf32, #tpu.memory_space<vmem>>[vector<16xi32>, vector<16xi32>, vector<16xi32>], vector<16xf32>,
        %parallel_loop3A_868 = arith.constant 1 : i32
        %parallel_loop3A_869 = arith.index_cast %parallel_loop3A_868 : i32 to index
        %parallel_loop3A_870 = arith.index_cast %parallel_loop3A_840 : i32 to index
        %parallel_loop3A_871 = arith.constant 32 : index
        %parallel_loop3A_872 = tpu.vector_load %arg6[%parallel_loop3A_869, %parallel_loop3A_870, %parallel_loop3A_871] {strides = array<i32>} : memref<4x256x64xf32, #tpu.memory_space<vmem>>, vector<16xf32>,
        %parallel_loop3A_873 = arith.constant 8.000000e+00 : f32
        %parallel_loop3A_874 = vector.broadcast %parallel_loop3A_873 : f32 to vector<16xf32>
        %parallel_loop3A_875 = arith.mulf %parallel_loop3A_872, %parallel_loop3A_874 : vector<16xf32>
        %parallel_loop3A_876 = arith.constant 0 : i32
        %parallel_loop3A_877 = arith.constant 0 : i32
        %parallel_loop3A_878 = arith.constant 0 : i32
        %parallel_loop3A_879 = tpu.memref_slice %arg7[%parallel_loop3A_590, %parallel_loop3A_876, %parallel_loop3A_877, %parallel_loop3A_878] : memref<2x8x8x257xf32, #tpu.memory_space<vmem>> -> memref<1x8x8x257xf32, #tpu.memory_space<vmem>>
        %parallel_loop3A_880 = tpu.memref_squeeze %parallel_loop3A_879 : memref<1x8x8x257xf32, #tpu.memory_space<vmem>> -> memref<8x8x257xf32, #tpu.memory_space<vmem>>
        tpu.vector_store_idx %parallel_loop3A_880[%select_n3A_144, %select_n3A_169, %parallel_loop3A_841], %parallel_loop3A_875 : memref<8x8x257xf32, #tpu.memory_space<vmem>>[vector<16xi32>, vector<16xi32>, vector<16xi32>], vector<16xf32>,
        %parallel_loop3A_881 = arith.constant 1 : i32
        %parallel_loop3A_882 = arith.index_cast %parallel_loop3A_881 : i32 to index
        %parallel_loop3A_883 = arith.index_cast %parallel_loop3A_840 : i32 to index
        %parallel_loop3A_884 = arith.constant 48 : index
        %parallel_loop3A_885 = tpu.vector_load %arg6[%parallel_loop3A_882, %parallel_loop3A_883, %parallel_loop3A_884] {strides = array<i32>} : memref<4x256x64xf32, #tpu.memory_space<vmem>>, vector<16xf32>,
        %parallel_loop3A_886 = arith.constant 8.000000e+00 : f32
        %parallel_loop3A_887 = vector.broadcast %parallel_loop3A_886 : f32 to vector<16xf32>
        %parallel_loop3A_888 = arith.mulf %parallel_loop3A_885, %parallel_loop3A_887 : vector<16xf32>
        %parallel_loop3A_889 = arith.constant 0 : i32
        %parallel_loop3A_890 = arith.constant 0 : i32
        %parallel_loop3A_891 = arith.constant 0 : i32
        %parallel_loop3A_892 = tpu.memref_slice %arg7[%parallel_loop3A_590, %parallel_loop3A_889, %parallel_loop3A_890, %parallel_loop3A_891] : memref<2x8x8x257xf32, #tpu.memory_space<vmem>> -> memref<1x8x8x257xf32, #tpu.memory_space<vmem>>
        %parallel_loop3A_893 = tpu.memref_squeeze %parallel_loop3A_892 : memref<1x8x8x257xf32, #tpu.memory_space<vmem>> -> memref<8x8x257xf32, #tpu.memory_space<vmem>>
        tpu.vector_store_idx %parallel_loop3A_893[%select_n3A_203, %select_n3A_228, %parallel_loop3A_841], %parallel_loop3A_888 : memref<8x8x257xf32, #tpu.memory_space<vmem>>[vector<16xi32>, vector<16xi32>, vector<16xi32>], vector<16xf32>,
      } {sc.loop_unroll_factor = 4 : i64, sc.parallel_access}
      %shift_right_arithmetic3A_591 = arith.constant 1 : i32
      %shift_right_arithmetic3A_592 = arith.shrsi %add3A_552, %shift_right_arithmetic3A_591 : i32
      %mul3A_593 = arith.constant 4 : i32
      %mul3A_594 = arith.muli %add3A, %mul3A_593 : i32
      %and3A_595 = arith.constant 1 : i32
      %and3A_596 = arith.andi %add3A_552, %and3A_595 : i32
      %mul3A_597 = arith.constant 2 : i32
      %mul3A_598 = arith.muli %and3A_596, %mul3A_597 : i32
      %add3A_599 = arith.addi %mul3A_594, %mul3A_598 : i32
      %add3A_600 = arith.constant 0 : i32
      %add3A_601 = arith.addi %add3A_599, %add3A_600 : i32
      %dma_start3A_602 = arith.constant 1 : i32
      %dma_start3A_603 = arith.constant 0 : i32
      %dma_start3A_604 = arith.constant 0 : i32
      %dma_start3A_605 = arith.constant 0 : i32
      %dma_start3A_606 = tpu.memref_slice %arg7[%dma_start3A_602, %dma_start3A_603, %dma_start3A_604, %dma_start3A_605] : memref<2x8x8x257xf32, #tpu.memory_space<vmem>> -> memref<1x8x8x128xf32, #tpu.memory_space<vmem>>
      %dma_start3A_607 = tpu.memref_squeeze %dma_start3A_606 : memref<1x8x8x128xf32, #tpu.memory_space<vmem>> -> memref<8x8x128xf32, #tpu.memory_space<vmem>>
      %dma_start3A_608 = arith.constant 0 : i32
      %dma_start3A_609 = arith.constant 0 : i32
      %dma_start3A_610 = arith.constant 0 : i32
      %dma_start3A_611 = tpu.memref_slice %arg4[%shift_right_arithmetic3A_592, %dma_start3A_608, %add3A_601, %dma_start3A_609, %dma_start3A_610] : memref<200x8x128x8x128xf32, #tpu.memory_space<hbm>> -> memref<1x8x1x8x128xf32, #tpu.memory_space<hbm>>
      %dma_start3A_612 = tpu.memref_squeeze %dma_start3A_611 : memref<1x8x1x8x128xf32, #tpu.memory_space<hbm>> -> memref<8x8x128xf32, #tpu.memory_space<hbm>>
      %dma_start3A_613 = arith.constant 0 : i32
      %dma_start3A_614 = arith.constant 0 : i32
      %dma_start3A_615 = arith.constant 0 : i32
      %dma_start3A_616 = tpu.memref_slice %arg4[%shift_right_arithmetic3A_592, %dma_start3A_613, %add3A_601, %dma_start3A_614, %dma_start3A_615] : memref<200x8x128x8x128xf32, #tpu.memory_space<hbm>> -> memref<1x8x1x8x128xf32, #tpu.memory_space<hbm>>
      %dma_start3A_617 = tpu.memref_squeeze %dma_start3A_616 : memref<1x8x1x8x128xf32, #tpu.memory_space<hbm>> -> memref<8x8x128xf32, #tpu.memory_space<hbm>>
      %dma_start3A_618 = arith.constant 0 : i32
      %dma_start3A_619 = arith.constant 0 : i32
      %dma_start3A_620 = arith.constant 0 : i32
      %dma_start3A_621 = tpu.memref_slice %arg7[%dma_start3A_602, %dma_start3A_618, %dma_start3A_619, %dma_start3A_620] : memref<2x8x8x257xf32, #tpu.memory_space<vmem>> -> memref<1x8x8x128xf32, #tpu.memory_space<vmem>>
      %dma_start3A_622 = tpu.memref_squeeze %dma_start3A_621 : memref<1x8x8x128xf32, #tpu.memory_space<vmem>> -> memref<8x8x128xf32, #tpu.memory_space<vmem>>
      tpu.enqueue_dma source(%dma_start3A_622 : memref<8x8x128xf32, #tpu.memory_space<vmem>>) target(%dma_start3A_617 : memref<8x8x128xf32, #tpu.memory_space<hbm>>) target_semaphore(%arg17 : memref<!tpu.dma_semaphore, #tpu.memory_space<semaphore_mem>>)
      %add3A_623 = arith.constant 1 : i32
      %add3A_624 = arith.addi %add3A_599, %add3A_623 : i32
      %dma_start3A_625 = arith.constant 1 : i32
      %dma_start3A_626 = arith.constant 0 : i32
      %dma_start3A_627 = arith.constant 0 : i32
      %dma_start3A_628 = arith.constant 128 : i32
      %dma_start3A_629 = tpu.memref_slice %arg7[%dma_start3A_625, %dma_start3A_626, %dma_start3A_627, %dma_start3A_628] : memref<2x8x8x257xf32, #tpu.memory_space<vmem>> -> memref<1x8x8x128xf32, #tpu.memory_space<vmem>>
      %dma_start3A_630 = tpu.memref_squeeze %dma_start3A_629 : memref<1x8x8x128xf32, #tpu.memory_space<vmem>> -> memref<8x8x128xf32, #tpu.memory_space<vmem>>
      %dma_start3A_631 = arith.constant 0 : i32
      %dma_start3A_632 = arith.constant 0 : i32
      %dma_start3A_633 = arith.constant 0 : i32
      %dma_start3A_634 = tpu.memref_slice %arg4[%shift_right_arithmetic3A_592, %dma_start3A_631, %add3A_624, %dma_start3A_632, %dma_start3A_633] : memref<200x8x128x8x128xf32, #tpu.memory_space<hbm>> -> memref<1x8x1x8x128xf32, #tpu.memory_space<hbm>>
      %dma_start3A_635 = tpu.memref_squeeze %dma_start3A_634 : memref<1x8x1x8x128xf32, #tpu.memory_space<hbm>> -> memref<8x8x128xf32, #tpu.memory_space<hbm>>
      %dma_start3A_636 = arith.constant 0 : i32
      %dma_start3A_637 = arith.constant 0 : i32
      %dma_start3A_638 = arith.constant 0 : i32
      %dma_start3A_639 = tpu.memref_slice %arg4[%shift_right_arithmetic3A_592, %dma_start3A_636, %add3A_624, %dma_start3A_637, %dma_start3A_638] : memref<200x8x128x8x128xf32, #tpu.memory_space<hbm>> -> memref<1x8x1x8x128xf32, #tpu.memory_space<hbm>>
      %dma_start3A_640 = tpu.memref_squeeze %dma_start3A_639 : memref<1x8x1x8x128xf32, #tpu.memory_space<hbm>> -> memref<8x8x128xf32, #tpu.memory_space<hbm>>
      %dma_start3A_641 = arith.constant 0 : i32
      %dma_start3A_642 = arith.constant 0 : i32
      %dma_start3A_643 = arith.constant 128 : i32
      %dma_start3A_644 = tpu.memref_slice %arg7[%dma_start3A_625, %dma_start3A_641, %dma_start3A_642, %dma_start3A_643] : memref<2x8x8x257xf32, #tpu.memory_space<vmem>> -> memref<1x8x8x128xf32, #tpu.memory_space<vmem>>
      %dma_start3A_645 = tpu.memref_squeeze %dma_start3A_644 : memref<1x8x8x128xf32, #tpu.memory_space<vmem>> -> memref<8x8x128xf32, #tpu.memory_space<vmem>>
      tpu.enqueue_dma source(%dma_start3A_645 : memref<8x8x128xf32, #tpu.memory_space<vmem>>) target(%dma_start3A_640 : memref<8x8x128xf32, #tpu.memory_space<hbm>>) target_semaphore(%arg17 : memref<!tpu.dma_semaphore, #tpu.memory_space<semaphore_mem>>)
      %mul3A_646 = arith.constant 4 : i32
      %mul3A_647 = arith.muli %scan3A_456, %mul3A_646 : i32
      %add3A_648 = arith.constant 2 : i32
      %add3A_649 = arith.addi %mul3A_647, %add3A_648 : i32
      %add3A_650 = arith.constant 2 : i32
      %add3A_651 = arith.addi %add3A_649, %add3A_650 : i32
      %lt3A_652 = arith.constant 400 : i32
      %lt3A_653 = arith.cmpi slt, %add3A_651, %lt3A_652 : i32
      %convert_element_type3A_654 = arith.extui %lt3A_653 : i1 to i32
      %cond3A_655 = arith.constant 0 : i32
      %cond3A_656 = arith.cmpi ne, %convert_element_type3A_654, %cond3A_655 : i32
      scf.if %cond3A_656 {
        %dma_wait3A_840 = arith.constant 0 : i32
        %dma_wait3A_841 = arith.constant 0 : i32
        %dma_wait3A_842 = arith.constant 0 : i32
        %dma_wait3A_843 = tpu.memref_slice %arg5[%dma_wait3A_841, %dma_wait3A_842] : memref<4x256xi32, #tpu.memory_space<vmem>> -> memref<1x256xi32, #tpu.memory_space<vmem>>
        %dma_wait3A_844 = tpu.memref_squeeze %dma_wait3A_843 : memref<1x256xi32, #tpu.memory_space<vmem>> -> memref<256xi32, #tpu.memory_space<vmem>>
        %dma_wait3A_845 = arith.constant 0 : i32
        %dma_wait3A_846 = tpu.memref_slice %arg2[%dma_wait3A_840, %dma_wait3A_845] : memref<200x16384xi32, #tpu.memory_space<hbm>> -> memref<1x256xi32, #tpu.memory_space<hbm>>
        %dma_wait3A_847 = tpu.memref_squeeze %dma_wait3A_846 : memref<1x256xi32, #tpu.memory_space<hbm>> -> memref<256xi32, #tpu.memory_space<hbm>>
        %dma_wait3A_848 = arith.constant 0 : i32
        %dma_wait3A_849 = tpu.memref_slice %arg5[%dma_wait3A_841, %dma_wait3A_848] : memref<4x256xi32, #tpu.memory_space<vmem>> -> memref<1x256xi32, #tpu.memory_space<vmem>>
        %dma_wait3A_850 = tpu.memref_squeeze %dma_wait3A_849 : memref<1x256xi32, #tpu.memory_space<vmem>> -> memref<256xi32, #tpu.memory_space<vmem>>
        %dma_wait3A_851 = arith.constant 0 : i32
        %dma_wait3A_852 = tpu.memref_slice %arg2[%dma_wait3A_840, %dma_wait3A_851] : memref<200x16384xi32, #tpu.memory_space<hbm>> -> memref<1x256xi32, #tpu.memory_space<hbm>>
        %dma_wait3A_853 = tpu.memref_squeeze %dma_wait3A_852 : memref<1x256xi32, #tpu.memory_space<hbm>> -> memref<256xi32, #tpu.memory_space<hbm>>
        tpu.wait_dma2 semaphore(%arg8 : memref<!tpu.dma_semaphore, #tpu.memory_space<semaphore_mem>>) src(%dma_wait3A_853 : memref<256xi32, #tpu.memory_space<hbm>>) dst(%dma_wait3A_850 : memref<256xi32, #tpu.memory_space<vmem>>)
        %add3A_854 = arith.constant 2 : i32
        %add3A_855 = arith.addi %add3A_649, %add3A_854 : i32
        %dma_start3A_856 = arith.constant 0 : i32
        %dma_start3A_857 = arith.constant 0 : i32
        %dma_start3A_858 = arith.constant 0 : i32
        %dma_start3A_859 = arith.constant 0 : i32
        %dma_start3A_860 = tpu.memref_slice %arg6[%dma_start3A_857, %dma_start3A_858, %dma_start3A_859] : memref<4x256x64xf32, #tpu.memory_space<vmem>> -> memref<1x128x64xf32, #tpu.memory_space<vmem>>
        %dma_start3A_861 = tpu.memref_squeeze %dma_start3A_860 : memref<1x128x64xf32, #tpu.memory_space<vmem>> -> memref<128x64xf32, #tpu.memory_space<vmem>>
        %dma_start3A_862 = arith.constant 0 : i32
        %dma_start3A_863 = tpu.memref_slice %arg5[%dma_start3A_856, %dma_start3A_862] : memref<4x256xi32, #tpu.memory_space<vmem>> -> memref<1x128xi32, #tpu.memory_space<vmem>>
        %dma_start3A_864 = tpu.memref_squeeze %dma_start3A_863 : memref<1x128xi32, #tpu.memory_space<vmem>> -> memref<128xi32, #tpu.memory_space<vmem>>
        %dma_start3A_865 = arith.constant 0 : i32
        %dma_start3A_866 = arith.constant 0 : i32
        %dma_start3A_867 = tpu.memref_slice %arg3[%dma_start3A_865, %dma_start3A_866] : memref<1000000x64xf32, #tpu.memory_space<hbm>> -> memref<1000000x64xf32, #tpu.memory_space<hbm>>
        tpu.enqueue_indirect_dma source(%dma_start3A_867 : memref<1000000x64xf32, #tpu.memory_space<hbm>>) target(%dma_start3A_861 : memref<128x64xf32, #tpu.memory_space<vmem>>) offsets(%dma_start3A_864 : memref<128xi32, #tpu.memory_space<vmem>>) semaphore(%arg12 : memref<!tpu.dma_semaphore, #tpu.memory_space<semaphore_mem>>)
        %dma_start3A_868 = arith.constant 0 : i32
        %dma_start3A_869 = arith.constant 0 : i32
        %dma_start3A_870 = arith.constant 128 : i32
        %dma_start3A_871 = arith.constant 0 : i32
        %dma_start3A_872 = tpu.memref_slice %arg6[%dma_start3A_869, %dma_start3A_870, %dma_start3A_871] : memref<4x256x64xf32, #tpu.memory_space<vmem>> -> memref<1x128x64xf32, #tpu.memory_space<vmem>>
        %dma_start3A_873 = tpu.memref_squeeze %dma_start3A_872 : memref<1x128x64xf32, #tpu.memory_space<vmem>> -> memref<128x64xf32, #tpu.memory_space<vmem>>
        %dma_start3A_874 = arith.constant 128 : i32
        %dma_start3A_875 = tpu.memref_slice %arg5[%dma_start3A_868, %dma_start3A_874] : memref<4x256xi32, #tpu.memory_space<vmem>> -> memref<1x128xi32, #tpu.memory_space<vmem>>
        %dma_start3A_876 = tpu.memref_squeeze %dma_start3A_875 : memref<1x128xi32, #tpu.memory_space<vmem>> -> memref<128xi32, #tpu.memory_space<vmem>>
        %dma_start3A_877 = arith.constant 0 : i32
        %dma_start3A_878 = arith.constant 0 : i32
        %dma_start3A_879 = tpu.memref_slice %arg3[%dma_start3A_877, %dma_start3A_878] : memref<1000000x64xf32, #tpu.memory_space<hbm>> -> memref<1000000x64xf32, #tpu.memory_space<hbm>>
        tpu.enqueue_indirect_dma source(%dma_start3A_879 : memref<1000000x64xf32, #tpu.memory_space<hbm>>) target(%dma_start3A_873 : memref<128x64xf32, #tpu.memory_space<vmem>>) offsets(%dma_start3A_876 : memref<128xi32, #tpu.memory_space<vmem>>) semaphore(%arg12 : memref<!tpu.dma_semaphore, #tpu.memory_space<semaphore_mem>>)
      } else {
      }
      %dma_wait3A_657 = arith.constant 2 : i32
      %dma_wait3A_658 = arith.constant 0 : i32
      %dma_wait3A_659 = arith.constant 0 : i32
      %dma_wait3A_660 = tpu.memref_slice %arg6[%dma_wait3A_657, %dma_wait3A_658, %dma_wait3A_659] : memref<4x256x64xf32, #tpu.memory_space<vmem>> -> memref<1x256x64xf32, #tpu.memory_space<vmem>>
      %dma_wait3A_661 = tpu.memref_squeeze %dma_wait3A_660 : memref<1x256x64xf32, #tpu.memory_space<vmem>> -> memref<256x64xf32, #tpu.memory_space<vmem>>
      %dma_wait3A_662 = arith.constant 0 : i32
      %dma_wait3A_663 = arith.constant 0 : i32
      %dma_wait3A_664 = tpu.memref_slice %arg3[%dma_wait3A_662, %dma_wait3A_663] : memref<1000000x64xf32, #tpu.memory_space<hbm>> -> memref<256x64xf32, #tpu.memory_space<hbm>>
      %dma_wait3A_665 = arith.constant 0 : i32
      %dma_wait3A_666 = arith.constant 0 : i32
      %dma_wait3A_667 = tpu.memref_slice %arg6[%dma_wait3A_657, %dma_wait3A_665, %dma_wait3A_666] : memref<4x256x64xf32, #tpu.memory_space<vmem>> -> memref<1x256x64xf32, #tpu.memory_space<vmem>>
      %dma_wait3A_668 = tpu.memref_squeeze %dma_wait3A_667 : memref<1x256x64xf32, #tpu.memory_space<vmem>> -> memref<256x64xf32, #tpu.memory_space<vmem>>
      %dma_wait3A_669 = arith.constant 0 : i32
      %dma_wait3A_670 = arith.constant 0 : i32
      %dma_wait3A_671 = tpu.memref_slice %arg3[%dma_wait3A_669, %dma_wait3A_670] : memref<1000000x64xf32, #tpu.memory_space<hbm>> -> memref<256x64xf32, #tpu.memory_space<hbm>>
      tpu.wait_dma2 semaphore(%arg14 : memref<!tpu.dma_semaphore, #tpu.memory_space<semaphore_mem>>) src(%dma_wait3A_671 : memref<256x64xf32, #tpu.memory_space<hbm>>) dst(%dma_wait3A_668 : memref<256x64xf32, #tpu.memory_space<vmem>>)
      %add3A_672 = arith.constant 4 : i32
      %add3A_673 = arith.addi %add3A_649, %add3A_672 : i32
      %lt3A_674 = arith.constant 400 : i32
      %lt3A_675 = arith.cmpi slt, %add3A_673, %lt3A_674 : i32
      %convert_element_type3A_676 = arith.extui %lt3A_675 : i1 to i32
      %cond3A_677 = arith.constant 0 : i32
      %cond3A_678 = arith.cmpi ne, %convert_element_type3A_676, %cond3A_677 : i32
      scf.if %cond3A_678 {
        %add3A_840 = arith.constant 4 : i32
        %add3A_841 = arith.addi %add3A_649, %add3A_840 : i32
        %shift_right_arithmetic3A_842 = arith.constant 1 : i32
        %shift_right_arithmetic3A_843 = arith.shrsi %add3A_841, %shift_right_arithmetic3A_842 : i32
        %and3A_844 = arith.constant 1 : i32
        %and3A_845 = arith.andi %add3A_841, %and3A_844 : i32
        %mul3A_846 = arith.constant 256 : i32
        %mul3A_847 = arith.muli %and3A_845, %mul3A_846 : i32
        %add3A_848 = arith.addi %mul3A_2, %mul3A_847 : i32
        %dma_start3A_849 = arith.constant 2 : i32
        %dma_start3A_850 = arith.constant 0 : i32
        %dma_start3A_851 = tpu.memref_slice %arg5[%dma_start3A_849, %dma_start3A_850] : memref<4x256xi32, #tpu.memory_space<vmem>> -> memref<1x256xi32, #tpu.memory_space<vmem>>
        %dma_start3A_852 = tpu.memref_squeeze %dma_start3A_851 : memref<1x256xi32, #tpu.memory_space<vmem>> -> memref<256xi32, #tpu.memory_space<vmem>>
        %dma_start3A_853 = tpu.memref_slice %arg2[%shift_right_arithmetic3A_843, %add3A_848] : memref<200x16384xi32, #tpu.memory_space<hbm>> -> memref<1x256xi32, #tpu.memory_space<hbm>>
        %dma_start3A_854 = tpu.memref_squeeze %dma_start3A_853 : memref<1x256xi32, #tpu.memory_space<hbm>> -> memref<256xi32, #tpu.memory_space<hbm>>
        %dma_start3A_855 = arith.constant 0 : i32
        %dma_start3A_856 = tpu.memref_slice %arg5[%dma_start3A_849, %dma_start3A_855] : memref<4x256xi32, #tpu.memory_space<vmem>> -> memref<1x256xi32, #tpu.memory_space<vmem>>
        %dma_start3A_857 = tpu.memref_squeeze %dma_start3A_856 : memref<1x256xi32, #tpu.memory_space<vmem>> -> memref<256xi32, #tpu.memory_space<vmem>>
        %dma_start3A_858 = tpu.memref_slice %arg2[%shift_right_arithmetic3A_843, %add3A_848] : memref<200x16384xi32, #tpu.memory_space<hbm>> -> memref<1x256xi32, #tpu.memory_space<hbm>>
        %dma_start3A_859 = tpu.memref_squeeze %dma_start3A_858 : memref<1x256xi32, #tpu.memory_space<hbm>> -> memref<256xi32, #tpu.memory_space<hbm>>
        tpu.enqueue_dma source(%dma_start3A_859 : memref<256xi32, #tpu.memory_space<hbm>>) target(%dma_start3A_857 : memref<256xi32, #tpu.memory_space<vmem>>) target_semaphore(%arg10 : memref<!tpu.dma_semaphore, #tpu.memory_space<semaphore_mem>>)
      } else {
      }
      %ge3A_679 = arith.constant 2 : i32
      %ge3A_680 = arith.cmpi sge, %add3A_649, %ge3A_679 : i32
      %convert_element_type3A_681 = arith.extui %ge3A_680 : i1 to i32
      %cond3A_682 = arith.constant 0 : i32
      %cond3A_683 = arith.cmpi ne, %convert_element_type3A_681, %cond3A_682 : i32
      scf.if %cond3A_683 {
        %dma_wait3A_840 = arith.constant 0 : i32
        %dma_wait3A_841 = arith.constant 0 : i32
        %dma_wait3A_842 = arith.constant 0 : i32
        %dma_wait3A_843 = arith.constant 0 : i32
        %dma_wait3A_844 = arith.constant 0 : i32
        %dma_wait3A_845 = arith.constant 0 : i32
        %dma_wait3A_846 = tpu.memref_slice %arg7[%dma_wait3A_840, %dma_wait3A_843, %dma_wait3A_844, %dma_wait3A_845] : memref<2x8x8x257xf32, #tpu.memory_space<vmem>> -> memref<1x8x8x128xf32, #tpu.memory_space<vmem>>
        %dma_wait3A_847 = tpu.memref_squeeze %dma_wait3A_846 : memref<1x8x8x128xf32, #tpu.memory_space<vmem>> -> memref<8x8x128xf32, #tpu.memory_space<vmem>>
        %dma_wait3A_848 = arith.constant 0 : i32
        %dma_wait3A_849 = arith.constant 0 : i32
        %dma_wait3A_850 = arith.constant 0 : i32
        %dma_wait3A_851 = tpu.memref_slice %arg4[%dma_wait3A_841, %dma_wait3A_848, %dma_wait3A_842, %dma_wait3A_849, %dma_wait3A_850] : memref<200x8x128x8x128xf32, #tpu.memory_space<hbm>> -> memref<1x8x1x8x128xf32, #tpu.memory_space<hbm>>
        %dma_wait3A_852 = tpu.memref_squeeze %dma_wait3A_851 : memref<1x8x1x8x128xf32, #tpu.memory_space<hbm>> -> memref<8x8x128xf32, #tpu.memory_space<hbm>>
        %dma_wait3A_853 = arith.constant 0 : i32
        %dma_wait3A_854 = arith.constant 0 : i32
        %dma_wait3A_855 = arith.constant 0 : i32
        %dma_wait3A_856 = tpu.memref_slice %arg4[%dma_wait3A_841, %dma_wait3A_853, %dma_wait3A_842, %dma_wait3A_854, %dma_wait3A_855] : memref<200x8x128x8x128xf32, #tpu.memory_space<hbm>> -> memref<1x8x1x8x128xf32, #tpu.memory_space<hbm>>
        %dma_wait3A_857 = tpu.memref_squeeze %dma_wait3A_856 : memref<1x8x1x8x128xf32, #tpu.memory_space<hbm>> -> memref<8x8x128xf32, #tpu.memory_space<hbm>>
        %dma_wait3A_858 = arith.constant 0 : i32
        %dma_wait3A_859 = arith.constant 0 : i32
        %dma_wait3A_860 = arith.constant 0 : i32
        %dma_wait3A_861 = tpu.memref_slice %arg7[%dma_wait3A_840, %dma_wait3A_858, %dma_wait3A_859, %dma_wait3A_860] : memref<2x8x8x257xf32, #tpu.memory_space<vmem>> -> memref<1x8x8x128xf32, #tpu.memory_space<vmem>>
        %dma_wait3A_862 = tpu.memref_squeeze %dma_wait3A_861 : memref<1x8x8x128xf32, #tpu.memory_space<vmem>> -> memref<8x8x128xf32, #tpu.memory_space<vmem>>
        tpu.wait_dma2 semaphore(%arg16 : memref<!tpu.dma_semaphore, #tpu.memory_space<semaphore_mem>>) src(%dma_wait3A_862 : memref<8x8x128xf32, #tpu.memory_space<vmem>>) dst(%dma_wait3A_857 : memref<8x8x128xf32, #tpu.memory_space<hbm>>)
        %dma_wait3A_863 = arith.constant 0 : i32
        %dma_wait3A_864 = arith.constant 0 : i32
        %dma_wait3A_865 = arith.constant 0 : i32
        %dma_wait3A_866 = arith.constant 0 : i32
        %dma_wait3A_867 = arith.constant 0 : i32
        %dma_wait3A_868 = arith.constant 128 : i32
        %dma_wait3A_869 = tpu.memref_slice %arg7[%dma_wait3A_863, %dma_wait3A_866, %dma_wait3A_867, %dma_wait3A_868] : memref<2x8x8x257xf32, #tpu.memory_space<vmem>> -> memref<1x8x8x128xf32, #tpu.memory_space<vmem>>
        %dma_wait3A_870 = tpu.memref_squeeze %dma_wait3A_869 : memref<1x8x8x128xf32, #tpu.memory_space<vmem>> -> memref<8x8x128xf32, #tpu.memory_space<vmem>>
        %dma_wait3A_871 = arith.constant 0 : i32
        %dma_wait3A_872 = arith.constant 0 : i32
        %dma_wait3A_873 = arith.constant 0 : i32
        %dma_wait3A_874 = tpu.memref_slice %arg4[%dma_wait3A_864, %dma_wait3A_871, %dma_wait3A_865, %dma_wait3A_872, %dma_wait3A_873] : memref<200x8x128x8x128xf32, #tpu.memory_space<hbm>> -> memref<1x8x1x8x128xf32, #tpu.memory_space<hbm>>
        %dma_wait3A_875 = tpu.memref_squeeze %dma_wait3A_874 : memref<1x8x1x8x128xf32, #tpu.memory_space<hbm>> -> memref<8x8x128xf32, #tpu.memory_space<hbm>>
        %dma_wait3A_876 = arith.constant 0 : i32
        %dma_wait3A_877 = arith.constant 0 : i32
        %dma_wait3A_878 = arith.constant 0 : i32
        %dma_wait3A_879 = tpu.memref_slice %arg4[%dma_wait3A_864, %dma_wait3A_876, %dma_wait3A_865, %dma_wait3A_877, %dma_wait3A_878] : memref<200x8x128x8x128xf32, #tpu.memory_space<hbm>> -> memref<1x8x1x8x128xf32, #tpu.memory_space<hbm>>
        %dma_wait3A_880 = tpu.memref_squeeze %dma_wait3A_879 : memref<1x8x1x8x128xf32, #tpu.memory_space<hbm>> -> memref<8x8x128xf32, #tpu.memory_space<hbm>>
        %dma_wait3A_881 = arith.constant 0 : i32
        %dma_wait3A_882 = arith.constant 0 : i32
        %dma_wait3A_883 = arith.constant 128 : i32
        %dma_wait3A_884 = tpu.memref_slice %arg7[%dma_wait3A_863, %dma_wait3A_881, %dma_wait3A_882, %dma_wait3A_883] : memref<2x8x8x257xf32, #tpu.memory_space<vmem>> -> memref<1x8x8x128xf32, #tpu.memory_space<vmem>>
        %dma_wait3A_885 = tpu.memref_squeeze %dma_wait3A_884 : memref<1x8x8x128xf32, #tpu.memory_space<vmem>> -> memref<8x8x128xf32, #tpu.memory_space<vmem>>
        tpu.wait_dma2 semaphore(%arg16 : memref<!tpu.dma_semaphore, #tpu.memory_space<semaphore_mem>>) src(%dma_wait3A_885 : memref<8x8x128xf32, #tpu.memory_space<vmem>>) dst(%dma_wait3A_880 : memref<8x8x128xf32, #tpu.memory_space<hbm>>)
      } else {
      }
      %parallel_loop3A_684 = arith.constant 0 : i32
      %parallel_loop3A_685 = arith.constant 256 : i32
      %parallel_loop3A_686 = arith.constant 1 : i32
      %parallel_loop3A_687 = arith.constant 0 : i32
      scf.for %parallel_loop3A_840 = %parallel_loop3A_684 to %parallel_loop3A_685 step %parallel_loop3A_686  : i32 {
        %parallel_loop3A_841 = vector.broadcast %parallel_loop3A_840 : i32 to vector<16xi32>
        %parallel_loop3A_842 = arith.constant 2 : i32
        %parallel_loop3A_843 = arith.index_cast %parallel_loop3A_842 : i32 to index
        %parallel_loop3A_844 = arith.index_cast %parallel_loop3A_840 : i32 to index
        %parallel_loop3A_845 = arith.constant 0 : index
        %parallel_loop3A_846 = tpu.vector_load %arg6[%parallel_loop3A_843, %parallel_loop3A_844, %parallel_loop3A_845] {strides = array<i32>} : memref<4x256x64xf32, #tpu.memory_space<vmem>>, vector<16xf32>,
        %parallel_loop3A_847 = arith.constant 8.000000e+00 : f32
        %parallel_loop3A_848 = vector.broadcast %parallel_loop3A_847 : f32 to vector<16xf32>
        %parallel_loop3A_849 = arith.mulf %parallel_loop3A_846, %parallel_loop3A_848 : vector<16xf32>
        %parallel_loop3A_850 = arith.constant 0 : i32
        %parallel_loop3A_851 = arith.constant 0 : i32
        %parallel_loop3A_852 = arith.constant 0 : i32
        %parallel_loop3A_853 = tpu.memref_slice %arg7[%parallel_loop3A_687, %parallel_loop3A_850, %parallel_loop3A_851, %parallel_loop3A_852] : memref<2x8x8x257xf32, #tpu.memory_space<vmem>> -> memref<1x8x8x257xf32, #tpu.memory_space<vmem>>
        %parallel_loop3A_854 = tpu.memref_squeeze %parallel_loop3A_853 : memref<1x8x8x257xf32, #tpu.memory_space<vmem>> -> memref<8x8x257xf32, #tpu.memory_space<vmem>>
        tpu.vector_store_idx %parallel_loop3A_854[%select_n3A, %select_n3A_51, %parallel_loop3A_841], %parallel_loop3A_849 : memref<8x8x257xf32, #tpu.memory_space<vmem>>[vector<16xi32>, vector<16xi32>, vector<16xi32>], vector<16xf32>,
        %parallel_loop3A_855 = arith.constant 2 : i32
        %parallel_loop3A_856 = arith.index_cast %parallel_loop3A_855 : i32 to index
        %parallel_loop3A_857 = arith.index_cast %parallel_loop3A_840 : i32 to index
        %parallel_loop3A_858 = arith.constant 16 : index
        %parallel_loop3A_859 = tpu.vector_load %arg6[%parallel_loop3A_856, %parallel_loop3A_857, %parallel_loop3A_858] {strides = array<i32>} : memref<4x256x64xf32, #tpu.memory_space<vmem>>, vector<16xf32>,
        %parallel_loop3A_860 = arith.constant 8.000000e+00 : f32
        %parallel_loop3A_861 = vector.broadcast %parallel_loop3A_860 : f32 to vector<16xf32>
        %parallel_loop3A_862 = arith.mulf %parallel_loop3A_859, %parallel_loop3A_861 : vector<16xf32>
        %parallel_loop3A_863 = arith.constant 0 : i32
        %parallel_loop3A_864 = arith.constant 0 : i32
        %parallel_loop3A_865 = arith.constant 0 : i32
        %parallel_loop3A_866 = tpu.memref_slice %arg7[%parallel_loop3A_687, %parallel_loop3A_863, %parallel_loop3A_864, %parallel_loop3A_865] : memref<2x8x8x257xf32, #tpu.memory_space<vmem>> -> memref<1x8x8x257xf32, #tpu.memory_space<vmem>>
        %parallel_loop3A_867 = tpu.memref_squeeze %parallel_loop3A_866 : memref<1x8x8x257xf32, #tpu.memory_space<vmem>> -> memref<8x8x257xf32, #tpu.memory_space<vmem>>
        tpu.vector_store_idx %parallel_loop3A_867[%select_n3A_85, %select_n3A_110, %parallel_loop3A_841], %parallel_loop3A_862 : memref<8x8x257xf32, #tpu.memory_space<vmem>>[vector<16xi32>, vector<16xi32>, vector<16xi32>], vector<16xf32>,
        %parallel_loop3A_868 = arith.constant 2 : i32
        %parallel_loop3A_869 = arith.index_cast %parallel_loop3A_868 : i32 to index
        %parallel_loop3A_870 = arith.index_cast %parallel_loop3A_840 : i32 to index
        %parallel_loop3A_871 = arith.constant 32 : index
        %parallel_loop3A_872 = tpu.vector_load %arg6[%parallel_loop3A_869, %parallel_loop3A_870, %parallel_loop3A_871] {strides = array<i32>} : memref<4x256x64xf32, #tpu.memory_space<vmem>>, vector<16xf32>,
        %parallel_loop3A_873 = arith.constant 8.000000e+00 : f32
        %parallel_loop3A_874 = vector.broadcast %parallel_loop3A_873 : f32 to vector<16xf32>
        %parallel_loop3A_875 = arith.mulf %parallel_loop3A_872, %parallel_loop3A_874 : vector<16xf32>
        %parallel_loop3A_876 = arith.constant 0 : i32
        %parallel_loop3A_877 = arith.constant 0 : i32
        %parallel_loop3A_878 = arith.constant 0 : i32
        %parallel_loop3A_879 = tpu.memref_slice %arg7[%parallel_loop3A_687, %parallel_loop3A_876, %parallel_loop3A_877, %parallel_loop3A_878] : memref<2x8x8x257xf32, #tpu.memory_space<vmem>> -> memref<1x8x8x257xf32, #tpu.memory_space<vmem>>
        %parallel_loop3A_880 = tpu.memref_squeeze %parallel_loop3A_879 : memref<1x8x8x257xf32, #tpu.memory_space<vmem>> -> memref<8x8x257xf32, #tpu.memory_space<vmem>>
        tpu.vector_store_idx %parallel_loop3A_880[%select_n3A_144, %select_n3A_169, %parallel_loop3A_841], %parallel_loop3A_875 : memref<8x8x257xf32, #tpu.memory_space<vmem>>[vector<16xi32>, vector<16xi32>, vector<16xi32>], vector<16xf32>,
        %parallel_loop3A_881 = arith.constant 2 : i32
        %parallel_loop3A_882 = arith.index_cast %parallel_loop3A_881 : i32 to index
        %parallel_loop3A_883 = arith.index_cast %parallel_loop3A_840 : i32 to index
        %parallel_loop3A_884 = arith.constant 48 : index
        %parallel_loop3A_885 = tpu.vector_load %arg6[%parallel_loop3A_882, %parallel_loop3A_883, %parallel_loop3A_884] {strides = array<i32>} : memref<4x256x64xf32, #tpu.memory_space<vmem>>, vector<16xf32>,
        %parallel_loop3A_886 = arith.constant 8.000000e+00 : f32
        %parallel_loop3A_887 = vector.broadcast %parallel_loop3A_886 : f32 to vector<16xf32>
        %parallel_loop3A_888 = arith.mulf %parallel_loop3A_885, %parallel_loop3A_887 : vector<16xf32>
        %parallel_loop3A_889 = arith.constant 0 : i32
        %parallel_loop3A_890 = arith.constant 0 : i32
        %parallel_loop3A_891 = arith.constant 0 : i32
        %parallel_loop3A_892 = tpu.memref_slice %arg7[%parallel_loop3A_687, %parallel_loop3A_889, %parallel_loop3A_890, %parallel_loop3A_891] : memref<2x8x8x257xf32, #tpu.memory_space<vmem>> -> memref<1x8x8x257xf32, #tpu.memory_space<vmem>>
        %parallel_loop3A_893 = tpu.memref_squeeze %parallel_loop3A_892 : memref<1x8x8x257xf32, #tpu.memory_space<vmem>> -> memref<8x8x257xf32, #tpu.memory_space<vmem>>
        tpu.vector_store_idx %parallel_loop3A_893[%select_n3A_203, %select_n3A_228, %parallel_loop3A_841], %parallel_loop3A_888 : memref<8x8x257xf32, #tpu.memory_space<vmem>>[vector<16xi32>, vector<16xi32>, vector<16xi32>], vector<16xf32>,
      } {sc.loop_unroll_factor = 4 : i64, sc.parallel_access}
      %shift_right_arithmetic3A_688 = arith.constant 1 : i32
      %shift_right_arithmetic3A_689 = arith.shrsi %add3A_649, %shift_right_arithmetic3A_688 : i32
      %mul3A_690 = arith.constant 4 : i32
      %mul3A_691 = arith.muli %add3A, %mul3A_690 : i32
      %and3A_692 = arith.constant 1 : i32
      %and3A_693 = arith.andi %add3A_649, %and3A_692 : i32
      %mul3A_694 = arith.constant 2 : i32
      %mul3A_695 = arith.muli %and3A_693, %mul3A_694 : i32
      %add3A_696 = arith.addi %mul3A_691, %mul3A_695 : i32
      %add3A_697 = arith.constant 0 : i32
      %add3A_698 = arith.addi %add3A_696, %add3A_697 : i32
      %dma_start3A_699 = arith.constant 0 : i32
      %dma_start3A_700 = arith.constant 0 : i32
      %dma_start3A_701 = arith.constant 0 : i32
      %dma_start3A_702 = arith.constant 0 : i32
      %dma_start3A_703 = tpu.memref_slice %arg7[%dma_start3A_699, %dma_start3A_700, %dma_start3A_701, %dma_start3A_702] : memref<2x8x8x257xf32, #tpu.memory_space<vmem>> -> memref<1x8x8x128xf32, #tpu.memory_space<vmem>>
      %dma_start3A_704 = tpu.memref_squeeze %dma_start3A_703 : memref<1x8x8x128xf32, #tpu.memory_space<vmem>> -> memref<8x8x128xf32, #tpu.memory_space<vmem>>
      %dma_start3A_705 = arith.constant 0 : i32
      %dma_start3A_706 = arith.constant 0 : i32
      %dma_start3A_707 = arith.constant 0 : i32
      %dma_start3A_708 = tpu.memref_slice %arg4[%shift_right_arithmetic3A_689, %dma_start3A_705, %add3A_698, %dma_start3A_706, %dma_start3A_707] : memref<200x8x128x8x128xf32, #tpu.memory_space<hbm>> -> memref<1x8x1x8x128xf32, #tpu.memory_space<hbm>>
      %dma_start3A_709 = tpu.memref_squeeze %dma_start3A_708 : memref<1x8x1x8x128xf32, #tpu.memory_space<hbm>> -> memref<8x8x128xf32, #tpu.memory_space<hbm>>
      %dma_start3A_710 = arith.constant 0 : i32
      %dma_start3A_711 = arith.constant 0 : i32
      %dma_start3A_712 = arith.constant 0 : i32
      %dma_start3A_713 = tpu.memref_slice %arg4[%shift_right_arithmetic3A_689, %dma_start3A_710, %add3A_698, %dma_start3A_711, %dma_start3A_712] : memref<200x8x128x8x128xf32, #tpu.memory_space<hbm>> -> memref<1x8x1x8x128xf32, #tpu.memory_space<hbm>>
      %dma_start3A_714 = tpu.memref_squeeze %dma_start3A_713 : memref<1x8x1x8x128xf32, #tpu.memory_space<hbm>> -> memref<8x8x128xf32, #tpu.memory_space<hbm>>
      %dma_start3A_715 = arith.constant 0 : i32
      %dma_start3A_716 = arith.constant 0 : i32
      %dma_start3A_717 = arith.constant 0 : i32
      %dma_start3A_718 = tpu.memref_slice %arg7[%dma_start3A_699, %dma_start3A_715, %dma_start3A_716, %dma_start3A_717] : memref<2x8x8x257xf32, #tpu.memory_space<vmem>> -> memref<1x8x8x128xf32, #tpu.memory_space<vmem>>
      %dma_start3A_719 = tpu.memref_squeeze %dma_start3A_718 : memref<1x8x8x128xf32, #tpu.memory_space<vmem>> -> memref<8x8x128xf32, #tpu.memory_space<vmem>>
      tpu.enqueue_dma source(%dma_start3A_719 : memref<8x8x128xf32, #tpu.memory_space<vmem>>) target(%dma_start3A_714 : memref<8x8x128xf32, #tpu.memory_space<hbm>>) target_semaphore(%arg16 : memref<!tpu.dma_semaphore, #tpu.memory_space<semaphore_mem>>)
      %add3A_720 = arith.constant 1 : i32
      %add3A_721 = arith.addi %add3A_696, %add3A_720 : i32
      %dma_start3A_722 = arith.constant 0 : i32
      %dma_start3A_723 = arith.constant 0 : i32
      %dma_start3A_724 = arith.constant 0 : i32
      %dma_start3A_725 = arith.constant 128 : i32
      %dma_start3A_726 = tpu.memref_slice %arg7[%dma_start3A_722, %dma_start3A_723, %dma_start3A_724, %dma_start3A_725] : memref<2x8x8x257xf32, #tpu.memory_space<vmem>> -> memref<1x8x8x128xf32, #tpu.memory_space<vmem>>
      %dma_start3A_727 = tpu.memref_squeeze %dma_start3A_726 : memref<1x8x8x128xf32, #tpu.memory_space<vmem>> -> memref<8x8x128xf32, #tpu.memory_space<vmem>>
      %dma_start3A_728 = arith.constant 0 : i32
      %dma_start3A_729 = arith.constant 0 : i32
      %dma_start3A_730 = arith.constant 0 : i32
      %dma_start3A_731 = tpu.memref_slice %arg4[%shift_right_arithmetic3A_689, %dma_start3A_728, %add3A_721, %dma_start3A_729, %dma_start3A_730] : memref<200x8x128x8x128xf32, #tpu.memory_space<hbm>> -> memref<1x8x1x8x128xf32, #tpu.memory_space<hbm>>
      %dma_start3A_732 = tpu.memref_squeeze %dma_start3A_731 : memref<1x8x1x8x128xf32, #tpu.memory_space<hbm>> -> memref<8x8x128xf32, #tpu.memory_space<hbm>>
      %dma_start3A_733 = arith.constant 0 : i32
      %dma_start3A_734 = arith.constant 0 : i32
      %dma_start3A_735 = arith.constant 0 : i32
      %dma_start3A_736 = tpu.memref_slice %arg4[%shift_right_arithmetic3A_689, %dma_start3A_733, %add3A_721, %dma_start3A_734, %dma_start3A_735] : memref<200x8x128x8x128xf32, #tpu.memory_space<hbm>> -> memref<1x8x1x8x128xf32, #tpu.memory_space<hbm>>
      %dma_start3A_737 = tpu.memref_squeeze %dma_start3A_736 : memref<1x8x1x8x128xf32, #tpu.memory_space<hbm>> -> memref<8x8x128xf32, #tpu.memory_space<hbm>>
      %dma_start3A_738 = arith.constant 0 : i32
      %dma_start3A_739 = arith.constant 0 : i32
      %dma_start3A_740 = arith.constant 128 : i32
      %dma_start3A_741 = tpu.memref_slice %arg7[%dma_start3A_722, %dma_start3A_738, %dma_start3A_739, %dma_start3A_740] : memref<2x8x8x257xf32, #tpu.memory_space<vmem>> -> memref<1x8x8x128xf32, #tpu.memory_space<vmem>>
      %dma_start3A_742 = tpu.memref_squeeze %dma_start3A_741 : memref<1x8x8x128xf32, #tpu.memory_space<vmem>> -> memref<8x8x128xf32, #tpu.memory_space<vmem>>
      tpu.enqueue_dma source(%dma_start3A_742 : memref<8x8x128xf32, #tpu.memory_space<vmem>>) target(%dma_start3A_737 : memref<8x8x128xf32, #tpu.memory_space<hbm>>) target_semaphore(%arg16 : memref<!tpu.dma_semaphore, #tpu.memory_space<semaphore_mem>>)
      %mul3A_743 = arith.constant 4 : i32
      %mul3A_744 = arith.muli %scan3A_456, %mul3A_743 : i32
      %add3A_745 = arith.constant 3 : i32
      %add3A_746 = arith.addi %mul3A_744, %add3A_745 : i32
      %add3A_747 = arith.constant 2 : i32
      %add3A_748 = arith.addi %add3A_746, %add3A_747 : i32
      %lt3A_749 = arith.constant 400 : i32
      %lt3A_750 = arith.cmpi slt, %add3A_748, %lt3A_749 : i32
      %convert_element_type3A_751 = arith.extui %lt3A_750 : i1 to i32
      %cond3A_752 = arith.constant 0 : i32
      %cond3A_753 = arith.cmpi ne, %convert_element_type3A_751, %cond3A_752 : i32
      scf.if %cond3A_753 {
        %dma_wait3A_840 = arith.constant 0 : i32
        %dma_wait3A_841 = arith.constant 1 : i32
        %dma_wait3A_842 = arith.constant 0 : i32
        %dma_wait3A_843 = tpu.memref_slice %arg5[%dma_wait3A_841, %dma_wait3A_842] : memref<4x256xi32, #tpu.memory_space<vmem>> -> memref<1x256xi32, #tpu.memory_space<vmem>>
        %dma_wait3A_844 = tpu.memref_squeeze %dma_wait3A_843 : memref<1x256xi32, #tpu.memory_space<vmem>> -> memref<256xi32, #tpu.memory_space<vmem>>
        %dma_wait3A_845 = arith.constant 0 : i32
        %dma_wait3A_846 = tpu.memref_slice %arg2[%dma_wait3A_840, %dma_wait3A_845] : memref<200x16384xi32, #tpu.memory_space<hbm>> -> memref<1x256xi32, #tpu.memory_space<hbm>>
        %dma_wait3A_847 = tpu.memref_squeeze %dma_wait3A_846 : memref<1x256xi32, #tpu.memory_space<hbm>> -> memref<256xi32, #tpu.memory_space<hbm>>
        %dma_wait3A_848 = arith.constant 0 : i32
        %dma_wait3A_849 = tpu.memref_slice %arg5[%dma_wait3A_841, %dma_wait3A_848] : memref<4x256xi32, #tpu.memory_space<vmem>> -> memref<1x256xi32, #tpu.memory_space<vmem>>
        %dma_wait3A_850 = tpu.memref_squeeze %dma_wait3A_849 : memref<1x256xi32, #tpu.memory_space<vmem>> -> memref<256xi32, #tpu.memory_space<vmem>>
        %dma_wait3A_851 = arith.constant 0 : i32
        %dma_wait3A_852 = tpu.memref_slice %arg2[%dma_wait3A_840, %dma_wait3A_851] : memref<200x16384xi32, #tpu.memory_space<hbm>> -> memref<1x256xi32, #tpu.memory_space<hbm>>
        %dma_wait3A_853 = tpu.memref_squeeze %dma_wait3A_852 : memref<1x256xi32, #tpu.memory_space<hbm>> -> memref<256xi32, #tpu.memory_space<hbm>>
        tpu.wait_dma2 semaphore(%arg9 : memref<!tpu.dma_semaphore, #tpu.memory_space<semaphore_mem>>) src(%dma_wait3A_853 : memref<256xi32, #tpu.memory_space<hbm>>) dst(%dma_wait3A_850 : memref<256xi32, #tpu.memory_space<vmem>>)
        %add3A_854 = arith.constant 2 : i32
        %add3A_855 = arith.addi %add3A_746, %add3A_854 : i32
        %dma_start3A_856 = arith.constant 1 : i32
        %dma_start3A_857 = arith.constant 1 : i32
        %dma_start3A_858 = arith.constant 0 : i32
        %dma_start3A_859 = arith.constant 0 : i32
        %dma_start3A_860 = tpu.memref_slice %arg6[%dma_start3A_857, %dma_start3A_858, %dma_start3A_859] : memref<4x256x64xf32, #tpu.memory_space<vmem>> -> memref<1x128x64xf32, #tpu.memory_space<vmem>>
        %dma_start3A_861 = tpu.memref_squeeze %dma_start3A_860 : memref<1x128x64xf32, #tpu.memory_space<vmem>> -> memref<128x64xf32, #tpu.memory_space<vmem>>
        %dma_start3A_862 = arith.constant 0 : i32
        %dma_start3A_863 = tpu.memref_slice %arg5[%dma_start3A_856, %dma_start3A_862] : memref<4x256xi32, #tpu.memory_space<vmem>> -> memref<1x128xi32, #tpu.memory_space<vmem>>
        %dma_start3A_864 = tpu.memref_squeeze %dma_start3A_863 : memref<1x128xi32, #tpu.memory_space<vmem>> -> memref<128xi32, #tpu.memory_space<vmem>>
        %dma_start3A_865 = arith.constant 0 : i32
        %dma_start3A_866 = arith.constant 0 : i32
        %dma_start3A_867 = tpu.memref_slice %arg3[%dma_start3A_865, %dma_start3A_866] : memref<1000000x64xf32, #tpu.memory_space<hbm>> -> memref<1000000x64xf32, #tpu.memory_space<hbm>>
        tpu.enqueue_indirect_dma source(%dma_start3A_867 : memref<1000000x64xf32, #tpu.memory_space<hbm>>) target(%dma_start3A_861 : memref<128x64xf32, #tpu.memory_space<vmem>>) offsets(%dma_start3A_864 : memref<128xi32, #tpu.memory_space<vmem>>) semaphore(%arg13 : memref<!tpu.dma_semaphore, #tpu.memory_space<semaphore_mem>>)
        %dma_start3A_868 = arith.constant 1 : i32
        %dma_start3A_869 = arith.constant 1 : i32
        %dma_start3A_870 = arith.constant 128 : i32
        %dma_start3A_871 = arith.constant 0 : i32
        %dma_start3A_872 = tpu.memref_slice %arg6[%dma_start3A_869, %dma_start3A_870, %dma_start3A_871] : memref<4x256x64xf32, #tpu.memory_space<vmem>> -> memref<1x128x64xf32, #tpu.memory_space<vmem>>
        %dma_start3A_873 = tpu.memref_squeeze %dma_start3A_872 : memref<1x128x64xf32, #tpu.memory_space<vmem>> -> memref<128x64xf32, #tpu.memory_space<vmem>>
        %dma_start3A_874 = arith.constant 128 : i32
        %dma_start3A_875 = tpu.memref_slice %arg5[%dma_start3A_868, %dma_start3A_874] : memref<4x256xi32, #tpu.memory_space<vmem>> -> memref<1x128xi32, #tpu.memory_space<vmem>>
        %dma_start3A_876 = tpu.memref_squeeze %dma_start3A_875 : memref<1x128xi32, #tpu.memory_space<vmem>> -> memref<128xi32, #tpu.memory_space<vmem>>
        %dma_start3A_877 = arith.constant 0 : i32
        %dma_start3A_878 = arith.constant 0 : i32
        %dma_start3A_879 = tpu.memref_slice %arg3[%dma_start3A_877, %dma_start3A_878] : memref<1000000x64xf32, #tpu.memory_space<hbm>> -> memref<1000000x64xf32, #tpu.memory_space<hbm>>
        tpu.enqueue_indirect_dma source(%dma_start3A_879 : memref<1000000x64xf32, #tpu.memory_space<hbm>>) target(%dma_start3A_873 : memref<128x64xf32, #tpu.memory_space<vmem>>) offsets(%dma_start3A_876 : memref<128xi32, #tpu.memory_space<vmem>>) semaphore(%arg13 : memref<!tpu.dma_semaphore, #tpu.memory_space<semaphore_mem>>)
      } else {
      }
      %dma_wait3A_754 = arith.constant 3 : i32
      %dma_wait3A_755 = arith.constant 0 : i32
      %dma_wait3A_756 = arith.constant 0 : i32
      %dma_wait3A_757 = tpu.memref_slice %arg6[%dma_wait3A_754, %dma_wait3A_755, %dma_wait3A_756] : memref<4x256x64xf32, #tpu.memory_space<vmem>> -> memref<1x256x64xf32, #tpu.memory_space<vmem>>
      %dma_wait3A_758 = tpu.memref_squeeze %dma_wait3A_757 : memref<1x256x64xf32, #tpu.memory_space<vmem>> -> memref<256x64xf32, #tpu.memory_space<vmem>>
      %dma_wait3A_759 = arith.constant 0 : i32
      %dma_wait3A_760 = arith.constant 0 : i32
      %dma_wait3A_761 = tpu.memref_slice %arg3[%dma_wait3A_759, %dma_wait3A_760] : memref<1000000x64xf32, #tpu.memory_space<hbm>> -> memref<256x64xf32, #tpu.memory_space<hbm>>
      %dma_wait3A_762 = arith.constant 0 : i32
      %dma_wait3A_763 = arith.constant 0 : i32
      %dma_wait3A_764 = tpu.memref_slice %arg6[%dma_wait3A_754, %dma_wait3A_762, %dma_wait3A_763] : memref<4x256x64xf32, #tpu.memory_space<vmem>> -> memref<1x256x64xf32, #tpu.memory_space<vmem>>
      %dma_wait3A_765 = tpu.memref_squeeze %dma_wait3A_764 : memref<1x256x64xf32, #tpu.memory_space<vmem>> -> memref<256x64xf32, #tpu.memory_space<vmem>>
      %dma_wait3A_766 = arith.constant 0 : i32
      %dma_wait3A_767 = arith.constant 0 : i32
      %dma_wait3A_768 = tpu.memref_slice %arg3[%dma_wait3A_766, %dma_wait3A_767] : memref<1000000x64xf32, #tpu.memory_space<hbm>> -> memref<256x64xf32, #tpu.memory_space<hbm>>
      tpu.wait_dma2 semaphore(%arg15 : memref<!tpu.dma_semaphore, #tpu.memory_space<semaphore_mem>>) src(%dma_wait3A_768 : memref<256x64xf32, #tpu.memory_space<hbm>>) dst(%dma_wait3A_765 : memref<256x64xf32, #tpu.memory_space<vmem>>)
      %add3A_769 = arith.constant 4 : i32
      %add3A_770 = arith.addi %add3A_746, %add3A_769 : i32
      %lt3A_771 = arith.constant 400 : i32
      %lt3A_772 = arith.cmpi slt, %add3A_770, %lt3A_771 : i32
      %convert_element_type3A_773 = arith.extui %lt3A_772 : i1 to i32
      %cond3A_774 = arith.constant 0 : i32
      %cond3A_775 = arith.cmpi ne, %convert_element_type3A_773, %cond3A_774 : i32
      scf.if %cond3A_775 {
        %add3A_840 = arith.constant 4 : i32
        %add3A_841 = arith.addi %add3A_746, %add3A_840 : i32
        %shift_right_arithmetic3A_842 = arith.constant 1 : i32
        %shift_right_arithmetic3A_843 = arith.shrsi %add3A_841, %shift_right_arithmetic3A_842 : i32
        %and3A_844 = arith.constant 1 : i32
        %and3A_845 = arith.andi %add3A_841, %and3A_844 : i32
        %mul3A_846 = arith.constant 256 : i32
        %mul3A_847 = arith.muli %and3A_845, %mul3A_846 : i32
        %add3A_848 = arith.addi %mul3A_2, %mul3A_847 : i32
        %dma_start3A_849 = arith.constant 3 : i32
        %dma_start3A_850 = arith.constant 0 : i32
        %dma_start3A_851 = tpu.memref_slice %arg5[%dma_start3A_849, %dma_start3A_850] : memref<4x256xi32, #tpu.memory_space<vmem>> -> memref<1x256xi32, #tpu.memory_space<vmem>>
        %dma_start3A_852 = tpu.memref_squeeze %dma_start3A_851 : memref<1x256xi32, #tpu.memory_space<vmem>> -> memref<256xi32, #tpu.memory_space<vmem>>
        %dma_start3A_853 = tpu.memref_slice %arg2[%shift_right_arithmetic3A_843, %add3A_848] : memref<200x16384xi32, #tpu.memory_space<hbm>> -> memref<1x256xi32, #tpu.memory_space<hbm>>
        %dma_start3A_854 = tpu.memref_squeeze %dma_start3A_853 : memref<1x256xi32, #tpu.memory_space<hbm>> -> memref<256xi32, #tpu.memory_space<hbm>>
        %dma_start3A_855 = arith.constant 0 : i32
        %dma_start3A_856 = tpu.memref_slice %arg5[%dma_start3A_849, %dma_start3A_855] : memref<4x256xi32, #tpu.memory_space<vmem>> -> memref<1x256xi32, #tpu.memory_space<vmem>>
        %dma_start3A_857 = tpu.memref_squeeze %dma_start3A_856 : memref<1x256xi32, #tpu.memory_space<vmem>> -> memref<256xi32, #tpu.memory_space<vmem>>
        %dma_start3A_858 = tpu.memref_slice %arg2[%shift_right_arithmetic3A_843, %add3A_848] : memref<200x16384xi32, #tpu.memory_space<hbm>> -> memref<1x256xi32, #tpu.memory_space<hbm>>
        %dma_start3A_859 = tpu.memref_squeeze %dma_start3A_858 : memref<1x256xi32, #tpu.memory_space<hbm>> -> memref<256xi32, #tpu.memory_space<hbm>>
        tpu.enqueue_dma source(%dma_start3A_859 : memref<256xi32, #tpu.memory_space<hbm>>) target(%dma_start3A_857 : memref<256xi32, #tpu.memory_space<vmem>>) target_semaphore(%arg11 : memref<!tpu.dma_semaphore, #tpu.memory_space<semaphore_mem>>)
      } else {
      }
      %ge3A_776 = arith.constant 2 : i32
      %ge3A_777 = arith.cmpi sge, %add3A_746, %ge3A_776 : i32
      %convert_element_type3A_778 = arith.extui %ge3A_777 : i1 to i32
      %cond3A_779 = arith.constant 0 : i32
      %cond3A_780 = arith.cmpi ne, %convert_element_type3A_778, %cond3A_779 : i32
      scf.if %cond3A_780 {
        %dma_wait3A_840 = arith.constant 1 : i32
        %dma_wait3A_841 = arith.constant 0 : i32
        %dma_wait3A_842 = arith.constant 0 : i32
        %dma_wait3A_843 = arith.constant 0 : i32
        %dma_wait3A_844 = arith.constant 0 : i32
        %dma_wait3A_845 = arith.constant 0 : i32
        %dma_wait3A_846 = tpu.memref_slice %arg7[%dma_wait3A_840, %dma_wait3A_843, %dma_wait3A_844, %dma_wait3A_845] : memref<2x8x8x257xf32, #tpu.memory_space<vmem>> -> memref<1x8x8x128xf32, #tpu.memory_space<vmem>>
        %dma_wait3A_847 = tpu.memref_squeeze %dma_wait3A_846 : memref<1x8x8x128xf32, #tpu.memory_space<vmem>> -> memref<8x8x128xf32, #tpu.memory_space<vmem>>
        %dma_wait3A_848 = arith.constant 0 : i32
        %dma_wait3A_849 = arith.constant 0 : i32
        %dma_wait3A_850 = arith.constant 0 : i32
        %dma_wait3A_851 = tpu.memref_slice %arg4[%dma_wait3A_841, %dma_wait3A_848, %dma_wait3A_842, %dma_wait3A_849, %dma_wait3A_850] : memref<200x8x128x8x128xf32, #tpu.memory_space<hbm>> -> memref<1x8x1x8x128xf32, #tpu.memory_space<hbm>>
        %dma_wait3A_852 = tpu.memref_squeeze %dma_wait3A_851 : memref<1x8x1x8x128xf32, #tpu.memory_space<hbm>> -> memref<8x8x128xf32, #tpu.memory_space<hbm>>
        %dma_wait3A_853 = arith.constant 0 : i32
        %dma_wait3A_854 = arith.constant 0 : i32
        %dma_wait3A_855 = arith.constant 0 : i32
        %dma_wait3A_856 = tpu.memref_slice %arg4[%dma_wait3A_841, %dma_wait3A_853, %dma_wait3A_842, %dma_wait3A_854, %dma_wait3A_855] : memref<200x8x128x8x128xf32, #tpu.memory_space<hbm>> -> memref<1x8x1x8x128xf32, #tpu.memory_space<hbm>>
        %dma_wait3A_857 = tpu.memref_squeeze %dma_wait3A_856 : memref<1x8x1x8x128xf32, #tpu.memory_space<hbm>> -> memref<8x8x128xf32, #tpu.memory_space<hbm>>
        %dma_wait3A_858 = arith.constant 0 : i32
        %dma_wait3A_859 = arith.constant 0 : i32
        %dma_wait3A_860 = arith.constant 0 : i32
        %dma_wait3A_861 = tpu.memref_slice %arg7[%dma_wait3A_840, %dma_wait3A_858, %dma_wait3A_859, %dma_wait3A_860] : memref<2x8x8x257xf32, #tpu.memory_space<vmem>> -> memref<1x8x8x128xf32, #tpu.memory_space<vmem>>
        %dma_wait3A_862 = tpu.memref_squeeze %dma_wait3A_861 : memref<1x8x8x128xf32, #tpu.memory_space<vmem>> -> memref<8x8x128xf32, #tpu.memory_space<vmem>>
        tpu.wait_dma2 semaphore(%arg17 : memref<!tpu.dma_semaphore, #tpu.memory_space<semaphore_mem>>) src(%dma_wait3A_862 : memref<8x8x128xf32, #tpu.memory_space<vmem>>) dst(%dma_wait3A_857 : memref<8x8x128xf32, #tpu.memory_space<hbm>>)
        %dma_wait3A_863 = arith.constant 1 : i32
        %dma_wait3A_864 = arith.constant 0 : i32
        %dma_wait3A_865 = arith.constant 0 : i32
        %dma_wait3A_866 = arith.constant 0 : i32
        %dma_wait3A_867 = arith.constant 0 : i32
        %dma_wait3A_868 = arith.constant 128 : i32
        %dma_wait3A_869 = tpu.memref_slice %arg7[%dma_wait3A_863, %dma_wait3A_866, %dma_wait3A_867, %dma_wait3A_868] : memref<2x8x8x257xf32, #tpu.memory_space<vmem>> -> memref<1x8x8x128xf32, #tpu.memory_space<vmem>>
        %dma_wait3A_870 = tpu.memref_squeeze %dma_wait3A_869 : memref<1x8x8x128xf32, #tpu.memory_space<vmem>> -> memref<8x8x128xf32, #tpu.memory_space<vmem>>
        %dma_wait3A_871 = arith.constant 0 : i32
        %dma_wait3A_872 = arith.constant 0 : i32
        %dma_wait3A_873 = arith.constant 0 : i32
        %dma_wait3A_874 = tpu.memref_slice %arg4[%dma_wait3A_864, %dma_wait3A_871, %dma_wait3A_865, %dma_wait3A_872, %dma_wait3A_873] : memref<200x8x128x8x128xf32, #tpu.memory_space<hbm>> -> memref<1x8x1x8x128xf32, #tpu.memory_space<hbm>>
        %dma_wait3A_875 = tpu.memref_squeeze %dma_wait3A_874 : memref<1x8x1x8x128xf32, #tpu.memory_space<hbm>> -> memref<8x8x128xf32, #tpu.memory_space<hbm>>
        %dma_wait3A_876 = arith.constant 0 : i32
        %dma_wait3A_877 = arith.constant 0 : i32
        %dma_wait3A_878 = arith.constant 0 : i32
        %dma_wait3A_879 = tpu.memref_slice %arg4[%dma_wait3A_864, %dma_wait3A_876, %dma_wait3A_865, %dma_wait3A_877, %dma_wait3A_878] : memref<200x8x128x8x128xf32, #tpu.memory_space<hbm>> -> memref<1x8x1x8x128xf32, #tpu.memory_space<hbm>>
        %dma_wait3A_880 = tpu.memref_squeeze %dma_wait3A_879 : memref<1x8x1x8x128xf32, #tpu.memory_space<hbm>> -> memref<8x8x128xf32, #tpu.memory_space<hbm>>
        %dma_wait3A_881 = arith.constant 0 : i32
        %dma_wait3A_882 = arith.constant 0 : i32
        %dma_wait3A_883 = arith.constant 128 : i32
        %dma_wait3A_884 = tpu.memref_slice %arg7[%dma_wait3A_863, %dma_wait3A_881, %dma_wait3A_882, %dma_wait3A_883] : memref<2x8x8x257xf32, #tpu.memory_space<vmem>> -> memref<1x8x8x128xf32, #tpu.memory_space<vmem>>
        %dma_wait3A_885 = tpu.memref_squeeze %dma_wait3A_884 : memref<1x8x8x128xf32, #tpu.memory_space<vmem>> -> memref<8x8x128xf32, #tpu.memory_space<vmem>>
        tpu.wait_dma2 semaphore(%arg17 : memref<!tpu.dma_semaphore, #tpu.memory_space<semaphore_mem>>) src(%dma_wait3A_885 : memref<8x8x128xf32, #tpu.memory_space<vmem>>) dst(%dma_wait3A_880 : memref<8x8x128xf32, #tpu.memory_space<hbm>>)
      } else {
      }
      %parallel_loop3A_781 = arith.constant 0 : i32
      %parallel_loop3A_782 = arith.constant 256 : i32
      %parallel_loop3A_783 = arith.constant 1 : i32
      %parallel_loop3A_784 = arith.constant 1 : i32
      scf.for %parallel_loop3A_840 = %parallel_loop3A_781 to %parallel_loop3A_782 step %parallel_loop3A_783  : i32 {
        %parallel_loop3A_841 = vector.broadcast %parallel_loop3A_840 : i32 to vector<16xi32>
        %parallel_loop3A_842 = arith.constant 3 : i32
        %parallel_loop3A_843 = arith.index_cast %parallel_loop3A_842 : i32 to index
        %parallel_loop3A_844 = arith.index_cast %parallel_loop3A_840 : i32 to index
        %parallel_loop3A_845 = arith.constant 0 : index
        %parallel_loop3A_846 = tpu.vector_load %arg6[%parallel_loop3A_843, %parallel_loop3A_844, %parallel_loop3A_845] {strides = array<i32>} : memref<4x256x64xf32, #tpu.memory_space<vmem>>, vector<16xf32>,
        %parallel_loop3A_847 = arith.constant 8.000000e+00 : f32
        %parallel_loop3A_848 = vector.broadcast %parallel_loop3A_847 : f32 to vector<16xf32>
        %parallel_loop3A_849 = arith.mulf %parallel_loop3A_846, %parallel_loop3A_848 : vector<16xf32>
        %parallel_loop3A_850 = arith.constant 0 : i32
        %parallel_loop3A_851 = arith.constant 0 : i32
        %parallel_loop3A_852 = arith.constant 0 : i32
        %parallel_loop3A_853 = tpu.memref_slice %arg7[%parallel_loop3A_784, %parallel_loop3A_850, %parallel_loop3A_851, %parallel_loop3A_852] : memref<2x8x8x257xf32, #tpu.memory_space<vmem>> -> memref<1x8x8x257xf32, #tpu.memory_space<vmem>>
        %parallel_loop3A_854 = tpu.memref_squeeze %parallel_loop3A_853 : memref<1x8x8x257xf32, #tpu.memory_space<vmem>> -> memref<8x8x257xf32, #tpu.memory_space<vmem>>
        tpu.vector_store_idx %parallel_loop3A_854[%select_n3A, %select_n3A_51, %parallel_loop3A_841], %parallel_loop3A_849 : memref<8x8x257xf32, #tpu.memory_space<vmem>>[vector<16xi32>, vector<16xi32>, vector<16xi32>], vector<16xf32>,
        %parallel_loop3A_855 = arith.constant 3 : i32
        %parallel_loop3A_856 = arith.index_cast %parallel_loop3A_855 : i32 to index
        %parallel_loop3A_857 = arith.index_cast %parallel_loop3A_840 : i32 to index
        %parallel_loop3A_858 = arith.constant 16 : index
        %parallel_loop3A_859 = tpu.vector_load %arg6[%parallel_loop3A_856, %parallel_loop3A_857, %parallel_loop3A_858] {strides = array<i32>} : memref<4x256x64xf32, #tpu.memory_space<vmem>>, vector<16xf32>,
        %parallel_loop3A_860 = arith.constant 8.000000e+00 : f32
        %parallel_loop3A_861 = vector.broadcast %parallel_loop3A_860 : f32 to vector<16xf32>
        %parallel_loop3A_862 = arith.mulf %parallel_loop3A_859, %parallel_loop3A_861 : vector<16xf32>
        %parallel_loop3A_863 = arith.constant 0 : i32
        %parallel_loop3A_864 = arith.constant 0 : i32
        %parallel_loop3A_865 = arith.constant 0 : i32
        %parallel_loop3A_866 = tpu.memref_slice %arg7[%parallel_loop3A_784, %parallel_loop3A_863, %parallel_loop3A_864, %parallel_loop3A_865] : memref<2x8x8x257xf32, #tpu.memory_space<vmem>> -> memref<1x8x8x257xf32, #tpu.memory_space<vmem>>
        %parallel_loop3A_867 = tpu.memref_squeeze %parallel_loop3A_866 : memref<1x8x8x257xf32, #tpu.memory_space<vmem>> -> memref<8x8x257xf32, #tpu.memory_space<vmem>>
        tpu.vector_store_idx %parallel_loop3A_867[%select_n3A_85, %select_n3A_110, %parallel_loop3A_841], %parallel_loop3A_862 : memref<8x8x257xf32, #tpu.memory_space<vmem>>[vector<16xi32>, vector<16xi32>, vector<16xi32>], vector<16xf32>,
        %parallel_loop3A_868 = arith.constant 3 : i32
        %parallel_loop3A_869 = arith.index_cast %parallel_loop3A_868 : i32 to index
        %parallel_loop3A_870 = arith.index_cast %parallel_loop3A_840 : i32 to index
        %parallel_loop3A_871 = arith.constant 32 : index
        %parallel_loop3A_872 = tpu.vector_load %arg6[%parallel_loop3A_869, %parallel_loop3A_870, %parallel_loop3A_871] {strides = array<i32>} : memref<4x256x64xf32, #tpu.memory_space<vmem>>, vector<16xf32>,
        %parallel_loop3A_873 = arith.constant 8.000000e+00 : f32
        %parallel_loop3A_874 = vector.broadcast %parallel_loop3A_873 : f32 to vector<16xf32>
        %parallel_loop3A_875 = arith.mulf %parallel_loop3A_872, %parallel_loop3A_874 : vector<16xf32>
        %parallel_loop3A_876 = arith.constant 0 : i32
        %parallel_loop3A_877 = arith.constant 0 : i32
        %parallel_loop3A_878 = arith.constant 0 : i32
        %parallel_loop3A_879 = tpu.memref_slice %arg7[%parallel_loop3A_784, %parallel_loop3A_876, %parallel_loop3A_877, %parallel_loop3A_878] : memref<2x8x8x257xf32, #tpu.memory_space<vmem>> -> memref<1x8x8x257xf32, #tpu.memory_space<vmem>>
        %parallel_loop3A_880 = tpu.memref_squeeze %parallel_loop3A_879 : memref<1x8x8x257xf32, #tpu.memory_space<vmem>> -> memref<8x8x257xf32, #tpu.memory_space<vmem>>
        tpu.vector_store_idx %parallel_loop3A_880[%select_n3A_144, %select_n3A_169, %parallel_loop3A_841], %parallel_loop3A_875 : memref<8x8x257xf32, #tpu.memory_space<vmem>>[vector<16xi32>, vector<16xi32>, vector<16xi32>], vector<16xf32>,
        %parallel_loop3A_881 = arith.constant 3 : i32
        %parallel_loop3A_882 = arith.index_cast %parallel_loop3A_881 : i32 to index
        %parallel_loop3A_883 = arith.index_cast %parallel_loop3A_840 : i32 to index
        %parallel_loop3A_884 = arith.constant 48 : index
        %parallel_loop3A_885 = tpu.vector_load %arg6[%parallel_loop3A_882, %parallel_loop3A_883, %parallel_loop3A_884] {strides = array<i32>} : memref<4x256x64xf32, #tpu.memory_space<vmem>>, vector<16xf32>,
        %parallel_loop3A_886 = arith.constant 8.000000e+00 : f32
        %parallel_loop3A_887 = vector.broadcast %parallel_loop3A_886 : f32 to vector<16xf32>
        %parallel_loop3A_888 = arith.mulf %parallel_loop3A_885, %parallel_loop3A_887 : vector<16xf32>
        %parallel_loop3A_889 = arith.constant 0 : i32
        %parallel_loop3A_890 = arith.constant 0 : i32
        %parallel_loop3A_891 = arith.constant 0 : i32
        %parallel_loop3A_892 = tpu.memref_slice %arg7[%parallel_loop3A_784, %parallel_loop3A_889, %parallel_loop3A_890, %parallel_loop3A_891] : memref<2x8x8x257xf32, #tpu.memory_space<vmem>> -> memref<1x8x8x257xf32, #tpu.memory_space<vmem>>
        %parallel_loop3A_893 = tpu.memref_squeeze %parallel_loop3A_892 : memref<1x8x8x257xf32, #tpu.memory_space<vmem>> -> memref<8x8x257xf32, #tpu.memory_space<vmem>>
        tpu.vector_store_idx %parallel_loop3A_893[%select_n3A_203, %select_n3A_228, %parallel_loop3A_841], %parallel_loop3A_888 : memref<8x8x257xf32, #tpu.memory_space<vmem>>[vector<16xi32>, vector<16xi32>, vector<16xi32>], vector<16xf32>,
      } {sc.loop_unroll_factor = 4 : i64, sc.parallel_access}
      %shift_right_arithmetic3A_785 = arith.constant 1 : i32
      %shift_right_arithmetic3A_786 = arith.shrsi %add3A_746, %shift_right_arithmetic3A_785 : i32
      %mul3A_787 = arith.constant 4 : i32
      %mul3A_788 = arith.muli %add3A, %mul3A_787 : i32
      %and3A_789 = arith.constant 1 : i32
      %and3A_790 = arith.andi %add3A_746, %and3A_789 : i32
      %mul3A_791 = arith.constant 2 : i32
      %mul3A_792 = arith.muli %and3A_790, %mul3A_791 : i32
      %add3A_793 = arith.addi %mul3A_788, %mul3A_792 : i32
      %add3A_794 = arith.constant 0 : i32
      %add3A_795 = arith.addi %add3A_793, %add3A_794 : i32
      %dma_start3A_796 = arith.constant 1 : i32
      %dma_start3A_797 = arith.constant 0 : i32
      %dma_start3A_798 = arith.constant 0 : i32
      %dma_start3A_799 = arith.constant 0 : i32
      %dma_start3A_800 = tpu.memref_slice %arg7[%dma_start3A_796, %dma_start3A_797, %dma_start3A_798, %dma_start3A_799] : memref<2x8x8x257xf32, #tpu.memory_space<vmem>> -> memref<1x8x8x128xf32, #tpu.memory_space<vmem>>
      %dma_start3A_801 = tpu.memref_squeeze %dma_start3A_800 : memref<1x8x8x128xf32, #tpu.memory_space<vmem>> -> memref<8x8x128xf32, #tpu.memory_space<vmem>>
      %dma_start3A_802 = arith.constant 0 : i32
      %dma_start3A_803 = arith.constant 0 : i32
      %dma_start3A_804 = arith.constant 0 : i32
      %dma_start3A_805 = tpu.memref_slice %arg4[%shift_right_arithmetic3A_786, %dma_start3A_802, %add3A_795, %dma_start3A_803, %dma_start3A_804] : memref<200x8x128x8x128xf32, #tpu.memory_space<hbm>> -> memref<1x8x1x8x128xf32, #tpu.memory_space<hbm>>
      %dma_start3A_806 = tpu.memref_squeeze %dma_start3A_805 : memref<1x8x1x8x128xf32, #tpu.memory_space<hbm>> -> memref<8x8x128xf32, #tpu.memory_space<hbm>>
      %dma_start3A_807 = arith.constant 0 : i32
      %dma_start3A_808 = arith.constant 0 : i32
      %dma_start3A_809 = arith.constant 0 : i32
      %dma_start3A_810 = tpu.memref_slice %arg4[%shift_right_arithmetic3A_786, %dma_start3A_807, %add3A_795, %dma_start3A_808, %dma_start3A_809] : memref<200x8x128x8x128xf32, #tpu.memory_space<hbm>> -> memref<1x8x1x8x128xf32, #tpu.memory_space<hbm>>
      %dma_start3A_811 = tpu.memref_squeeze %dma_start3A_810 : memref<1x8x1x8x128xf32, #tpu.memory_space<hbm>> -> memref<8x8x128xf32, #tpu.memory_space<hbm>>
      %dma_start3A_812 = arith.constant 0 : i32
      %dma_start3A_813 = arith.constant 0 : i32
      %dma_start3A_814 = arith.constant 0 : i32
      %dma_start3A_815 = tpu.memref_slice %arg7[%dma_start3A_796, %dma_start3A_812, %dma_start3A_813, %dma_start3A_814] : memref<2x8x8x257xf32, #tpu.memory_space<vmem>> -> memref<1x8x8x128xf32, #tpu.memory_space<vmem>>
      %dma_start3A_816 = tpu.memref_squeeze %dma_start3A_815 : memref<1x8x8x128xf32, #tpu.memory_space<vmem>> -> memref<8x8x128xf32, #tpu.memory_space<vmem>>
      tpu.enqueue_dma source(%dma_start3A_816 : memref<8x8x128xf32, #tpu.memory_space<vmem>>) target(%dma_start3A_811 : memref<8x8x128xf32, #tpu.memory_space<hbm>>) target_semaphore(%arg17 : memref<!tpu.dma_semaphore, #tpu.memory_space<semaphore_mem>>)
      %add3A_817 = arith.constant 1 : i32
      %add3A_818 = arith.addi %add3A_793, %add3A_817 : i32
      %dma_start3A_819 = arith.constant 1 : i32
      %dma_start3A_820 = arith.constant 0 : i32
      %dma_start3A_821 = arith.constant 0 : i32
      %dma_start3A_822 = arith.constant 128 : i32
      %dma_start3A_823 = tpu.memref_slice %arg7[%dma_start3A_819, %dma_start3A_820, %dma_start3A_821, %dma_start3A_822] : memref<2x8x8x257xf32, #tpu.memory_space<vmem>> -> memref<1x8x8x128xf32, #tpu.memory_space<vmem>>
      %dma_start3A_824 = tpu.memref_squeeze %dma_start3A_823 : memref<1x8x8x128xf32, #tpu.memory_space<vmem>> -> memref<8x8x128xf32, #tpu.memory_space<vmem>>
      %dma_start3A_825 = arith.constant 0 : i32
      %dma_start3A_826 = arith.constant 0 : i32
      %dma_start3A_827 = arith.constant 0 : i32
      %dma_start3A_828 = tpu.memref_slice %arg4[%shift_right_arithmetic3A_786, %dma_start3A_825, %add3A_818, %dma_start3A_826, %dma_start3A_827] : memref<200x8x128x8x128xf32, #tpu.memory_space<hbm>> -> memref<1x8x1x8x128xf32, #tpu.memory_space<hbm>>
      %dma_start3A_829 = tpu.memref_squeeze %dma_start3A_828 : memref<1x8x1x8x128xf32, #tpu.memory_space<hbm>> -> memref<8x8x128xf32, #tpu.memory_space<hbm>>
      %dma_start3A_830 = arith.constant 0 : i32
      %dma_start3A_831 = arith.constant 0 : i32
      %dma_start3A_832 = arith.constant 0 : i32
      %dma_start3A_833 = tpu.memref_slice %arg4[%shift_right_arithmetic3A_786, %dma_start3A_830, %add3A_818, %dma_start3A_831, %dma_start3A_832] : memref<200x8x128x8x128xf32, #tpu.memory_space<hbm>> -> memref<1x8x1x8x128xf32, #tpu.memory_space<hbm>>
      %dma_start3A_834 = tpu.memref_squeeze %dma_start3A_833 : memref<1x8x1x8x128xf32, #tpu.memory_space<hbm>> -> memref<8x8x128xf32, #tpu.memory_space<hbm>>
      %dma_start3A_835 = arith.constant 0 : i32
      %dma_start3A_836 = arith.constant 0 : i32
      %dma_start3A_837 = arith.constant 128 : i32
      %dma_start3A_838 = tpu.memref_slice %arg7[%dma_start3A_819, %dma_start3A_835, %dma_start3A_836, %dma_start3A_837] : memref<2x8x8x257xf32, #tpu.memory_space<vmem>> -> memref<1x8x8x128xf32, #tpu.memory_space<vmem>>
      %dma_start3A_839 = tpu.memref_squeeze %dma_start3A_838 : memref<1x8x8x128xf32, #tpu.memory_space<vmem>> -> memref<8x8x128xf32, #tpu.memory_space<vmem>>
      tpu.enqueue_dma source(%dma_start3A_839 : memref<8x8x128xf32, #tpu.memory_space<vmem>>) target(%dma_start3A_834 : memref<8x8x128xf32, #tpu.memory_space<hbm>>) target_semaphore(%arg17 : memref<!tpu.dma_semaphore, #tpu.memory_space<semaphore_mem>>)
    }
    %scan3A_363 = arith.constant 100 : i32
    %dma_wait3A_364 = arith.constant 1 : i32
    %dma_wait3A_365 = arith.constant 0 : i32
    %dma_wait3A_366 = arith.constant 0 : i32
    %dma_wait3A_367 = arith.constant 0 : i32
    %dma_wait3A_368 = arith.constant 0 : i32
    %dma_wait3A_369 = arith.constant 0 : i32
    %dma_wait3A_370 = tpu.memref_slice %arg7[%dma_wait3A_364, %dma_wait3A_367, %dma_wait3A_368, %dma_wait3A_369] : memref<2x8x8x257xf32, #tpu.memory_space<vmem>> -> memref<1x8x8x128xf32, #tpu.memory_space<vmem>>
    %dma_wait3A_371 = tpu.memref_squeeze %dma_wait3A_370 : memref<1x8x8x128xf32, #tpu.memory_space<vmem>> -> memref<8x8x128xf32, #tpu.memory_space<vmem>>
    %dma_wait3A_372 = arith.constant 0 : i32
    %dma_wait3A_373 = arith.constant 0 : i32
    %dma_wait3A_374 = arith.constant 0 : i32
    %dma_wait3A_375 = tpu.memref_slice %arg4[%dma_wait3A_365, %dma_wait3A_372, %dma_wait3A_366, %dma_wait3A_373, %dma_wait3A_374] : memref<200x8x128x8x128xf32, #tpu.memory_space<hbm>> -> memref<1x8x1x8x128xf32, #tpu.memory_space<hbm>>
    %dma_wait3A_376 = tpu.memref_squeeze %dma_wait3A_375 : memref<1x8x1x8x128xf32, #tpu.memory_space<hbm>> -> memref<8x8x128xf32, #tpu.memory_space<hbm>>
    %dma_wait3A_377 = arith.constant 0 : i32
    %dma_wait3A_378 = arith.constant 0 : i32
    %dma_wait3A_379 = arith.constant 0 : i32
    %dma_wait3A_380 = tpu.memref_slice %arg4[%dma_wait3A_365, %dma_wait3A_377, %dma_wait3A_366, %dma_wait3A_378, %dma_wait3A_379] : memref<200x8x128x8x128xf32, #tpu.memory_space<hbm>> -> memref<1x8x1x8x128xf32, #tpu.memory_space<hbm>>
    %dma_wait3A_381 = tpu.memref_squeeze %dma_wait3A_380 : memref<1x8x1x8x128xf32, #tpu.memory_space<hbm>> -> memref<8x8x128xf32, #tpu.memory_space<hbm>>
    %dma_wait3A_382 = arith.constant 0 : i32
    %dma_wait3A_383 = arith.constant 0 : i32
    %dma_wait3A_384 = arith.constant 0 : i32
    %dma_wait3A_385 = tpu.memref_slice %arg7[%dma_wait3A_364, %dma_wait3A_382, %dma_wait3A_383, %dma_wait3A_384] : memref<2x8x8x257xf32, #tpu.memory_space<vmem>> -> memref<1x8x8x128xf32, #tpu.memory_space<vmem>>
    %dma_wait3A_386 = tpu.memref_squeeze %dma_wait3A_385 : memref<1x8x8x128xf32, #tpu.memory_space<vmem>> -> memref<8x8x128xf32, #tpu.memory_space<vmem>>
    tpu.wait_dma2 semaphore(%arg17 : memref<!tpu.dma_semaphore, #tpu.memory_space<semaphore_mem>>) src(%dma_wait3A_386 : memref<8x8x128xf32, #tpu.memory_space<vmem>>) dst(%dma_wait3A_381 : memref<8x8x128xf32, #tpu.memory_space<hbm>>)
    %dma_wait3A_387 = arith.constant 1 : i32
    %dma_wait3A_388 = arith.constant 0 : i32
    %dma_wait3A_389 = arith.constant 0 : i32
    %dma_wait3A_390 = arith.constant 0 : i32
    %dma_wait3A_391 = arith.constant 0 : i32
    %dma_wait3A_392 = arith.constant 128 : i32
    %dma_wait3A_393 = tpu.memref_slice %arg7[%dma_wait3A_387, %dma_wait3A_390, %dma_wait3A_391, %dma_wait3A_392] : memref<2x8x8x257xf32, #tpu.memory_space<vmem>> -> memref<1x8x8x128xf32, #tpu.memory_space<vmem>>
    %dma_wait3A_394 = tpu.memref_squeeze %dma_wait3A_393 : memref<1x8x8x128xf32, #tpu.memory_space<vmem>> -> memref<8x8x128xf32, #tpu.memory_space<vmem>>
    %dma_wait3A_395 = arith.constant 0 : i32
    %dma_wait3A_396 = arith.constant 0 : i32
    %dma_wait3A_397 = arith.constant 0 : i32
    %dma_wait3A_398 = tpu.memref_slice %arg4[%dma_wait3A_388, %dma_wait3A_395, %dma_wait3A_389, %dma_wait3A_396, %dma_wait3A_397] : memref<200x8x128x8x128xf32, #tpu.memory_space<hbm>> -> memref<1x8x1x8x128xf32, #tpu.memory_space<hbm>>
    %dma_wait3A_399 = tpu.memref_squeeze %dma_wait3A_398 : memref<1x8x1x8x128xf32, #tpu.memory_space<hbm>> -> memref<8x8x128xf32, #tpu.memory_space<hbm>>
    %dma_wait3A_400 = arith.constant 0 : i32
    %dma_wait3A_401 = arith.constant 0 : i32
    %dma_wait3A_402 = arith.constant 0 : i32
    %dma_wait3A_403 = tpu.memref_slice %arg4[%dma_wait3A_388, %dma_wait3A_400, %dma_wait3A_389, %dma_wait3A_401, %dma_wait3A_402] : memref<200x8x128x8x128xf32, #tpu.memory_space<hbm>> -> memref<1x8x1x8x128xf32, #tpu.memory_space<hbm>>
    %dma_wait3A_404 = tpu.memref_squeeze %dma_wait3A_403 : memref<1x8x1x8x128xf32, #tpu.memory_space<hbm>> -> memref<8x8x128xf32, #tpu.memory_space<hbm>>
    %dma_wait3A_405 = arith.constant 0 : i32
    %dma_wait3A_406 = arith.constant 0 : i32
    %dma_wait3A_407 = arith.constant 128 : i32
    %dma_wait3A_408 = tpu.memref_slice %arg7[%dma_wait3A_387, %dma_wait3A_405, %dma_wait3A_406, %dma_wait3A_407] : memref<2x8x8x257xf32, #tpu.memory_space<vmem>> -> memref<1x8x8x128xf32, #tpu.memory_space<vmem>>
    %dma_wait3A_409 = tpu.memref_squeeze %dma_wait3A_408 : memref<1x8x8x128xf32, #tpu.memory_space<vmem>> -> memref<8x8x128xf32, #tpu.memory_space<vmem>>
    tpu.wait_dma2 semaphore(%arg17 : memref<!tpu.dma_semaphore, #tpu.memory_space<semaphore_mem>>) src(%dma_wait3A_409 : memref<8x8x128xf32, #tpu.memory_space<vmem>>) dst(%dma_wait3A_404 : memref<8x8x128xf32, #tpu.memory_space<hbm>>)
    %dma_wait3A_410 = arith.constant 0 : i32
    %dma_wait3A_411 = arith.constant 0 : i32
    %dma_wait3A_412 = arith.constant 0 : i32
    %dma_wait3A_413 = arith.constant 0 : i32
    %dma_wait3A_414 = arith.constant 0 : i32
    %dma_wait3A_415 = arith.constant 0 : i32
    %dma_wait3A_416 = tpu.memref_slice %arg7[%dma_wait3A_410, %dma_wait3A_413, %dma_wait3A_414, %dma_wait3A_415] : memref<2x8x8x257xf32, #tpu.memory_space<vmem>> -> memref<1x8x8x128xf32, #tpu.memory_space<vmem>>
    %dma_wait3A_417 = tpu.memref_squeeze %dma_wait3A_416 : memref<1x8x8x128xf32, #tpu.memory_space<vmem>> -> memref<8x8x128xf32, #tpu.memory_space<vmem>>
    %dma_wait3A_418 = arith.constant 0 : i32
    %dma_wait3A_419 = arith.constant 0 : i32
    %dma_wait3A_420 = arith.constant 0 : i32
    %dma_wait3A_421 = tpu.memref_slice %arg4[%dma_wait3A_411, %dma_wait3A_418, %dma_wait3A_412, %dma_wait3A_419, %dma_wait3A_420] : memref<200x8x128x8x128xf32, #tpu.memory_space<hbm>> -> memref<1x8x1x8x128xf32, #tpu.memory_space<hbm>>
    %dma_wait3A_422 = tpu.memref_squeeze %dma_wait3A_421 : memref<1x8x1x8x128xf32, #tpu.memory_space<hbm>> -> memref<8x8x128xf32, #tpu.memory_space<hbm>>
    %dma_wait3A_423 = arith.constant 0 : i32
    %dma_wait3A_424 = arith.constant 0 : i32
    %dma_wait3A_425 = arith.constant 0 : i32
    %dma_wait3A_426 = tpu.memref_slice %arg4[%dma_wait3A_411, %dma_wait3A_423, %dma_wait3A_412, %dma_wait3A_424, %dma_wait3A_425] : memref<200x8x128x8x128xf32, #tpu.memory_space<hbm>> -> memref<1x8x1x8x128xf32, #tpu.memory_space<hbm>>
    %dma_wait3A_427 = tpu.memref_squeeze %dma_wait3A_426 : memref<1x8x1x8x128xf32, #tpu.memory_space<hbm>> -> memref<8x8x128xf32, #tpu.memory_space<hbm>>
    %dma_wait3A_428 = arith.constant 0 : i32
    %dma_wait3A_429 = arith.constant 0 : i32
    %dma_wait3A_430 = arith.constant 0 : i32
    %dma_wait3A_431 = tpu.memref_slice %arg7[%dma_wait3A_410, %dma_wait3A_428, %dma_wait3A_429, %dma_wait3A_430] : memref<2x8x8x257xf32, #tpu.memory_space<vmem>> -> memref<1x8x8x128xf32, #tpu.memory_space<vmem>>
    %dma_wait3A_432 = tpu.memref_squeeze %dma_wait3A_431 : memref<1x8x8x128xf32, #tpu.memory_space<vmem>> -> memref<8x8x128xf32, #tpu.memory_space<vmem>>
    tpu.wait_dma2 semaphore(%arg16 : memref<!tpu.dma_semaphore, #tpu.memory_space<semaphore_mem>>) src(%dma_wait3A_432 : memref<8x8x128xf32, #tpu.memory_space<vmem>>) dst(%dma_wait3A_427 : memref<8x8x128xf32, #tpu.memory_space<hbm>>)
    %dma_wait3A_433 = arith.constant 0 : i32
    %dma_wait3A_434 = arith.constant 0 : i32
    %dma_wait3A_435 = arith.constant 0 : i32
    %dma_wait3A_436 = arith.constant 0 : i32
    %dma_wait3A_437 = arith.constant 0 : i32
    %dma_wait3A_438 = arith.constant 128 : i32
    %dma_wait3A_439 = tpu.memref_slice %arg7[%dma_wait3A_433, %dma_wait3A_436, %dma_wait3A_437, %dma_wait3A_438] : memref<2x8x8x257xf32, #tpu.memory_space<vmem>> -> memref<1x8x8x128xf32, #tpu.memory_space<vmem>>
    %dma_wait3A_440 = tpu.memref_squeeze %dma_wait3A_439 : memref<1x8x8x128xf32, #tpu.memory_space<vmem>> -> memref<8x8x128xf32, #tpu.memory_space<vmem>>
    %dma_wait3A_441 = arith.constant 0 : i32
    %dma_wait3A_442 = arith.constant 0 : i32
    %dma_wait3A_443 = arith.constant 0 : i32
    %dma_wait3A_444 = tpu.memref_slice %arg4[%dma_wait3A_434, %dma_wait3A_441, %dma_wait3A_435, %dma_wait3A_442, %dma_wait3A_443] : memref<200x8x128x8x128xf32, #tpu.memory_space<hbm>> -> memref<1x8x1x8x128xf32, #tpu.memory_space<hbm>>
    %dma_wait3A_445 = tpu.memref_squeeze %dma_wait3A_444 : memref<1x8x1x8x128xf32, #tpu.memory_space<hbm>> -> memref<8x8x128xf32, #tpu.memory_space<hbm>>
    %dma_wait3A_446 = arith.constant 0 : i32
    %dma_wait3A_447 = arith.constant 0 : i32
    %dma_wait3A_448 = arith.constant 0 : i32
    %dma_wait3A_449 = tpu.memref_slice %arg4[%dma_wait3A_434, %dma_wait3A_446, %dma_wait3A_435, %dma_wait3A_447, %dma_wait3A_448] : memref<200x8x128x8x128xf32, #tpu.memory_space<hbm>> -> memref<1x8x1x8x128xf32, #tpu.memory_space<hbm>>
    %dma_wait3A_450 = tpu.memref_squeeze %dma_wait3A_449 : memref<1x8x1x8x128xf32, #tpu.memory_space<hbm>> -> memref<8x8x128xf32, #tpu.memory_space<hbm>>
    %dma_wait3A_451 = arith.constant 0 : i32
    %dma_wait3A_452 = arith.constant 0 : i32
    %dma_wait3A_453 = arith.constant 128 : i32
    %dma_wait3A_454 = tpu.memref_slice %arg7[%dma_wait3A_433, %dma_wait3A_451, %dma_wait3A_452, %dma_wait3A_453] : memref<2x8x8x257xf32, #tpu.memory_space<vmem>> -> memref<1x8x8x128xf32, #tpu.memory_space<vmem>>
    %dma_wait3A_455 = tpu.memref_squeeze %dma_wait3A_454 : memref<1x8x8x128xf32, #tpu.memory_space<vmem>> -> memref<8x8x128xf32, #tpu.memory_space<vmem>>
    tpu.wait_dma2 semaphore(%arg16 : memref<!tpu.dma_semaphore, #tpu.memory_space<semaphore_mem>>) src(%dma_wait3A_455 : memref<8x8x128xf32, #tpu.memory_space<vmem>>) dst(%dma_wait3A_450 : memref<8x8x128xf32, #tpu.memory_space<hbm>>)
    return
  }
}

</mosaic_0001>

<sc_bundles>
// kernel: kernel.3.cloned.1.call-start
scs
__scs_entry_jumppad:
0x0: {  	(pc) =	sbr.rel $0x88, $3  }
0x1: {  	(tag) =	ssettag $0x0;
	lr =	simm.s32 $0x1  }
0x2: {  	[smem:$0x3F9F] =	sst lr;
	_ =	strace $0xD0000000  }
0x3: {  	_ = 	snop  }
0x4: {  	_ = 	snop  }
0x5: {  	_ = 	snop  }
0x6: {  	_ = 	snop  }
0x7: {  	_ = 	snop  }
__scs_overlays_trampoline_lowered:
0x8: {  	[smem:$0x3FAE] =	sst s0  }
0x9: {  	[smem:$0x3FAF] =	sst s1  }
0xa: {  	[smem:$0x3FB0] =	sst s2  }
0xb: {  	[smem:$0x3FB1] =	sst s3  }
0xc: {  	[smem:$0x3FB2] =	sst s4  }
0xd: {  	[smem:$0x3FB3] =	sst s5  }
0xe: {  	[smem:$0x3FB4] =	sst s6  }
0xf: {  	[smem:$0x3FB5] =	sst s7  }
0x10: {  	[smem:$0x3FB6] =	sst s8  }
0x11: {  	[smem:$0x3FB7] =	sst s9;
	s0 =	simm.s32 @!p0 $0x0  }
0x12: {  	s1 =	sld [smem:$0x3F9D];
	s0 =	simm.s32 @p0 $0x1  }
0x13: {  	[smem:$0x3FB8] =	sst s0;
	s0 =	simm.s32 @!p1 $0x0  }
0x14: {  	s2 =	sld [smem:$0x3F9C];
	s0 =	simm.s32 @p1 $0x1  }
0x15: {  	[smem:$0x3FB9] =	sst s0;
	s0 =	simm.s32 @!p2 $0x0  }
0x16: {  	s3 =	sld [smem:$0x3FDB];
	s0 =	simm.s32 @p2 $0x1  }
0x17: {  	s4 =	simm.s32 $0x1BF5;
	[smem:$0x3FBB] =	sst s0  }
0x18: {  	s0 =	sld [smem:$0x3F9E];
	_ =	swait.ge [sflag:s4], $0x0  }
0x19: {  	s7 =	sld [smem:$0x3F9F]  }
0x1a: {  	s8 =	sadd.s32 $0xFFFFE003, lr  }
0x1b: {  	s9 =	sadd.s32 $0xFFFFFEF7, lr;
	s5 =	simm.s32 $0xFFFFFFFF;
	p2 =	slt.u32 s8, $0xFFFFF086  }
0x1c: {  	p1 =	slt.u32 s9, $0xF7A;
	s5 =	simm.s32 @!p2 $0x0  }
0x1d: {  	s5 =	simm.s32 @p1 $0x1;
	p0 =	seq.s32 s7, s2  }
0x1e: {  	s7 =	smul.u32 @!p0 $0xF7A, s2;
	p2 =	seq.s32 @!p0 s5, $0x0  }
0x1f: {  	s9 =	smul.u32 $0xF7A, s1;
	s8 =	simm.s32 @!p0 $0x1BF5;
	p2 =	por !p2, p0  }
0x20: {  	[sflag:s8] =	ssyncset.s32 @!p0 $0xFFFFF086;
	s6 =	sadd.s32 @!p0 s3, s7;
	s7 =	simm.s32 @!p0 $0x108  }
0x21: {  	s3 =	sadd.s32 s3, s9;
	s6 =	sadd.s32 @!p0 $0x88, s6;
	s7 =	simm.s32 @p2 $0x1082  }
0x22: {  	[simem:s7], [sflag:s8] =	dma.local @!p0 [hbm:s6], $0xF7A  }
0x23: {  	s9 =	sor.u32 $0xD0000000, s2;
	s6 =	simm.s32 $0x108;
	_ =	swait.ge @!p0 [sflag:s8], $0x0  }
0x24: {  	s3 =	sadd.s32 $0x88, s3;
	s6 =	simm.s32 @!p1 $0x1082;
	[sflag:s4] =	ssyncset.s32 $0xFFFFF086  }
0x25: {  	[simem:s6], [sflag:s4] =	dma.local [hbm:s3], $0xF7A  }
0x26: {  	[smem:$0x3F9F] =	sst s1;
	(tag) =	ssettag s2;
	_ =	strace s9  }
0x27: {  	s1 =	sld [smem:$0x3FAF]  }
0x28: {  	s2 =	sld [smem:$0x3FB0]  }
0x29: {  	s4 =	sld [smem:$0x3FB2]  }
0x2a: {  	p0 =	seq.s32 s5, $0x0;
	s5 =	sld [smem:$0x3FB3]  }
0x2b: {  	s6 =	sld [smem:$0x3FB4]  }
0x2c: {  	s7 =	sld [smem:$0x3FB5]  }
0x2d: {  	s3 =	simm.s32 $0x108;
	s8 =	sld [smem:$0x3FB6]  }
0x2e: {  	s3 =	simm.s32 @!p0 $0x1082;
	s9 =	sld [smem:$0x3FB7]  }
0x2f: {  	lr =	sadd.s32 s0, s3;
	s0 =	sld [smem:$0x3FAE]  }
0x30: {  	s3 =	sld [smem:$0x3FB1]  }
0x31: {  	[smem:$0x3FBA] =	sst s10  }
0x32: {  	s10 =	sld [smem:$0x3FB8];
	_ =	sdelay $0x3  }
0x33: {  	p0 =	seq.s32 s10, $0x1;
	s10 =	sld [smem:$0x3FBA];
	_ =	sdelay $0x3  }
0x34: {  	[smem:$0x3FBA] =	sst s10  }
0x35: {  	s10 =	sld [smem:$0x3FB9];
	_ =	sdelay $0x3  }
0x36: {  	p1 =	seq.s32 s10, $0x1;
	s10 =	sld [smem:$0x3FBA];
	_ =	sdelay $0x3  }
0x37: {  	[smem:$0x3FBA] =	sst s10  }
0x38: {  	s10 =	sld [smem:$0x3FBB]  }
0x39: {  	_ = 	snop;
	(pc) =	sbr.ind lr, $3  }
0x3a: {  	_ = 	snop  }
0x3b: {  	_ = 	snop  }
0x3c: {  	p2 =	seq.s32 s10, $0x1;
	s10 =	sld [smem:$0x3FBA]  }
0x3d: {  	_ =	shalt  }
0x3e: {  	_ =	shalt  }
0x3f: {  	_ =	shalt  }
0x40: {  	_ =	shalt  }
0x41: {  	_ =	shalt  }
0x42: {  	_ =	shalt  }
0x43: {  	_ =	shalt  }
0x44: {  	_ =	shalt  }
0x45: {  	_ =	shalt  }
0x46: {  	_ =	shalt  }
0x47: {  	_ =	shalt  }
0x48: {  	_ =	shalt  }
0x49: {  	_ =	shalt  }
0x4a: {  	_ =	shalt  }
0x4b: {  	_ =	shalt  }
0x4c: {  	_ =	shalt  }
0x4d: {  	_ =	shalt  }
0x4e: {  	_ =	shalt  }
0x4f: {  	_ =	shalt  }
0x50: {  	_ =	shalt  }
0x51: {  	_ =	shalt  }
0x52: {  	_ =	shalt  }
0x53: {  	_ =	shalt  }
0x54: {  	_ =	shalt  }
0x55: {  	_ =	shalt  }
0x56: {  	_ =	shalt  }
0x57: {  	_ =	shalt  }
0x58: {  	_ =	shalt  }
0x59: {  	_ =	shalt  }
0x5a: {  	_ =	shalt  }
0x5b: {  	_ =	shalt  }
0x5c: {  	_ =	shalt  }
0x5d: {  	_ =	shalt  }
0x5e: {  	_ =	shalt  }
0x5f: {  	_ =	shalt  }
0x60: {  	_ =	shalt  }
0x61: {  	_ =	shalt  }
0x62: {  	_ =	shalt  }
0x63: {  	_ =	shalt  }
0x64: {  	_ =	shalt  }
0x65: {  	_ =	shalt  }
0x66: {  	_ =	shalt  }
0x67: {  	_ =	shalt  }
0x68: {  	_ =	shalt  }
0x69: {  	_ =	shalt  }
0x6a: {  	_ =	shalt  }
0x6b: {  	_ =	shalt  }
0x6c: {  	_ =	shalt  }
0x6d: {  	_ =	shalt  }
0x6e: {  	_ =	shalt  }
0x6f: {  	_ =	shalt  }
0x70: {  	_ =	shalt  }
0x71: {  	_ =	shalt  }
0x72: {  	_ =	shalt  }
0x73: {  	_ =	shalt  }
0x74: {  	_ =	shalt  }
0x75: {  	_ =	shalt  }
0x76: {  	_ =	shalt  }
0x77: {  	_ =	shalt  }
0x78: {  	_ =	shalt  }
0x79: {  	_ =	shalt  }
0x7a: {  	_ =	shalt  }
0x7b: {  	_ =	shalt  }
0x7c: {  	_ =	shalt  }
0x7d: {  	_ =	shalt  }
0x7e: {  	_ =	shalt  }
0x7f: {  	_ =	shalt  }
0x80: {  	_ =	shalt  }
0x81: {  	_ =	shalt  }
0x82: {  	_ =	shalt  }
0x83: {  	_ =	shalt  }
0x84: {  	_ =	shalt  }
0x85: {  	_ =	shalt  }
0x86: {  	_ =	shalt  }
0x87: {  	_ =	shalt  }
.Lfunc_end0:
.L_simem_size_0:
called_computation_lowered:
.L_overlay_start_0:
0x88: {  	s2 =	sld [smem:$0x3FD9]  }
0x89: {  	s3 =	sld [smem:$0x3FFE];
	_ =	sdelay $0x1  }
0x8a: {  	s1 =	srdreg.scid  }
0x8b: {  	s0 =	sand.u32 $0x1, s1  }
0x8c: {  	s17 =	sshll.u32 s0, $0xA;
	s2 =	sadd.s32 s3, s2  }
0x8d: {  	s2 =	sadd.s32 s2, s17  }
0x8e: {  	[smem:$0x3FC6] =	sst s2  }
0x8f: {  	_ = 	snop  }
0x90: {  	s2 =	sld [smem:$0x3FD0];
	(tm) =	ssettm $0x1  }
0x91: {  	s18 =	sld [smem:$0x3FFB];
	_ =	sdelay $0x3  }
0x92: {  	_ =	strace s18  }
0x93: {  	s3 =	sld [smem:$0x3FFC];
	_ =	sdelay $0x3  }
0x94: {  	_ =	strace s3  }
0x95: {  	s3 =	sld [smem:$0x3FFD];
	_ =	sdelay $0x3  }
0x96: {  	_ =	strace s3  }
0x97: {  	_ =	strace $0x8FFFFFFF  }
0x98: {  	s19 =	sld [smem:$0x3FDB];
	_ =	sdelay $0x1  }
0x99: {  	s4 =	simm.s32 $_scs_section_size  }
0x9a: {  	s5 =	simm.s32 $_size__tile_overlayer_lowered;
	s6 =	simm.s32 $_tile_overlayer_lowered  }
0x9b: {  	s22 =	simm.s32 $0x1BFF;
	s21 =	sshll.u32 s6, $0x1;
	s3 =	sadd.s32 s4, s19  }
0x9c: {  	s7 =	simm.s32 $0x0;
	s20 =	sshll.u32 s5, $0x1;
	s5 =	sadd.s32 s21, s3  }
0x9d: {  	[timem:s7], [sflag:s22] =	dma.local [hbm:s5], s20  }
0x9e: {  	_ =	swait.ge [sflag:s22], s20  }
0x9f: {  	s4 =	ssub.s32 $0x0, s20;
	[sflag:s22] =	ssyncset.done $0x0  }
0xa0: {  	[sflag:s22] =	ssyncadd.s32 s4;
	_ =	sdelay $0x1  }
0xa1: {  	s23 =	simm.s32 $0x1B8B  }
0xa2: {  	_ =	swait.ge [sflag:s23], $0x1  }
0xa3: {  	[sflag:s23] =	ssyncset.done $0x0  }
0xa4: {  	s25 =	simm.s32 $0x1B8E;
	s24 =	sld [smem:$0x3FFE];
	[sflag:s23] =	ssyncadd.s32 $0xFFFFFFFF  }
0xa5: {  	s26 =	simm.s32 $execute0_lowered;
	[smem:$0x3FD2] =	sst s25  }
0xa6: {  	s5 =	sshll.u32 s26, $0x1;
	_ =	strace $0x80000046;
	[dreg:$0x1] =	wrdreg $0xFFFFFFFF  }
0xa7: {  	s28 =	simm.s32 $_size_execute0_lowered;
	s3 =	sadd.s32 s3, s5;
	[dreg:$0x0] =	wrdreg $0x0  }
0xa8: {  	s5 =	sshll.u32 s28, $0x1;
	[dreg:$0x2] =	wrdreg s3  }
0xa9: {  	[dreg:$0x3] =	wrdreg s5  }
0xaa: {  	[dreg:$0x4] =	wrdreg $0xC0  }
0xab: {  	_ =	task [dreg:s7], $0x5FFFF  }
0xac: {  	[dreg:$0x1] =	wrdreg $0xFFFFFFFF  }
0xad: {  	[dreg:$0x0] =	wrdreg $0x60  }
0xae: {  	[dreg:$0x2] =	wrdreg s24  }
0xaf: {  	[dreg:$0x3] =	wrdreg s2  }
0xb0: {  	[dreg:$0x4] =	wrdreg $0x9  }
0xb1: {  	_ =	task.clear_ibuf [dreg:s7], $0x5FFFF;
	_ =	strace $0x90000046  }
0xb2: {  	s29 =	simm.s32 $0x9;
	_ =	strace $0x80000048  }
0xb3: {  	_ =	swait.ge [sflag:s29], $0x1  }
0xb4: {  	[sflag:s29] =	ssyncadd.s32 $0xFFFFFFFF  }
0xb5: {  	_ =	strace $0x90000048  }
0xb6: {  	_ =	sfence  }
0xb7: {  	s30 =	sld [smem:$0x0];
	_ =	sdelay $0x2  }
0xb8: {  	s31 =	sshll.u32 s1, $0xD;
	s1 =	sshrl.u32 s1, $0x2  }
0xb9: {  	s3 =	sand.u32 $0x4000, s31;
	s1 =	sadd.s32 s1, s30  }
0xba: {  	s0 =	sor.u32 s3, s0;
	s1 =	sshll.u32 s1, $0x11  }
0xbb: {  	s0 =	sor.u32 s1, s0  }
0xbc: {  	s0 =	sadd.s32 $0x8F2B, s0  }
0xbd: {  	[sflag:s0] =	ssyncadd.remote.s32 $0x1  }
0xbe: {  	_ =	sfence.sel $0xFFFF  }
0xbf: {  	[dreg:$0x0] =	wrdreg $0xFFFFFFFF;
	(pc) =	sbr.abs _section_cstart, $3  }
0xc0: {  	[dreg:$0x1] =	wrdreg $0xFFFFFFFF  }
0xc1: {  	_ =	task.clear_ibuf [dreg:s7], $0x2FFFF;
	_ =	strace $0x9FFFFFFF  }
0xc2: {  	(tm) =	ssettm $0x7FFFFFFF  }
0xc3: {  	_ =	shalt  }
tec
execute0_lowered:
.L_overlay_start_1:
0x0: {  	(tag) =	ssettag $0x1  }
0x1: {  	s0 =	rddreg [dreg:$0x0]  }
0x2: {  	s2 =	rddreg [dreg:$0x1];
	s3 =	simm.s32 $0x0;
	s1 =	srdreg.scid  }
0x3: {  	s4 =	stileid.u32;
	s21 =	simm.s32 $0x300;
	s23 =	simm.s32 $0x80  }
0x4: {  	s31 =	simm.s32 $0x3;
	s28 =	simm.s32 $0x10400;
	s29 =	simm.s32 $0x4  }
0x5: {  	s9 =	simm.s32 $0x14600;
	s18 =	simm.s32 $0x9;
	[smem:$0x7FF] =	sst s3  }
0x6: {  	s1 =	sand.u32 $0x1, s1;
	s4 =	sshll.u32 s4, $0x1;
	s5 =	sadd.s32 $0x64400, s0  }
0x7: {  	_ =	strace $0x80000047;
	s6 =	ssub.s32 $0x2, s1;
	s1 =	sor.u32 s1, s4  }
0x8: {  	s4 =	sadd.s32 $0x400, s0;
	s7 =	sshrl.u32 s6, $0x1;
	s8 =	sshll.u32 s1, $0x6  }
0x9: {  	s26 =	sshll.u32 s1, $0x9;
	s11 =	sshll.u32 s1, $0xC;
	s1 =	simm.s32 $0x0  }
0xa: {  	s24 =	ssub.s32 s6, s7;
	s25 =	sadd.s32 s4, s8;
	s10 =	sor.u32 $0x8000, s26  }
0xb: {  	s12 =	sor.u32 $0xC000, s26;
	s13 =	sor.u32 $0x400, s11;
	s14 =	sor.u32 $0x8100, s26  }
0xc: {  	s15 =	sor.u32 $0x800, s11;
	s8 =	sadd.s32 $0x20, s25;
	[dreg:$0x3] =	wrdreg s25  }
0xd: {  	v0 =	vlaneseq.u32;
	s16 =	sor.u32 $0xC00, s11;
	s30 =	sadd.s32 $0x800, s25;
	[dreg:$0x4] =	wrdreg s8  }
0xe: {  	v0 =	vmul.u32 $0x108, v0;
	s17 =	sor.u32 $0xC100, s26;
	s7 =	sadd.s32 $0x820, s25;
	[dreg:$0x5] =	wrdreg s30  }
0xf: {  	s6 =	simm.s32 $0xA;
	s0 =	smax.u32 s24, $0x1;
	[dreg:$0x6] =	wrdreg s7  }
0x10: {  	v1 =	vadd.s32 $0x1080, v0;
	v2 =	vadd.s32 $0x2100, v0;
	v3 =	vadd.s32 $0x3180, v0;
	s25 =	simm.s32 $0x5;
	[dreg:$0x7] =	wrdreg s0;
	s8 =	simm.s32 $0x6  }
.LBB2_1:
0x11: {  	[dreg:$0x8] =	wrdreg s1  }
0x12: {  	s0 =	rddreg [dreg:$0x3]  }
0x13: {  	[tilespmem:s3], [sflag:$0x1] =	stream.linear.gather [hbm4b:s0+s3], $0x100, $0x38;
	[tilespmem:$0x18800] =	vst v63  }
0x14: {  	s24 =	rddreg [dreg:$0x4];
	s1 =	simm.s32 $0x100  }
0x15: {  	[tilespmem:s1], [sflag:$0x2] =	stream.linear.gather [hbm4b:s24+s3], $0x100, $0x38;
	[tilespmem:$0x18800] =	vst v63  }
0x16: {  	s26 =	rddreg [dreg:$0x5];
	s7 =	simm.s32 $0x200  }
0x17: {  	[tilespmem:s7], [sflag:$0x3] =	stream.linear.gather [hbm4b:s26+s3], $0x100, $0x38;
	[tilespmem:$0x18800] =	vst v63  }
0x18: {  	s30 =	rddreg [dreg:$0x6];
	s7 =	simm.s32 $0x1  }
0x19: {  	[tilespmem:s21], [sflag:$0x4] =	stream.linear.gather [hbm4b:s30+s3], $0x100, $0x38;
	[tilespmem:$0x18800] =	vst v63  }
0x1a: {  	_ =	swait.ge [sflag:s7], $0x100  }
0x1b: {  	[sflag:s7] =	ssyncset.done $0x0  }
0x1c: {  	s19 =	simm.s32 $0x400;
	[sflag:s7] =	ssyncadd.s32 $0xFFFFFF00  }
0x1d: {  	[tilespmem:s19], [sflag:$0x5] =	stream.indirect.gather [hbm4b:s5+s23], $0x40, s3, s23, $0xb8;
	[tilespmem:$0x18800] =	vst v63  }
0x1e: {  	s20 =	simm.s32 $0x2400;
	s22 =	simm.s32 $0x2  }
0x1f: {  	[tilespmem:s20], [sflag:$0x5] =	stream.indirect.gather [hbm4b:s5+s23], $0x40, s23, s23, $0xb8;
	[tilespmem:$0x18800] =	vst v63  }
0x20: {  	_ =	swait.ge [sflag:s22], $0x100  }
0x21: {  	[sflag:s22] =	ssyncset.done $0x0  }
0x22: {  	s24 =	simm.s32 $0x4400;
	[sflag:s22] =	ssyncadd.s32 $0xFFFFFF00  }
0x23: {  	[tilespmem:s24], [sflag:$0x6] =	stream.indirect.gather [hbm4b:s5+s23], $0x40, s1, s23, $0xb8;
	[tilespmem:$0x18800] =	vst v63  }
0x24: {  	s26 =	simm.s32 $0x180;
	s30 =	simm.s32 $0x6400  }
0x25: {  	[tilespmem:s30], [sflag:$0x6] =	stream.indirect.gather [hbm4b:s5+s23], $0x40, s26, s23, $0xb8;
	[tilespmem:$0x18800] =	vst v63  }
0x26: {  	s26 =	simm.s32 $0x0  }
.LBB2_2:
0x27: {  	_ =	swait.ge [sflag:s31], $0x100  }
0x28: {  	s0 =	simm.s32 $0x200;
	p0 =	seq.s32 s26, $0x63;
	[sflag:s31] =	ssyncset.done $0x0  }
0x29: {  	s1 =	simm.s32 $0x8400;
	p1 =	seq.s32 @!p0 s26, $0x0;
	[sflag:s31] =	ssyncadd.s32 $0xFFFFFF00  }
0x2a: {  	[tilespmem:s1], [sflag:$0x7] =	stream.indirect.gather [hbm4b:s5+s23], $0x40, s0, s23, $0xb8;
	[tilespmem:$0x18800] =	vst v63  }
0x2b: {  	s24 =	simm.s32 $0x280;
	s30 =	simm.s32 $0xA400;
	p1 =	por p0, !p1  }
0x2c: {  	[tilespmem:s30], [sflag:$0x7] =	stream.indirect.gather [hbm4b:s5+s23], $0x40, s24, s23, $0xb8;
	[tilespmem:$0x18800] =	vst v63  }
.Ltmp0:
0x2d: {  	s22 =	sshll.u32 @!p0 s26, $0xF;
	(pc) =	sbr.rel @!p1 .LBB2_3-.Ltmp0, $4  }
0x2e: {  	s0 =	sadd.s32 @!p0 s10, s22;
	_ =	swait.ge [sflag:s25], $0x4000  }
0x2f: {  	s0 =	sshrl.u32 @!p0 s0, $0x3;
	[sflag:s25] =	ssyncset.done $0x0  }
0x30: {  	s1 =	simm.s32 @!p0 $0x0;
	s0 =	sadd.s32 @!p0 s4, s0;
	[sflag:s25] =	ssyncadd.s32 $0xFFFFC000  }
0x31: {  	[tilespmem:s1], [sflag:$0x1] =	stream.linear.gather @!p0 [hbm4b:s0+s1], $0x100, $0x38;
	[tilespmem:$0x18800] =	vst v63  }
0x32: {  	_ =	swait.ge [sflag:s18], $0x2000  }
.Ltmp1:
0x33: {  	[sflag:s18] =	ssyncset.done $0x0;
	(pc) =	sbr.rel .LBB2_5-.Ltmp1, $4  }
0x34: {  	[sflag:s18] =	ssyncadd.s32 $0xFFFFE000  }
0x35: {  	_ =	swait.ge [sflag:s18], $0x2000  }
0x36: {  	[sflag:s18] =	ssyncset.done $0x0  }
0x37: {  	p1 =	por $0x0, $0x0;
	[sflag:s18] =	ssyncadd.s32 $0xFFFFE000  }
.LBB2_3:
0x38: {  	p1 =	por @!p0 $0x1, $0x1  }
.LBB2_5:
0x39: {  	s0 =	simm.s32 $0x480;
	s1 =	simm.s32 $0x3  }
0x3a: {  	v4 =	vmov s1;
	v5 =	vld [tilespmem:s0+$0x40]  }
0x3b: {  	v9 =	vand.u32 $0xFF, v4  }
0x3c: {  	s7 =	simm.s32 $0x0;
	v4 =	vadd.s32 v0, v9  }
0x3d: {  	s19 =	simm.s32 $0x1;
	v6 =	vmov s7;
	v7 =	vld [tilespmem:s0+$0xFFFFFF80];
	s7 =	simm.s32 $0x2  }
0x3e: {  	v10 =	vld [tilespmem:s0+$0xFFFFFFC0];
	v8 =	vand.u32 $0xFC, v6;
	v6 =	vmov s19;
	v11 =	vmov s7  }
0x3f: {  	v12 =	vadd.s32 v0, v8;
	v15 =	vand.u32 $0xFD, v6;
	v6 =	vld [tilespmem:s0+$0x0];
	v5 =	vmul.f32 $8.000000000e+00, v5  }
0x40: {  	v17 =	vand.u32 $0xFE, v11;
	v13 =	vadd.s32 v0, v15  }
0x41: {  	v11 =	vadd.s32 v0, v17;
	[tilespmem:v4+s28+$0x0] =	vst.idx.msk $0xffff, v5  }
0x42: {  	v4 =	vmul.f32 $8.000000000e+00, v7;
	v5 =	vld [tilespmem:s0+$0x50]  }
0x43: {  	v7 =	vmul.f32 $8.000000000e+00, v10  }
0x44: {  	[tilespmem:v12+s28+$0x0] =	vst.idx.msk $0xffff, v4;
	v4 =	vmul.f32 $8.000000000e+00, v6;
	v6 =	vadd.s32 v1, v9  }
0x45: {  	[tilespmem:v13+s28+$0x0] =	vst.idx.msk $0xffff, v7;
	v10 =	vld [tilespmem:s0+$0xFFFFFF90]  }
0x46: {  	v7 =	vld [tilespmem:s0+$0xFFFFFFD0];
	[tilespmem:v11+s28+$0x0] =	vst.idx.msk $0xffff, v4  }
0x47: {  	v11 =	vld [tilespmem:s0+$0x10];
	v4 =	vmul.f32 $8.000000000e+00, v5  }
0x48: {  	s20 =	simm.s32 $0x4;
	s1 =	simm.s32 $0x580;
	s19 =	simm.s32 $0x7;
	v12 =	vadd.s32 v1, v15  }
0x49: {  	v14 =	vld [tilespmem:s1+$0x40];
	v13 =	vadd.s32 v1, v17;
	v5 =	vmov s20;
	[tilespmem:v6+s28+$0x0] =	vst.idx.msk $0xffff, v4;
	v6 =	vmov s19  }
0x4a: {  	v16 =	vadd.s32 v1, v8;
	v4 =	vand.u32 $0xFC, v5;
	v5 =	vand.u32 $0xFF, v6;
	v18 =	vld [tilespmem:s0+$0x60]  }
0x4b: {  	s24 =	simm.s32 $0x5;
	v19 =	vld [tilespmem:s1+$0xFFFFFF80];
	v22 =	vadd.s32 v2, v9;
	v6 =	vmul.f32 $8.000000000e+00, v7;
	v20 =	vadd.s32 v0, v5  }
0x4c: {  	v21 =	vld [tilespmem:s1+$0xFFFFFFC0];
	v10 =	vmul.f32 $8.000000000e+00, v10;
	s19 =	simm.s32 $0x6;
	v7 =	vmul.f32 $8.000000000e+00, v11;
	v11 =	vmov s24  }
0x4d: {  	v23 =	vadd.s32 v0, v4;
	[tilespmem:v12+s28+$0x0] =	vst.idx.msk $0xffff, v6;
	v12 =	vmov s19;
	v6 =	vand.u32 $0xFD, v11;
	v11 =	vld [tilespmem:s1+$0x0]  }
0x4e: {  	[tilespmem:v13+s28+$0x0] =	vst.idx.msk $0xffff, v7;
	v13 =	vadd.s32 v0, v6;
	v7 =	vand.u32 $0xFE, v12;
	v12 =	vmul.f32 $8.000000000e+00, v14;
	v14 =	vld [tilespmem:s0+$0xFFFFFFE0]  }
0x4f: {  	[tilespmem:v16+s28+$0x0] =	vst.idx.msk $0xffff, v10;
	v10 =	vadd.s32 v0, v7;
	v16 =	vld [tilespmem:s0+$0x20];
	v18 =	vmul.f32 $8.000000000e+00, v18  }
0x50: {  	v19 =	vmul.f32 $8.000000000e+00, v19;
	[tilespmem:v20+s28+$0x0] =	vst.idx.msk $0xffff, v12;
	v12 =	vld [tilespmem:s0+$0xFFFFFFA0];
	v20 =	vadd.s32 v2, v15  }
0x51: {  	v25 =	vadd.s32 v2, v17;
	v21 =	vmul.f32 $8.000000000e+00, v21;
	v24 =	vld [tilespmem:s1+$0x50];
	[tilespmem:v22+s28+$0x0] =	vst.idx.msk $0xffff, v18  }
0x52: {  	[tilespmem:v23+s28+$0x0] =	vst.idx.msk $0xffff, v19;
	v19 =	vadd.s32 v2, v8;
	v11 =	vmul.f32 $8.000000000e+00, v11;
	v22 =	vld [tilespmem:s0+$0x70]  }
0x53: {  	v23 =	vld [tilespmem:s1+$0xFFFFFF90];
	[tilespmem:v13+s28+$0x0] =	vst.idx.msk $0xffff, v21;
	v21 =	vadd.s32 v1, v5;
	v14 =	vmul.f32 $8.000000000e+00, v14  }
0x54: {  	v27 =	vadd.s32 v3, v9;
	v26 =	vld [tilespmem:s1+$0xFFFFFFD0];
	[tilespmem:v10+s28+$0x0] =	vst.idx.msk $0xffff, v11;
	v10 =	vmul.f32 $8.000000000e+00, v16  }
0x55: {  	v18 =	vadd.s32 v1, v4;
	v13 =	vld [tilespmem:s1+$0x10];
	v9 =	vmul.f32 $8.000000000e+00, v12;
	[tilespmem:v20+s28+$0x0] =	vst.idx.msk $0xffff, v14  }
0x56: {  	s30 =	simm.s32 $0x8;
	v16 =	vadd.s32 v1, v6;
	[tilespmem:v25+s28+$0x0] =	vst.idx.msk $0xffff, v10;
	v14 =	vmul.f32 $8.000000000e+00, v24;
	v12 =	vld [tilespmem:s0+$0xFFFFFFF0]  }
0x57: {  	v20 =	vmov s30;
	v10 =	vadd.s32 v1, v7;
	v11 =	vld [tilespmem:s0+$0x30];
	[tilespmem:v19+s28+$0x0] =	vst.idx.msk $0xffff, v9;
	v63 =	vmul.f32 $8.000000000e+00, v22  }
0x58: {  	s20 =	simm.s32 $0xB;
	s24 =	simm.s32 $0x680;
	v15 =	vadd.s32 v3, v15;
	v9 =	vand.u32 $0xFC, v20;
	v20 =	vmul.f32 $8.000000000e+00, v23;
	[tilespmem:v21+s28+$0x0] =	vst.idx.msk $0xffff, v14;
	v14 =	vld [tilespmem:s0+$0xFFFFFFB0]  }
0x59: {  	v17 =	vadd.s32 v3, v17;
	s19 =	simm.s32 $0xC;
	v22 =	vmov s20;
	v19 =	vld [tilespmem:s24+$0x40];
	s0 =	sshll.u32 s26, $0x15;
	v21 =	vmul.f32 $8.000000000e+00, v26;
	[tilespmem:v27+s28+$0x0] =	vst.idx.msk $0xffff, v63  }
.LBB2_6:
0x5a: {  	p2 =	slt.u32 s19, $0xFC;
	s7 =	sadd.s32 $0x1, s30;
	v22 =	vand.u32 $0xFF, v22;
	[tilespmem:v18+s28+$0x0] =	vst.idx.msk $0xffff, v20;
	v13 =	vmul.f32 $8.000000000e+00, v13;
	v18 =	vld [tilespmem:s1+$0x60];
	v20 =	vadd.s32 v3, v8;
	v8 =	vmovc v4  }
0x5b: {  	v4 =	vmovc v9;
	v23 =	vld [tilespmem:s24+$0xFFFFFF80];
	v24 =	vmov s7;
	s7 =	sadd.s32 $0x2, s30;
	v25 =	vadd.s32 v0, v22;
	[tilespmem:v16+s28+$0x0] =	vst.idx.msk $0xffff, v21;
	v12 =	vmul.f32 $8.000000000e+00, v12;
	s30 =	smov.u32 s19  }
0x5c: {  	v9 =	vld [tilespmem:s24+$0xFFFFFFC0];
	v16 =	vmov s7;
	[tilespmem:v10+s28+$0x0] =	vst.idx.msk $0xffff, v13;
	v10 =	vadd.s32 v2, v5;
	v11 =	vmul.f32 $8.000000000e+00, v11  }
0x5d: {  	v13 =	vadd.s32 v0, v4;
	v21 =	vand.u32 $0xFD, v24;
	v24 =	vld [tilespmem:s24+$0x0];
	v14 =	vmul.f32 $8.000000000e+00, v14;
	[tilespmem:v15+s28+$0x0] =	vst.idx.msk $0xffff, v12  }
0x5e: {  	v12 =	vadd.s32 v0, v21;
	v26 =	vand.u32 $0xFE, v16;
	v15 =	vmul.f32 $8.000000000e+00, v19;
	v16 =	vld [tilespmem:s1+$0xFFFFFFE0];
	[tilespmem:v17+s28+$0x0] =	vst.idx.msk $0xffff, v11  }
0x5f: {  	v11 =	vadd.s32 v0, v26;
	v17 =	vld [tilespmem:s1+$0x20];
	v18 =	vmul.f32 $8.000000000e+00, v18;
	[tilespmem:v20+s28+$0x0] =	vst.idx.msk $0xffff, v14  }
0x60: {  	v19 =	vadd.s32 v2, v6;
	v14 =	vmul.f32 $8.000000000e+00, v23;
	[tilespmem:v25+s28+$0x0] =	vst.idx.msk $0xffff, v15;
	v15 =	vld [tilespmem:s1+$0xFFFFFFA0]  }
0x61: {  	v23 =	vadd.s32 v2, v7;
	v9 =	vmul.f32 $8.000000000e+00, v9;
	v20 =	vld [tilespmem:s24+$0x50];
	[tilespmem:v10+s28+$0x0] =	vst.idx.msk $0xffff, v18  }
0x62: {  	[tilespmem:v13+s28+$0x0] =	vst.idx.msk $0xffff, v14;
	v10 =	vmul.f32 $8.000000000e+00, v24;
	v14 =	vadd.s32 v2, v8;
	v24 =	vld [tilespmem:s1+$0x70]  }
0x63: {  	v27 =	vadd.s32 v1, v22;
	v25 =	vld [tilespmem:s24+$0xFFFFFF90];
	[tilespmem:v12+s28+$0x0] =	vst.idx.msk $0xffff, v9;
	v9 =	vmul.f32 $8.000000000e+00, v16  }
0x64: {  	v29 =	vadd.s32 v3, v5;
	v5 =	vmov v22;
	v28 =	vld [tilespmem:s24+$0xFFFFFFD0];
	[tilespmem:v11+s28+$0x0] =	vst.idx.msk $0xffff, v10;
	v10 =	vmul.f32 $8.000000000e+00, v17  }
.Ltmp2:
0x65: {  	v18 =	vadd.s32 v1, v4;
	v13 =	vld [tilespmem:s24+$0x10];
	v11 =	vmul.f32 $8.000000000e+00, v15;
	[tilespmem:v19+s28+$0x0] =	vst.idx.msk $0xffff, v9;
	(pc) =	sbr.rel @p2 .LBB2_6-.Ltmp2, $4  }
0x66: {  	v16 =	vadd.s32 v1, v21;
	v15 =	vmul.f32 $8.000000000e+00, v20;
	v12 =	vld [tilespmem:s1+$0xFFFFFFF0];
	[tilespmem:v23+s28+$0x0] =	vst.idx.msk $0xffff, v10  }
0x67: {  	v9 =	vmov s19;
	v10 =	vadd.s32 v1, v26;
	[tilespmem:v14+s28+$0x0] =	vst.idx.msk $0xffff, v11;
	v11 =	vld [tilespmem:s1+$0x30];
	v23 =	vmul.f32 $8.000000000e+00, v24  }
0x68: {  	s7 =	sadd.s32 $0x3, s19;
	v9 =	vand.u32 $0xFC, v9;
	v20 =	vmul.f32 $8.000000000e+00, v25;
	[tilespmem:v27+s28+$0x0] =	vst.idx.msk $0xffff, v15;
	v14 =	vld [tilespmem:s1+$0xFFFFFFB0];
	v15 =	vadd.s32 v3, v6;
	v6 =	vmovc v21;
	s1 =	smov.u32 s24;
	s24 =	sadd.s32 $0x100, s24  }
0x69: {  	v22 =	vmov s7;
	v17 =	vadd.s32 v3, v7;
	v7 =	vmovc v26;
	s19 =	sadd.s32 $0x4, s19;
	v19 =	vld [tilespmem:s24+$0x40];
	v21 =	vmul.f32 $8.000000000e+00, v28;
	[tilespmem:v29+s28+$0x0] =	vst.idx.msk $0xffff, v23  }
0x6a: {  	s7 =	sadd.s32 $0x1, s30;
	v22 =	vand.u32 $0xFF, v22;
	v28 =	vld [tilespmem:s24+$0xFFFFFF80]  }
0x6b: {  	s20 =	sadd.s32 $0x2, s30;
	v24 =	vld [tilespmem:s24+$0xFFFFFFC0];
	v23 =	vmov s7;
	v25 =	vadd.s32 v0, v22  }
0x6c: {  	v27 =	vld [tilespmem:s24+$0x0];
	v51 =	vadd.s32 v0, v9;
	v26 =	vmov s20;
	v23 =	vand.u32 $0xFD, v23  }
0x6d: {  	v26 =	vand.u32 $0xFE, v26;
	v29 =	vadd.s32 v0, v23  }
0x6e: {  	[tilespmem:v18+s28+$0x0] =	vst.idx.msk $0xffff, v20;
	v30 =	vadd.s32 v0, v26;
	v19 =	vmul.f32 $8.000000000e+00, v19  }
0x6f: {  	[tilespmem:v16+s28+$0x0] =	vst.idx.msk $0xffff, v21;
	v54 =	vmul.f32 $8.000000000e+00, v28  }
0x70: {  	v52 =	vmul.f32 $8.000000000e+00, v24;
	[tilespmem:v25+s28+$0x0] =	vst.idx.msk $0xffff, v19  }
0x71: {  	v53 =	vmul.f32 $8.000000000e+00, v27;
	v55 =	vld [tilespmem:s24+$0x50];
	[tilespmem:v51+s28+$0x0] =	vst.idx.msk $0xffff, v54  }
0x72: {  	v13 =	vmul.f32 $8.000000000e+00, v13;
	v8 =	vadd.s32 v3, v8;
	[tilespmem:v29+s28+$0x0] =	vst.idx.msk $0xffff, v52;
	v59 =	vld [tilespmem:s24+$0xFFFFFF90]  }
0x73: {  	v12 =	vmul.f32 $8.000000000e+00, v12;
	v57 =	vadd.s32 v1, v22;
	[tilespmem:v30+s28+$0x0] =	vst.idx.msk $0xffff, v53;
	v56 =	vld [tilespmem:s24+$0xFFFFFFD0]  }
0x74: {  	[tilespmem:v10+s28+$0x0] =	vst.idx.msk $0xffff, v13;
	v58 =	vmul.f32 $8.000000000e+00, v11;
	v28 =	vadd.s32 v1, v9;
	v19 =	vld [tilespmem:s24+$0x10]  }
0x75: {  	v61 =	vld [tilespmem:s1+$0x60];
	v60 =	vadd.s32 v1, v23;
	v14 =	vmul.f32 $8.000000000e+00, v14;
	[tilespmem:v15+s28+$0x0] =	vst.idx.msk $0xffff, v12  }
0x76: {  	v32 =	vld [tilespmem:s1+$0xFFFFFFA0];
	v62 =	vadd.s32 v1, v26;
	[tilespmem:v17+s28+$0x0] =	vst.idx.msk $0xffff, v58;
	v16 =	vmul.f32 $8.000000000e+00, v55  }
0x77: {  	[tilespmem:v8+s28+$0x0] =	vst.idx.msk $0xffff, v14;
	v29 =	vadd.s32 v2, v5;
	v30 =	vld [tilespmem:s1+$0x20];
	v11 =	vmul.f32 $8.000000000e+00, v59  }
0x78: {  	v38 =	vadd.s32 v2, v4;
	v63 =	vld [tilespmem:s1+$0xFFFFFFE0];
	v31 =	vmul.f32 $8.000000000e+00, v56;
	[tilespmem:v57+s28+$0x0] =	vst.idx.msk $0xffff, v16  }
0x79: {  	v35 =	vadd.s32 v2, v7;
	v34 =	vmul.f32 $8.000000000e+00, v19;
	v36 =	vld [tilespmem:s24+$0x60];
	[tilespmem:v28+s28+$0x0] =	vst.idx.msk $0xffff, v11  }
0x7a: {  	v33 =	vadd.s32 v2, v6;
	v37 =	vmul.f32 $8.000000000e+00, v61;
	[tilespmem:v60+s28+$0x0] =	vst.idx.msk $0xffff, v31;
	v43 =	vld [tilespmem:s24+$0xFFFFFFA0]  }
0x7b: {  	v40 =	vadd.s32 v2, v22;
	v14 =	vmul.f32 $8.000000000e+00, v32;
	[tilespmem:v62+s28+$0x0] =	vst.idx.msk $0xffff, v34;
	v39 =	vld [tilespmem:s24+$0xFFFFFFE0]  }
0x7c: {  	v48 =	vadd.s32 v2, v9;
	[tilespmem:v29+s28+$0x0] =	vst.idx.msk $0xffff, v37;
	v42 =	vmul.f32 $8.000000000e+00, v30;
	v41 =	vld [tilespmem:s24+$0x20]  }
0x7d: {  	v44 =	vadd.s32 v2, v23;
	v15 =	vmul.f32 $8.000000000e+00, v63;
	[tilespmem:v38+s28+$0x0] =	vst.idx.msk $0xffff, v14;
	v45 =	vld [tilespmem:s1+$0x70]  }
0x7e: {  	v46 =	vadd.s32 v2, v26;
	v14 =	vld [tilespmem:s1+$0xFFFFFFB0];
	[tilespmem:v35+s28+$0x0] =	vst.idx.msk $0xffff, v42;
	v47 =	vmul.f32 $8.000000000e+00, v36  }
0x7f: {  	v5 =	vadd.s32 v3, v5;
	[tilespmem:v33+s28+$0x0] =	vst.idx.msk $0xffff, v15;
	v49 =	vld [tilespmem:s1+$0x30];
	v53 =	vmul.f32 $8.000000000e+00, v43  }
0x80: {  	v4 =	vadd.s32 v3, v4;
	v21 =	vld [tilespmem:s1+$0xFFFFFFF0];
	v12 =	vmul.f32 $8.000000000e+00, v39;
	[tilespmem:v40+s28+$0x0] =	vst.idx.msk $0xffff, v47  }
0x81: {  	v52 =	vadd.s32 v3, v7;
	v51 =	vmul.f32 $8.000000000e+00, v41;
	v10 =	vld [tilespmem:s24+$0x70];
	[tilespmem:v48+s28+$0x0] =	vst.idx.msk $0xffff, v53  }
0x82: {  	v50 =	vadd.s32 v3, v6;
	v54 =	vmul.f32 $8.000000000e+00, v45;
	[tilespmem:v44+s28+$0x0] =	vst.idx.msk $0xffff, v12;
	v59 =	vld [tilespmem:s24+$0xFFFFFFB0]  }
0x83: {  	v57 =	vadd.s32 v3, v22;
	v14 =	vmul.f32 $8.000000000e+00, v14;
	[tilespmem:v46+s28+$0x0] =	vst.idx.msk $0xffff, v51;
	v55 =	vld [tilespmem:s24+$0xFFFFFFF0]  }
0x84: {  	v62 =	vadd.s32 v3, v9;
	[tilespmem:v5+s28+$0x0] =	vst.idx.msk $0xffff, v54;
	v5 =	vmul.f32 $8.000000000e+00, v49;
	v58 =	vld [tilespmem:s24+$0x30]  }
0x85: {  	v56 =	vmul.f32 $8.000000000e+00, v21;
	v60 =	vadd.s32 v3, v23;
	[tilespmem:v4+s28+$0x0] =	vst.idx.msk $0xffff, v14  }
0x86: {  	v61 =	vadd.s32 v3, v26;
	[tilespmem:v52+s28+$0x0] =	vst.idx.msk $0xffff, v5;
	v5 =	vmul.f32 $8.000000000e+00, v10  }
0x87: {  	[tilespmem:v50+s28+$0x0] =	vst.idx.msk $0xffff, v56;
	v63 =	vmul.f32 $8.000000000e+00, v59  }
0x88: {  	v4 =	vmul.f32 $8.000000000e+00, v55;
	[tilespmem:v57+s28+$0x0] =	vst.idx.msk $0xffff, v5  }
0x89: {  	s24 =	sor.u32 s11, s0;
	v5 =	vmul.f32 $8.000000000e+00, v58;
	[tilespmem:v62+s28+$0x0] =	vst.idx.msk $0xffff, v63  }
0x8a: {  	s1 =	sshrl.u32 s24, $0x3;
	[tilespmem:v60+s28+$0x0] =	vst.idx.msk $0xffff, v4  }
0x8b: {  	s7 =	simm.s32 $0x10400;
	s19 =	sadd.s32 s2, s1;
	[tilespmem:v61+s28+$0x0] =	vst.idx.msk $0xffff, v5  }
0x8c: {  	[hbm4b:s19+s3] =	stream.linear.scatter [tilespmem:s7], [sflag:$0x9], $0x80, $0x38;
	[tilespmem:$0x18800] =	vst v63  }
0x8d: {  	s20 =	simm.s32 $0x10508;
	s24 =	sadd.s32 $0x10, s19  }
0x8e: {  	[hbm4b:s24+s3] =	stream.linear.scatter [tilespmem:s20], [sflag:$0x9], $0x80, $0x38;
	[tilespmem:$0x18800] =	vst v63  }
0x8f: {  	s20 =	simm.s32 $0x10610;
	s24 =	sadd.s32 $0x20, s19  }
0x90: {  	[hbm4b:s24+s3] =	stream.linear.scatter [tilespmem:s20], [sflag:$0x9], $0x80, $0x38;
	[tilespmem:$0x18800] =	vst v63  }
0x91: {  	s20 =	simm.s32 $0x10718;
	s24 =	sadd.s32 $0x30, s19  }
0x92: {  	[hbm4b:s24+s3] =	stream.linear.scatter [tilespmem:s20], [sflag:$0x9], $0x80, $0x38;
	[tilespmem:$0x18800] =	vst v63  }
0x93: {  	s20 =	simm.s32 $0x10820;
	s24 =	sadd.s32 $0x40, s19  }
0x94: {  	[hbm4b:s24+s3] =	stream.linear.scatter [tilespmem:s20], [sflag:$0x9], $0x80, $0x38;
	[tilespmem:$0x18800] =	vst v63  }
0x95: {  	s30 =	simm.s32 $0x10B38;
	s20 =	simm.s32 $0x10928;
	s24 =	sadd.s32 $0x50, s19  }
0x96: {  	[hbm4b:s24+s3] =	stream.linear.scatter [tilespmem:s20], [sflag:$0x9], $0x80, $0x38;
	[tilespmem:$0x18800] =	vst v63  }
0x97: {  	s1 =	simm.s32 $0x840;
	s20 =	simm.s32 $0x10A30;
	s24 =	sadd.s32 $0x60, s19  }
0x98: {  	[hbm4b:s24+s3] =	stream.linear.scatter [tilespmem:s20], [sflag:$0x9], $0x80, $0x38;
	[tilespmem:$0x18800] =	vst v63  }
0x99: {  	s7 =	sadd.s32 $0x70, s19;
	s19 =	sadd.s32 $0x4000, s19;
	s24 =	simm.s32 $0x4200  }
.LBB2_8:
0x9a: {  	[hbm4b:s7+s3] =	stream.linear.scatter [tilespmem:s30], [sflag:$0x9], $0x80, $0x38;
	[tilespmem:$0x18800] =	vst v63  }
0x9b: {  	s7 =	smov.u32 s1;
	s1 =	smov.u32 s24  }
0x9c: {  	s20 =	sadd.s32 $0x2100, s24;
	s1 =	sshra.s32 s1, $0x2;
	s30 =	sadd.s32 $0x10400, s7  }
0x9d: {  	[hbm4b:s19+s3] =	stream.linear.scatter [tilespmem:s30], [sflag:$0x9], $0x80, $0x38;
	[tilespmem:$0x18800] =	vst v63  }
0x9e: {  	p2 =	sne.s32 s24, $0xE700;
	s24 =	sadd.s32 $0x10508, s7;
	s30 =	sadd.s32 $0x10, s19  }
0x9f: {  	[hbm4b:s30+s3] =	stream.linear.scatter [tilespmem:s24], [sflag:$0x9], $0x80, $0x38;
	[tilespmem:$0x18800] =	vst v63  }
0xa0: {  	s24 =	sadd.s32 $0x10610, s7;
	s30 =	sadd.s32 $0x20, s19  }
0xa1: {  	[hbm4b:s30+s3] =	stream.linear.scatter [tilespmem:s24], [sflag:$0x9], $0x80, $0x38;
	[tilespmem:$0x18800] =	vst v63  }
0xa2: {  	s24 =	sadd.s32 $0x10718, s7;
	s30 =	sadd.s32 $0x30, s19  }
0xa3: {  	[hbm4b:s30+s3] =	stream.linear.scatter [tilespmem:s24], [sflag:$0x9], $0x80, $0x38;
	[tilespmem:$0x18800] =	vst v63  }
0xa4: {  	s24 =	sadd.s32 $0x10820, s7;
	s30 =	sadd.s32 $0x40, s19  }
0xa5: {  	[hbm4b:s30+s3] =	stream.linear.scatter [tilespmem:s24], [sflag:$0x9], $0x80, $0x38;
	[tilespmem:$0x18800] =	vst v63  }
0xa6: {  	s24 =	sadd.s32 $0x10928, s7;
	s30 =	sadd.s32 $0x50, s19  }
0xa7: {  	[hbm4b:s30+s3] =	stream.linear.scatter [tilespmem:s24], [sflag:$0x9], $0x80, $0x38;
	[tilespmem:$0x18800] =	vst v63  }
.Ltmp3:
0xa8: {  	_ = 	snop;
	(pc) =	sbr.rel @p2 .LBB2_8-.Ltmp3, $4  }
0xa9: {  	s24 =	sadd.s32 $0x10A30, s7;
	s30 =	sadd.s32 $0x60, s19  }
0xaa: {  	[hbm4b:s30+s3] =	stream.linear.scatter [tilespmem:s24], [sflag:$0x9], $0x80, $0x38;
	[tilespmem:$0x18800] =	vst v63  }
0xab: {  	s30 =	sadd.s32 $0x10B38, s7  }
0xac: {  	s7 =	sadd.s32 $0x70, s19;
	s19 =	sadd.s32 $0x4000, s19;
	s24 =	smov.u32 s20  }
0xad: {  	[hbm4b:s7+s3] =	stream.linear.scatter [tilespmem:s30], [sflag:$0x9], $0x80, $0x38;
	[tilespmem:$0x18800] =	vst v63  }
0xae: {  	s20 =	sadd.s32 $0x10400, s1  }
0xaf: {  	[hbm4b:s19+s3] =	stream.linear.scatter [tilespmem:s20], [sflag:$0x9], $0x80, $0x38;
	[tilespmem:$0x18800] =	vst v63  }
0xb0: {  	s24 =	sadd.s32 $0x10508, s1;
	s20 =	sadd.s32 $0x10, s19  }
0xb1: {  	[hbm4b:s20+s3] =	stream.linear.scatter [tilespmem:s24], [sflag:$0x9], $0x80, $0x38;
	[tilespmem:$0x18800] =	vst v63  }
0xb2: {  	s20 =	sadd.s32 $0x10610, s1;
	s24 =	sadd.s32 $0x20, s19  }
0xb3: {  	[hbm4b:s24+s3] =	stream.linear.scatter [tilespmem:s20], [sflag:$0x9], $0x80, $0x38;
	[tilespmem:$0x18800] =	vst v63  }
0xb4: {  	s20 =	sadd.s32 $0x10718, s1;
	s24 =	sadd.s32 $0x30, s19  }
0xb5: {  	[hbm4b:s24+s3] =	stream.linear.scatter [tilespmem:s20], [sflag:$0x9], $0x80, $0x38;
	[tilespmem:$0x18800] =	vst v63  }
0xb6: {  	s20 =	sadd.s32 $0x10820, s1;
	s24 =	sadd.s32 $0x40, s19  }
0xb7: {  	[hbm4b:s24+s3] =	stream.linear.scatter [tilespmem:s20], [sflag:$0x9], $0x80, $0x38;
	[tilespmem:$0x18800] =	vst v63  }
0xb8: {  	s20 =	sadd.s32 $0x10928, s1;
	s24 =	sadd.s32 $0x50, s19  }
0xb9: {  	[hbm4b:s24+s3] =	stream.linear.scatter [tilespmem:s20], [sflag:$0x9], $0x80, $0x38;
	[tilespmem:$0x18800] =	vst v63  }
0xba: {  	s20 =	sadd.s32 $0x10A30, s1;
	s24 =	sadd.s32 $0x60, s19  }
0xbb: {  	[hbm4b:s24+s3] =	stream.linear.scatter [tilespmem:s20], [sflag:$0x9], $0x80, $0x38;
	[tilespmem:$0x18800] =	vst v63  }
0xbc: {  	s24 =	sor.u32 s13, s0  }
0xbd: {  	s7 =	sadd.s32 $0x10B38, s1;
	s20 =	sadd.s32 $0x70, s19;
	s1 =	sshrl.u32 s24, $0x3  }
0xbe: {  	[hbm4b:s20+s3] =	stream.linear.scatter [tilespmem:s7], [sflag:$0x9], $0x80, $0x38;
	[tilespmem:$0x18800] =	vst v63  }
0xbf: {  	s19 =	sadd.s32 s2, s1;
	s7 =	simm.s32 $0x10480  }
0xc0: {  	[hbm4b:s19+s3] =	stream.linear.scatter [tilespmem:s7], [sflag:$0x9], $0x80, $0x38;
	[tilespmem:$0x18800] =	vst v63  }
0xc1: {  	s20 =	simm.s32 $0x10588;
	s24 =	sadd.s32 $0x10, s19  }
0xc2: {  	[hbm4b:s24+s3] =	stream.linear.scatter [tilespmem:s20], [sflag:$0x9], $0x80, $0x38;
	[tilespmem:$0x18800] =	vst v63  }
0xc3: {  	s20 =	simm.s32 $0x10690;
	s24 =	sadd.s32 $0x20, s19  }
0xc4: {  	[hbm4b:s24+s3] =	stream.linear.scatter [tilespmem:s20], [sflag:$0x9], $0x80, $0x38;
	[tilespmem:$0x18800] =	vst v63  }
0xc5: {  	s20 =	simm.s32 $0x10798;
	s24 =	sadd.s32 $0x30, s19  }
0xc6: {  	[hbm4b:s24+s3] =	stream.linear.scatter [tilespmem:s20], [sflag:$0x9], $0x80, $0x38;
	[tilespmem:$0x18800] =	vst v63  }
0xc7: {  	s20 =	simm.s32 $0x108A0;
	s24 =	sadd.s32 $0x40, s19  }
0xc8: {  	[hbm4b:s24+s3] =	stream.linear.scatter [tilespmem:s20], [sflag:$0x9], $0x80, $0x38;
	[tilespmem:$0x18800] =	vst v63  }
0xc9: {  	s30 =	simm.s32 $0x10BB8;
	s20 =	simm.s32 $0x109A8;
	s24 =	sadd.s32 $0x50, s19  }
0xca: {  	[hbm4b:s24+s3] =	stream.linear.scatter [tilespmem:s20], [sflag:$0x9], $0x80, $0x38;
	[tilespmem:$0x18800] =	vst v63  }
0xcb: {  	s1 =	simm.s32 $0x840;
	s20 =	simm.s32 $0x10AB0;
	s24 =	sadd.s32 $0x60, s19  }
0xcc: {  	[hbm4b:s24+s3] =	stream.linear.scatter [tilespmem:s20], [sflag:$0x9], $0x80, $0x38;
	[tilespmem:$0x18800] =	vst v63  }
0xcd: {  	s7 =	sadd.s32 $0x70, s19;
	s19 =	sadd.s32 $0x4000, s19;
	s24 =	simm.s32 $0x4200  }
.LBB2_10:
0xce: {  	[hbm4b:s7+s3] =	stream.linear.scatter [tilespmem:s30], [sflag:$0x9], $0x80, $0x38;
	[tilespmem:$0x18800] =	vst v63  }
0xcf: {  	s7 =	smov.u32 s1;
	s1 =	smov.u32 s24  }
0xd0: {  	s20 =	sadd.s32 $0x2100, s24;
	s1 =	sshra.s32 s1, $0x2;
	s30 =	sadd.s32 $0x10480, s7  }
0xd1: {  	[hbm4b:s19+s3] =	stream.linear.scatter [tilespmem:s30], [sflag:$0x9], $0x80, $0x38;
	[tilespmem:$0x18800] =	vst v63  }
0xd2: {  	p2 =	sne.s32 s24, $0xE700;
	s24 =	sadd.s32 $0x10588, s7;
	s30 =	sadd.s32 $0x10, s19  }
0xd3: {  	[hbm4b:s30+s3] =	stream.linear.scatter [tilespmem:s24], [sflag:$0x9], $0x80, $0x38;
	[tilespmem:$0x18800] =	vst v63  }
0xd4: {  	s24 =	sadd.s32 $0x10690, s7;
	s30 =	sadd.s32 $0x20, s19  }
0xd5: {  	[hbm4b:s30+s3] =	stream.linear.scatter [tilespmem:s24], [sflag:$0x9], $0x80, $0x38;
	[tilespmem:$0x18800] =	vst v63  }
0xd6: {  	s24 =	sadd.s32 $0x10798, s7;
	s30 =	sadd.s32 $0x30, s19  }
0xd7: {  	[hbm4b:s30+s3] =	stream.linear.scatter [tilespmem:s24], [sflag:$0x9], $0x80, $0x38;
	[tilespmem:$0x18800] =	vst v63  }
0xd8: {  	s24 =	sadd.s32 $0x108A0, s7;
	s30 =	sadd.s32 $0x40, s19  }
0xd9: {  	[hbm4b:s30+s3] =	stream.linear.scatter [tilespmem:s24], [sflag:$0x9], $0x80, $0x38;
	[tilespmem:$0x18800] =	vst v63  }
0xda: {  	s24 =	sadd.s32 $0x109A8, s7;
	s30 =	sadd.s32 $0x50, s19  }
0xdb: {  	[hbm4b:s30+s3] =	stream.linear.scatter [tilespmem:s24], [sflag:$0x9], $0x80, $0x38;
	[tilespmem:$0x18800] =	vst v63  }
.Ltmp4:
0xdc: {  	_ = 	snop;
	(pc) =	sbr.rel @p2 .LBB2_10-.Ltmp4, $4  }
0xdd: {  	s24 =	sadd.s32 $0x10AB0, s7;
	s30 =	sadd.s32 $0x60, s19  }
0xde: {  	[hbm4b:s30+s3] =	stream.linear.scatter [tilespmem:s24], [sflag:$0x9], $0x80, $0x38;
	[tilespmem:$0x18800] =	vst v63  }
0xdf: {  	s30 =	sadd.s32 $0x10BB8, s7  }
0xe0: {  	s7 =	sadd.s32 $0x70, s19;
	s19 =	sadd.s32 $0x4000, s19;
	s24 =	smov.u32 s20  }
0xe1: {  	[hbm4b:s7+s3] =	stream.linear.scatter [tilespmem:s30], [sflag:$0x9], $0x80, $0x38;
	[tilespmem:$0x18800] =	vst v63  }
0xe2: {  	s20 =	sadd.s32 $0x10480, s1  }
0xe3: {  	[hbm4b:s19+s3] =	stream.linear.scatter [tilespmem:s20], [sflag:$0x9], $0x80, $0x38;
	[tilespmem:$0x18800] =	vst v63  }
0xe4: {  	s24 =	sadd.s32 $0x10588, s1;
	s20 =	sadd.s32 $0x10, s19  }
0xe5: {  	[hbm4b:s20+s3] =	stream.linear.scatter [tilespmem:s24], [sflag:$0x9], $0x80, $0x38;
	[tilespmem:$0x18800] =	vst v63  }
0xe6: {  	s20 =	sadd.s32 $0x10690, s1;
	s24 =	sadd.s32 $0x20, s19  }
0xe7: {  	[hbm4b:s24+s3] =	stream.linear.scatter [tilespmem:s20], [sflag:$0x9], $0x80, $0x38;
	[tilespmem:$0x18800] =	vst v63  }
0xe8: {  	s20 =	sadd.s32 $0x10798, s1;
	s24 =	sadd.s32 $0x30, s19  }
0xe9: {  	[hbm4b:s24+s3] =	stream.linear.scatter [tilespmem:s20], [sflag:$0x9], $0x80, $0x38;
	[tilespmem:$0x18800] =	vst v63  }
0xea: {  	s20 =	sadd.s32 $0x108A0, s1;
	s24 =	sadd.s32 $0x40, s19  }
0xeb: {  	[hbm4b:s24+s3] =	stream.linear.scatter [tilespmem:s20], [sflag:$0x9], $0x80, $0x38;
	[tilespmem:$0x18800] =	vst v63  }
0xec: {  	s20 =	sadd.s32 $0x109A8, s1;
	s24 =	sadd.s32 $0x50, s19  }
0xed: {  	[hbm4b:s24+s3] =	stream.linear.scatter [tilespmem:s20], [sflag:$0x9], $0x80, $0x38;
	[tilespmem:$0x18800] =	vst v63  }
0xee: {  	s20 =	sadd.s32 $0x10AB0, s1;
	s24 =	sadd.s32 $0x60, s19  }
0xef: {  	[hbm4b:s24+s3] =	stream.linear.scatter [tilespmem:s20], [sflag:$0x9], $0x80, $0x38;
	[tilespmem:$0x18800] =	vst v63  }
0xf0: {  	s20 =	sadd.s32 $0x10BB8, s1;
	s24 =	sadd.s32 $0x70, s19  }
0xf1: {  	[hbm4b:s24+s3] =	stream.linear.scatter [tilespmem:s20], [sflag:$0x9], $0x80, $0x38;
	[tilespmem:$0x18800] =	vst v63  }
0xf2: {  	_ =	swait.ge [sflag:s29], $0x100  }
0xf3: {  	[sflag:s29] =	ssyncset.done $0x0  }
0xf4: {  	s19 =	simm.s32 $0xC400;
	[sflag:s29] =	ssyncadd.s32 $0xFFFFFF00  }
0xf5: {  	[tilespmem:s19], [sflag:$0x8] =	stream.indirect.gather [hbm4b:s5+s23], $0x40, s21, s23, $0xb8;
	[tilespmem:$0x18800] =	vst v63  }
0xf6: {  	s20 =	simm.s32 $0x380;
	s24 =	simm.s32 $0xE400  }
0xf7: {  	[tilespmem:s24], [sflag:$0x8] =	stream.indirect.gather [hbm4b:s5+s23], $0x40, s20, s23, $0xb8;
	[tilespmem:$0x18800] =	vst v63  }
0xf8: {  	s1 =	sadd.s32 @!p0 s14, s22;
	_ =	swait.ge [sflag:s8], $0x4000  }
0xf9: {  	s7 =	simm.s32 @!p0 $0x0;
	s1 =	sshrl.u32 @!p0 s1, $0x3;
	[sflag:s8] =	ssyncset.done $0x0  }
0xfa: {  	s1 =	sadd.s32 @!p0 s4, s1;
	s19 =	simm.s32 @!p0 $0x100;
	[sflag:s8] =	ssyncadd.s32 $0xFFFFC000  }
0xfb: {  	[tilespmem:s19], [sflag:$0x2] =	stream.linear.gather @!p0 [hbm4b:s1+s7], $0x100, $0x38;
	[tilespmem:$0x18800] =	vst v63  }
0xfc: {  	s1 =	simm.s32 @!p1 $0xA  }
0xfd: {  	_ =	swait.ge @!p1 [sflag:s1], $0x2000  }
0xfe: {  	[sflag:s1] =	ssyncset.done @!p1 $0x0  }
0xff: {  	[sflag:s1] =	ssyncadd.s32 @!p1 $0xFFFFE000  }
0x100: {  	_ =	swait.ge @!p1 [sflag:s1], $0x2000  }
0x101: {  	[sflag:s1] =	ssyncset.done @!p1 $0x0  }
0x102: {  	s22 =	simm.s32 $0x44F0;
	s7 =	simm.s32 $0x3;
	[sflag:s1] =	ssyncadd.s32 @!p1 $0xFFFFE000  }
0x103: {  	v4 =	vmov s7;
	v5 =	vld [tilespmem:s22+$0xFFFFFFD0]  }
0x104: {  	v9 =	vand.u32 $0xFF, v4  }
0x105: {  	s19 =	simm.s32 $0x0;
	v4 =	vadd.s32 v0, v9  }
0x106: {  	s20 =	simm.s32 $0x1;
	s24 =	simm.s32 $0x2;
	v6 =	vmov s19;
	v7 =	vld [tilespmem:s22+$0xFFFFFF10]  }
0x107: {  	v11 =	vmov s24;
	v8 =	vand.u32 $0xFC, v6;
	v6 =	vmov s20;
	v10 =	vld [tilespmem:s22+$0xFFFFFF50]  }
0x108: {  	v12 =	vadd.s32 v0, v8;
	v15 =	vand.u32 $0xFD, v6;
	v6 =	vld [tilespmem:s22+$0xFFFFFF90];
	v5 =	vmul.f32 $8.000000000e+00, v5  }
0x109: {  	v17 =	vand.u32 $0xFE, v11;
	v13 =	vadd.s32 v0, v15  }
0x10a: {  	v11 =	vadd.s32 v0, v17;
	[tilespmem:v4+s9+$0x0] =	vst.idx.msk $0xffff, v5  }
0x10b: {  	v4 =	vmul.f32 $8.000000000e+00, v7;
	v5 =	vld [tilespmem:s22+$0xFFFFFFE0]  }
0x10c: {  	v7 =	vmul.f32 $8.000000000e+00, v10  }
0x10d: {  	[tilespmem:v12+s9+$0x0] =	vst.idx.msk $0xffff, v4;
	v4 =	vmul.f32 $8.000000000e+00, v6;
	v6 =	vadd.s32 v1, v9  }
0x10e: {  	[tilespmem:v13+s9+$0x0] =	vst.idx.msk $0xffff, v7;
	v10 =	vld [tilespmem:s22+$0xFFFFFF20]  }
0x10f: {  	v7 =	vld [tilespmem:s22+$0xFFFFFF60];
	[tilespmem:v11+s9+$0x0] =	vst.idx.msk $0xffff, v4  }
0x110: {  	v11 =	vld [tilespmem:s22+$0xFFFFFFA0];
	v4 =	vmul.f32 $8.000000000e+00, v5  }
0x111: {  	s19 =	simm.s32 $0x4;
	s20 =	simm.s32 $0x7;
	s1 =	simm.s32 $0x45F0;
	v12 =	vadd.s32 v1, v15  }
0x112: {  	v14 =	vld [tilespmem:s1+$0xFFFFFFD0];
	v13 =	vadd.s32 v1, v17;
	v5 =	vmov s19;
	[tilespmem:v6+s9+$0x0] =	vst.idx.msk $0xffff, v4;
	v6 =	vmov s20  }
0x113: {  	v16 =	vadd.s32 v1, v8;
	v4 =	vand.u32 $0xFC, v5;
	v5 =	vand.u32 $0xFF, v6;
	v18 =	vld [tilespmem:s22+$0xFFFFFFF0]  }
0x114: {  	s24 =	simm.s32 $0x5;
	v22 =	vadd.s32 v2, v9;
	v19 =	vld [tilespmem:s1+$0xFFFFFF10];
	v6 =	vmul.f32 $8.000000000e+00, v7;
	v20 =	vadd.s32 v0, v5  }
0x115: {  	v21 =	vld [tilespmem:s1+$0xFFFFFF50];
	s19 =	simm.s32 $0x6;
	v10 =	vmul.f32 $8.000000000e+00, v10;
	v7 =	vmul.f32 $8.000000000e+00, v11;
	v11 =	vmov s24  }
0x116: {  	v23 =	vadd.s32 v0, v4;
	[tilespmem:v12+s9+$0x0] =	vst.idx.msk $0xffff, v6;
	v12 =	vmov s19;
	v6 =	vand.u32 $0xFD, v11;
	v11 =	vld [tilespmem:s1+$0xFFFFFF90]  }
0x117: {  	[tilespmem:v13+s9+$0x0] =	vst.idx.msk $0xffff, v7;
	v13 =	vadd.s32 v0, v6;
	v7 =	vand.u32 $0xFE, v12;
	v12 =	vmul.f32 $8.000000000e+00, v14;
	v14 =	vld [tilespmem:s22+$0xFFFFFF70]  }
0x118: {  	[tilespmem:v16+s9+$0x0] =	vst.idx.msk $0xffff, v10;
	v10 =	vadd.s32 v0, v7;
	v16 =	vld [tilespmem:s22+$0xFFFFFFB0];
	v18 =	vmul.f32 $8.000000000e+00, v18  }
0x119: {  	v19 =	vmul.f32 $8.000000000e+00, v19;
	[tilespmem:v20+s9+$0x0] =	vst.idx.msk $0xffff, v12;
	v12 =	vld [tilespmem:s22+$0xFFFFFF30];
	v20 =	vadd.s32 v2, v15  }
0x11a: {  	v25 =	vadd.s32 v2, v17;
	v21 =	vmul.f32 $8.000000000e+00, v21;
	v24 =	vld [tilespmem:s1+$0xFFFFFFE0];
	[tilespmem:v22+s9+$0x0] =	vst.idx.msk $0xffff, v18  }
0x11b: {  	[tilespmem:v23+s9+$0x0] =	vst.idx.msk $0xffff, v19;
	v19 =	vadd.s32 v2, v8;
	v11 =	vmul.f32 $8.000000000e+00, v11;
	v22 =	vld [tilespmem:s22+$0x0]  }
0x11c: {  	v23 =	vld [tilespmem:s1+$0xFFFFFF20];
	[tilespmem:v13+s9+$0x0] =	vst.idx.msk $0xffff, v21;
	v21 =	vadd.s32 v1, v5;
	v14 =	vmul.f32 $8.000000000e+00, v14  }
0x11d: {  	v27 =	vadd.s32 v3, v9;
	v26 =	vld [tilespmem:s1+$0xFFFFFF60];
	[tilespmem:v10+s9+$0x0] =	vst.idx.msk $0xffff, v11;
	v10 =	vmul.f32 $8.000000000e+00, v16  }
0x11e: {  	v18 =	vadd.s32 v1, v4;
	v13 =	vld [tilespmem:s1+$0xFFFFFFA0];
	v9 =	vmul.f32 $8.000000000e+00, v12;
	[tilespmem:v20+s9+$0x0] =	vst.idx.msk $0xffff, v14  }
0x11f: {  	s30 =	simm.s32 $0x8;
	v16 =	vadd.s32 v1, v6;
	[tilespmem:v25+s9+$0x0] =	vst.idx.msk $0xffff, v10;
	v14 =	vmul.f32 $8.000000000e+00, v24;
	v12 =	vld [tilespmem:s22+$0xFFFFFF80]  }
0x120: {  	v20 =	vmov s30;
	v10 =	vadd.s32 v1, v7;
	v11 =	vld [tilespmem:s22+$0xFFFFFFC0];
	[tilespmem:v19+s9+$0x0] =	vst.idx.msk $0xffff, v9;
	v63 =	vmul.f32 $8.000000000e+00, v22  }
0x121: {  	s20 =	simm.s32 $0xB;
	s24 =	simm.s32 $0x46F0;
	v15 =	vadd.s32 v3, v15;
	v9 =	vand.u32 $0xFC, v20;
	v20 =	vmul.f32 $8.000000000e+00, v23;
	[tilespmem:v21+s9+$0x0] =	vst.idx.msk $0xffff, v14;
	v14 =	vld [tilespmem:s22+$0xFFFFFF40]  }
0x122: {  	v17 =	vadd.s32 v3, v17;
	s19 =	simm.s32 $0xC;
	v22 =	vmov s20;
	v19 =	vld [tilespmem:s24+$0xFFFFFFD0];
	s22 =	sor.u32 $0x100000, s0;
	v21 =	vmul.f32 $8.000000000e+00, v26;
	[tilespmem:v27+s9+$0x0] =	vst.idx.msk $0xffff, v63  }
.LBB2_12:
0x123: {  	p0 =	slt.u32 s19, $0xFC;
	s7 =	sadd.s32 $0x1, s30;
	v22 =	vand.u32 $0xFF, v22;
	[tilespmem:v18+s9+$0x0] =	vst.idx.msk $0xffff, v20;
	v13 =	vmul.f32 $8.000000000e+00, v13;
	v18 =	vld [tilespmem:s1+$0xFFFFFFF0];
	v20 =	vadd.s32 v3, v8;
	v8 =	vmovc v4  }
0x124: {  	v4 =	vmovc v9;
	v23 =	vld [tilespmem:s24+$0xFFFFFF10];
	v24 =	vmov s7;
	s7 =	sadd.s32 $0x2, s30;
	v25 =	vadd.s32 v0, v22;
	[tilespmem:v16+s9+$0x0] =	vst.idx.msk $0xffff, v21;
	v12 =	vmul.f32 $8.000000000e+00, v12;
	s30 =	smov.u32 s19  }
0x125: {  	v9 =	vld [tilespmem:s24+$0xFFFFFF50];
	v16 =	vmov s7;
	[tilespmem:v10+s9+$0x0] =	vst.idx.msk $0xffff, v13;
	v10 =	vadd.s32 v2, v5;
	v11 =	vmul.f32 $8.000000000e+00, v11  }
0x126: {  	v13 =	vadd.s32 v0, v4;
	v21 =	vand.u32 $0xFD, v24;
	v24 =	vld [tilespmem:s24+$0xFFFFFF90];
	v14 =	vmul.f32 $8.000000000e+00, v14;
	[tilespmem:v15+s9+$0x0] =	vst.idx.msk $0xffff, v12  }
0x127: {  	v12 =	vadd.s32 v0, v21;
	v26 =	vand.u32 $0xFE, v16;
	v15 =	vmul.f32 $8.000000000e+00, v19;
	v16 =	vld [tilespmem:s1+$0xFFFFFF70];
	[tilespmem:v17+s9+$0x0] =	vst.idx.msk $0xffff, v11  }
0x128: {  	v11 =	vadd.s32 v0, v26;
	v17 =	vld [tilespmem:s1+$0xFFFFFFB0];
	v18 =	vmul.f32 $8.000000000e+00, v18;
	[tilespmem:v20+s9+$0x0] =	vst.idx.msk $0xffff, v14  }
0x129: {  	v19 =	vadd.s32 v2, v6;
	v14 =	vmul.f32 $8.000000000e+00, v23;
	[tilespmem:v25+s9+$0x0] =	vst.idx.msk $0xffff, v15;
	v15 =	vld [tilespmem:s1+$0xFFFFFF30]  }
0x12a: {  	v23 =	vadd.s32 v2, v7;
	v9 =	vmul.f32 $8.000000000e+00, v9;
	v20 =	vld [tilespmem:s24+$0xFFFFFFE0];
	[tilespmem:v10+s9+$0x0] =	vst.idx.msk $0xffff, v18  }
0x12b: {  	[tilespmem:v13+s9+$0x0] =	vst.idx.msk $0xffff, v14;
	v10 =	vmul.f32 $8.000000000e+00, v24;
	v14 =	vadd.s32 v2, v8;
	v24 =	vld [tilespmem:s1+$0x0]  }
0x12c: {  	v27 =	vadd.s32 v1, v22;
	v25 =	vld [tilespmem:s24+$0xFFFFFF20];
	[tilespmem:v12+s9+$0x0] =	vst.idx.msk $0xffff, v9;
	v9 =	vmul.f32 $8.000000000e+00, v16  }
0x12d: {  	v29 =	vadd.s32 v3, v5;
	v5 =	vmov v22;
	v28 =	vld [tilespmem:s24+$0xFFFFFF60];
	[tilespmem:v11+s9+$0x0] =	vst.idx.msk $0xffff, v10;
	v10 =	vmul.f32 $8.000000000e+00, v17  }
.Ltmp5:
0x12e: {  	v18 =	vadd.s32 v1, v4;
	v13 =	vld [tilespmem:s24+$0xFFFFFFA0];
	v11 =	vmul.f32 $8.000000000e+00, v15;
	[tilespmem:v19+s9+$0x0] =	vst.idx.msk $0xffff, v9;
	(pc) =	sbr.rel @p0 .LBB2_12-.Ltmp5, $4  }
0x12f: {  	v16 =	vadd.s32 v1, v21;
	v15 =	vmul.f32 $8.000000000e+00, v20;
	v12 =	vld [tilespmem:s1+$0xFFFFFF80];
	[tilespmem:v23+s9+$0x0] =	vst.idx.msk $0xffff, v10  }
0x130: {  	v9 =	vmov s19;
	v10 =	vadd.s32 v1, v26;
	[tilespmem:v14+s9+$0x0] =	vst.idx.msk $0xffff, v11;
	v11 =	vld [tilespmem:s1+$0xFFFFFFC0];
	v23 =	vmul.f32 $8.000000000e+00, v24  }
0x131: {  	s7 =	sadd.s32 $0x3, s19;
	v9 =	vand.u32 $0xFC, v9;
	v20 =	vmul.f32 $8.000000000e+00, v25;
	[tilespmem:v27+s9+$0x0] =	vst.idx.msk $0xffff, v15;
	v14 =	vld [tilespmem:s1+$0xFFFFFF40];
	v15 =	vadd.s32 v3, v6;
	v6 =	vmovc v21;
	s1 =	smov.u32 s24;
	s24 =	sadd.s32 $0x100, s24  }
0x132: {  	v22 =	vmov s7;
	v17 =	vadd.s32 v3, v7;
	v7 =	vmovc v26;
	s19 =	sadd.s32 $0x4, s19;
	v19 =	vld [tilespmem:s24+$0xFFFFFFD0];
	v21 =	vmul.f32 $8.000000000e+00, v28;
	[tilespmem:v29+s9+$0x0] =	vst.idx.msk $0xffff, v23  }
0x133: {  	s7 =	sadd.s32 $0x1, s30;
	v22 =	vand.u32 $0xFF, v22;
	v28 =	vld [tilespmem:s24+$0xFFFFFF10]  }
0x134: {  	s20 =	sadd.s32 $0x2, s30;
	v24 =	vld [tilespmem:s24+$0xFFFFFF50];
	v23 =	vmov s7;
	v25 =	vadd.s32 v0, v22  }
0x135: {  	v27 =	vld [tilespmem:s24+$0xFFFFFF90];
	v51 =	vadd.s32 v0, v9;
	v26 =	vmov s20;
	v23 =	vand.u32 $0xFD, v23  }
0x136: {  	v26 =	vand.u32 $0xFE, v26;
	v29 =	vadd.s32 v0, v23  }
0x137: {  	[tilespmem:v18+s9+$0x0] =	vst.idx.msk $0xffff, v20;
	v30 =	vadd.s32 v0, v26;
	v19 =	vmul.f32 $8.000000000e+00, v19  }
0x138: {  	[tilespmem:v16+s9+$0x0] =	vst.idx.msk $0xffff, v21;
	v54 =	vmul.f32 $8.000000000e+00, v28  }
0x139: {  	v52 =	vmul.f32 $8.000000000e+00, v24;
	[tilespmem:v25+s9+$0x0] =	vst.idx.msk $0xffff, v19  }
0x13a: {  	v53 =	vmul.f32 $8.000000000e+00, v27;
	v55 =	vld [tilespmem:s24+$0xFFFFFFE0];
	[tilespmem:v51+s9+$0x0] =	vst.idx.msk $0xffff, v54  }
0x13b: {  	v13 =	vmul.f32 $8.000000000e+00, v13;
	v8 =	vadd.s32 v3, v8;
	[tilespmem:v29+s9+$0x0] =	vst.idx.msk $0xffff, v52;
	v59 =	vld [tilespmem:s24+$0xFFFFFF20]  }
0x13c: {  	v12 =	vmul.f32 $8.000000000e+00, v12;
	v57 =	vadd.s32 v1, v22;
	[tilespmem:v30+s9+$0x0] =	vst.idx.msk $0xffff, v53;
	v56 =	vld [tilespmem:s24+$0xFFFFFF60]  }
0x13d: {  	[tilespmem:v10+s9+$0x0] =	vst.idx.msk $0xffff, v13;
	v58 =	vmul.f32 $8.000000000e+00, v11;
	v28 =	vadd.s32 v1, v9;
	v19 =	vld [tilespmem:s24+$0xFFFFFFA0]  }
0x13e: {  	v61 =	vld [tilespmem:s1+$0xFFFFFFF0];
	v60 =	vadd.s32 v1, v23;
	v14 =	vmul.f32 $8.000000000e+00, v14;
	[tilespmem:v15+s9+$0x0] =	vst.idx.msk $0xffff, v12  }
0x13f: {  	v32 =	vld [tilespmem:s1+$0xFFFFFF30];
	v62 =	vadd.s32 v1, v26;
	[tilespmem:v17+s9+$0x0] =	vst.idx.msk $0xffff, v58;
	v16 =	vmul.f32 $8.000000000e+00, v55  }
0x140: {  	[tilespmem:v8+s9+$0x0] =	vst.idx.msk $0xffff, v14;
	v29 =	vadd.s32 v2, v5;
	v30 =	vld [tilespmem:s1+$0xFFFFFFB0];
	v11 =	vmul.f32 $8.000000000e+00, v59  }
0x141: {  	v38 =	vadd.s32 v2, v4;
	v63 =	vld [tilespmem:s1+$0xFFFFFF70];
	v31 =	vmul.f32 $8.000000000e+00, v56;
	[tilespmem:v57+s9+$0x0] =	vst.idx.msk $0xffff, v16  }
0x142: {  	v35 =	vadd.s32 v2, v7;
	v34 =	vmul.f32 $8.000000000e+00, v19;
	v36 =	vld [tilespmem:s24+$0xFFFFFFF0];
	[tilespmem:v28+s9+$0x0] =	vst.idx.msk $0xffff, v11  }
0x143: {  	v33 =	vadd.s32 v2, v6;
	v37 =	vmul.f32 $8.000000000e+00, v61;
	[tilespmem:v60+s9+$0x0] =	vst.idx.msk $0xffff, v31;
	v43 =	vld [tilespmem:s24+$0xFFFFFF30]  }
0x144: {  	v40 =	vadd.s32 v2, v22;
	v14 =	vmul.f32 $8.000000000e+00, v32;
	[tilespmem:v62+s9+$0x0] =	vst.idx.msk $0xffff, v34;
	v39 =	vld [tilespmem:s24+$0xFFFFFF70]  }
0x145: {  	v48 =	vadd.s32 v2, v9;
	[tilespmem:v29+s9+$0x0] =	vst.idx.msk $0xffff, v37;
	v42 =	vmul.f32 $8.000000000e+00, v30;
	v41 =	vld [tilespmem:s24+$0xFFFFFFB0]  }
0x146: {  	v44 =	vadd.s32 v2, v23;
	v15 =	vmul.f32 $8.000000000e+00, v63;
	[tilespmem:v38+s9+$0x0] =	vst.idx.msk $0xffff, v14;
	v45 =	vld [tilespmem:s1+$0x0]  }
0x147: {  	v46 =	vadd.s32 v2, v26;
	v14 =	vld [tilespmem:s1+$0xFFFFFF40];
	[tilespmem:v35+s9+$0x0] =	vst.idx.msk $0xffff, v42;
	v47 =	vmul.f32 $8.000000000e+00, v36  }
0x148: {  	v5 =	vadd.s32 v3, v5;
	[tilespmem:v33+s9+$0x0] =	vst.idx.msk $0xffff, v15;
	v49 =	vld [tilespmem:s1+$0xFFFFFFC0];
	v53 =	vmul.f32 $8.000000000e+00, v43  }
0x149: {  	v4 =	vadd.s32 v3, v4;
	v21 =	vld [tilespmem:s1+$0xFFFFFF80];
	v12 =	vmul.f32 $8.000000000e+00, v39;
	[tilespmem:v40+s9+$0x0] =	vst.idx.msk $0xffff, v47  }
0x14a: {  	v52 =	vadd.s32 v3, v7;
	v51 =	vmul.f32 $8.000000000e+00, v41;
	v10 =	vld [tilespmem:s24+$0x0];
	[tilespmem:v48+s9+$0x0] =	vst.idx.msk $0xffff, v53  }
0x14b: {  	v50 =	vadd.s32 v3, v6;
	v54 =	vmul.f32 $8.000000000e+00, v45;
	[tilespmem:v44+s9+$0x0] =	vst.idx.msk $0xffff, v12;
	v59 =	vld [tilespmem:s24+$0xFFFFFF40]  }
0x14c: {  	v57 =	vadd.s32 v3, v22;
	v14 =	vmul.f32 $8.000000000e+00, v14;
	[tilespmem:v46+s9+$0x0] =	vst.idx.msk $0xffff, v51;
	v55 =	vld [tilespmem:s24+$0xFFFFFF80]  }
0x14d: {  	v62 =	vadd.s32 v3, v9;
	[tilespmem:v5+s9+$0x0] =	vst.idx.msk $0xffff, v54;
	v5 =	vmul.f32 $8.000000000e+00, v49;
	v58 =	vld [tilespmem:s24+$0xFFFFFFC0]  }
0x14e: {  	v56 =	vmul.f32 $8.000000000e+00, v21;
	v60 =	vadd.s32 v3, v23;
	[tilespmem:v4+s9+$0x0] =	vst.idx.msk $0xffff, v14  }
0x14f: {  	v61 =	vadd.s32 v3, v26;
	[tilespmem:v52+s9+$0x0] =	vst.idx.msk $0xffff, v5;
	v5 =	vmul.f32 $8.000000000e+00, v10  }
0x150: {  	[tilespmem:v50+s9+$0x0] =	vst.idx.msk $0xffff, v56;
	v63 =	vmul.f32 $8.000000000e+00, v59  }
0x151: {  	v4 =	vmul.f32 $8.000000000e+00, v55;
	[tilespmem:v57+s9+$0x0] =	vst.idx.msk $0xffff, v5  }
0x152: {  	s24 =	sor.u32 s15, s0;
	v5 =	vmul.f32 $8.000000000e+00, v58;
	[tilespmem:v62+s9+$0x0] =	vst.idx.msk $0xffff, v63  }
0x153: {  	s1 =	sshrl.u32 s24, $0x3;
	[tilespmem:v60+s9+$0x0] =	vst.idx.msk $0xffff, v4  }
0x154: {  	s7 =	simm.s32 $0x14600;
	s19 =	sadd.s32 s2, s1;
	[tilespmem:v61+s9+$0x0] =	vst.idx.msk $0xffff, v5  }
0x155: {  	[hbm4b:s19+s3] =	stream.linear.scatter [tilespmem:s7], [sflag:$0xA], $0x80, $0x38;
	[tilespmem:$0x18800] =	vst v63  }
0x156: {  	s20 =	simm.s32 $0x14708;
	s24 =	sadd.s32 $0x10, s19  }
0x157: {  	[hbm4b:s24+s3] =	stream.linear.scatter [tilespmem:s20], [sflag:$0xA], $0x80, $0x38;
	[tilespmem:$0x18800] =	vst v63  }
0x158: {  	s20 =	simm.s32 $0x14810;
	s24 =	sadd.s32 $0x20, s19  }
0x159: {  	[hbm4b:s24+s3] =	stream.linear.scatter [tilespmem:s20], [sflag:$0xA], $0x80, $0x38;
	[tilespmem:$0x18800] =	vst v63  }
0x15a: {  	s20 =	simm.s32 $0x14918;
	s24 =	sadd.s32 $0x30, s19  }
0x15b: {  	[hbm4b:s24+s3] =	stream.linear.scatter [tilespmem:s20], [sflag:$0xA], $0x80, $0x38;
	[tilespmem:$0x18800] =	vst v63  }
0x15c: {  	s20 =	simm.s32 $0x14A20;
	s24 =	sadd.s32 $0x40, s19  }
0x15d: {  	[hbm4b:s24+s3] =	stream.linear.scatter [tilespmem:s20], [sflag:$0xA], $0x80, $0x38;
	[tilespmem:$0x18800] =	vst v63  }
0x15e: {  	s30 =	simm.s32 $0x14D38;
	s20 =	simm.s32 $0x14B28;
	s24 =	sadd.s32 $0x50, s19  }
0x15f: {  	[hbm4b:s24+s3] =	stream.linear.scatter [tilespmem:s20], [sflag:$0xA], $0x80, $0x38;
	[tilespmem:$0x18800] =	vst v63  }
0x160: {  	s1 =	simm.s32 $0x840;
	s20 =	simm.s32 $0x14C30;
	s24 =	sadd.s32 $0x60, s19  }
0x161: {  	[hbm4b:s24+s3] =	stream.linear.scatter [tilespmem:s20], [sflag:$0xA], $0x80, $0x38;
	[tilespmem:$0x18800] =	vst v63  }
0x162: {  	s7 =	sadd.s32 $0x70, s19;
	s19 =	sadd.s32 $0x4000, s19;
	s24 =	simm.s32 $0x4200  }
.LBB2_14:
0x163: {  	[hbm4b:s7+s3] =	stream.linear.scatter [tilespmem:s30], [sflag:$0xA], $0x80, $0x38;
	[tilespmem:$0x18800] =	vst v63  }
0x164: {  	s7 =	smov.u32 s1;
	s1 =	smov.u32 s24  }
0x165: {  	s20 =	sadd.s32 $0x2100, s24;
	s1 =	sshra.s32 s1, $0x2;
	s30 =	sadd.s32 $0x14600, s7  }
0x166: {  	[hbm4b:s19+s3] =	stream.linear.scatter [tilespmem:s30], [sflag:$0xA], $0x80, $0x38;
	[tilespmem:$0x18800] =	vst v63  }
0x167: {  	p0 =	sne.s32 s24, $0xE700;
	s24 =	sadd.s32 $0x14708, s7;
	s30 =	sadd.s32 $0x10, s19  }
0x168: {  	[hbm4b:s30+s3] =	stream.linear.scatter [tilespmem:s24], [sflag:$0xA], $0x80, $0x38;
	[tilespmem:$0x18800] =	vst v63  }
0x169: {  	s24 =	sadd.s32 $0x14810, s7;
	s30 =	sadd.s32 $0x20, s19  }
0x16a: {  	[hbm4b:s30+s3] =	stream.linear.scatter [tilespmem:s24], [sflag:$0xA], $0x80, $0x38;
	[tilespmem:$0x18800] =	vst v63  }
0x16b: {  	s24 =	sadd.s32 $0x14918, s7;
	s30 =	sadd.s32 $0x30, s19  }
0x16c: {  	[hbm4b:s30+s3] =	stream.linear.scatter [tilespmem:s24], [sflag:$0xA], $0x80, $0x38;
	[tilespmem:$0x18800] =	vst v63  }
0x16d: {  	s24 =	sadd.s32 $0x14A20, s7;
	s30 =	sadd.s32 $0x40, s19  }
0x16e: {  	[hbm4b:s30+s3] =	stream.linear.scatter [tilespmem:s24], [sflag:$0xA], $0x80, $0x38;
	[tilespmem:$0x18800] =	vst v63  }
0x16f: {  	s24 =	sadd.s32 $0x14B28, s7;
	s30 =	sadd.s32 $0x50, s19  }
0x170: {  	[hbm4b:s30+s3] =	stream.linear.scatter [tilespmem:s24], [sflag:$0xA], $0x80, $0x38;
	[tilespmem:$0x18800] =	vst v63  }
.Ltmp6:
0x171: {  	_ = 	snop;
	(pc) =	sbr.rel @p0 .LBB2_14-.Ltmp6, $4  }
0x172: {  	s24 =	sadd.s32 $0x14C30, s7;
	s30 =	sadd.s32 $0x60, s19  }
0x173: {  	[hbm4b:s30+s3] =	stream.linear.scatter [tilespmem:s24], [sflag:$0xA], $0x80, $0x38;
	[tilespmem:$0x18800] =	vst v63  }
0x174: {  	s30 =	sadd.s32 $0x14D38, s7  }
0x175: {  	s7 =	sadd.s32 $0x70, s19;
	s19 =	sadd.s32 $0x4000, s19;
	s24 =	smov.u32 s20  }
0x176: {  	[hbm4b:s7+s3] =	stream.linear.scatter [tilespmem:s30], [sflag:$0xA], $0x80, $0x38;
	[tilespmem:$0x18800] =	vst v63  }
0x177: {  	s24 =	sadd.s32 $0x14600, s1  }
0x178: {  	[hbm4b:s19+s3] =	stream.linear.scatter [tilespmem:s24], [sflag:$0xA], $0x80, $0x38;
	[tilespmem:$0x18800] =	vst v63  }
0x179: {  	s30 =	sadd.s32 $0x14708, s1;
	s20 =	sadd.s32 $0x10, s19  }
0x17a: {  	[hbm4b:s20+s3] =	stream.linear.scatter [tilespmem:s30], [sflag:$0xA], $0x80, $0x38;
	[tilespmem:$0x18800] =	vst v63  }
0x17b: {  	s24 =	sadd.s32 $0x14810, s1;
	s30 =	sadd.s32 $0x20, s19  }
0x17c: {  	[hbm4b:s30+s3] =	stream.linear.scatter [tilespmem:s24], [sflag:$0xA], $0x80, $0x38;
	[tilespmem:$0x18800] =	vst v63  }
0x17d: {  	s24 =	sadd.s32 $0x14918, s1;
	s30 =	sadd.s32 $0x30, s19  }
0x17e: {  	[hbm4b:s30+s3] =	stream.linear.scatter [tilespmem:s24], [sflag:$0xA], $0x80, $0x38;
	[tilespmem:$0x18800] =	vst v63  }
0x17f: {  	s24 =	sadd.s32 $0x14A20, s1;
	s30 =	sadd.s32 $0x40, s19  }
0x180: {  	[hbm4b:s30+s3] =	stream.linear.scatter [tilespmem:s24], [sflag:$0xA], $0x80, $0x38;
	[tilespmem:$0x18800] =	vst v63  }
0x181: {  	s24 =	sadd.s32 $0x14B28, s1;
	s30 =	sadd.s32 $0x50, s19  }
0x182: {  	[hbm4b:s30+s3] =	stream.linear.scatter [tilespmem:s24], [sflag:$0xA], $0x80, $0x38;
	[tilespmem:$0x18800] =	vst v63  }
0x183: {  	s0 =	sor.u32 s16, s0;
	s24 =	sadd.s32 $0x14C30, s1;
	s30 =	sadd.s32 $0x60, s19  }
0x184: {  	[hbm4b:s30+s3] =	stream.linear.scatter [tilespmem:s24], [sflag:$0xA], $0x80, $0x38;
	[tilespmem:$0x18800] =	vst v63  }
0x185: {  	s0 =	sshrl.u32 s0, $0x3;
	s24 =	sadd.s32 $0x14D38, s1;
	s30 =	sadd.s32 $0x70, s19  }
0x186: {  	[hbm4b:s30+s3] =	stream.linear.scatter [tilespmem:s24], [sflag:$0xA], $0x80, $0x38;
	[tilespmem:$0x18800] =	vst v63  }
0x187: {  	s7 =	simm.s32 $0x14680;
	s1 =	sadd.s32 s2, s0  }
0x188: {  	[hbm4b:s1+s3] =	stream.linear.scatter [tilespmem:s7], [sflag:$0xA], $0x80, $0x38;
	[tilespmem:$0x18800] =	vst v63  }
0x189: {  	s19 =	simm.s32 $0x14788;
	s20 =	sadd.s32 $0x10, s1  }
0x18a: {  	[hbm4b:s20+s3] =	stream.linear.scatter [tilespmem:s19], [sflag:$0xA], $0x80, $0x38;
	[tilespmem:$0x18800] =	vst v63  }
0x18b: {  	s24 =	simm.s32 $0x14890;
	s30 =	sadd.s32 $0x20, s1  }
0x18c: {  	[hbm4b:s30+s3] =	stream.linear.scatter [tilespmem:s24], [sflag:$0xA], $0x80, $0x38;
	[tilespmem:$0x18800] =	vst v63  }
0x18d: {  	s19 =	simm.s32 $0x14998;
	s20 =	sadd.s32 $0x30, s1  }
0x18e: {  	[hbm4b:s20+s3] =	stream.linear.scatter [tilespmem:s19], [sflag:$0xA], $0x80, $0x38;
	[tilespmem:$0x18800] =	vst v63  }
0x18f: {  	s24 =	simm.s32 $0x14AA0;
	s30 =	sadd.s32 $0x40, s1  }
0x190: {  	[hbm4b:s30+s3] =	stream.linear.scatter [tilespmem:s24], [sflag:$0xA], $0x80, $0x38;
	[tilespmem:$0x18800] =	vst v63  }
0x191: {  	s0 =	simm.s32 $0x840;
	s19 =	simm.s32 $0x14BA8;
	s20 =	sadd.s32 $0x50, s1  }
0x192: {  	[hbm4b:s20+s3] =	stream.linear.scatter [tilespmem:s19], [sflag:$0xA], $0x80, $0x38;
	[tilespmem:$0x18800] =	vst v63  }
0x193: {  	s7 =	sadd.s32 $0x70, s1;
	s24 =	simm.s32 $0x14CB0;
	s30 =	sadd.s32 $0x60, s1  }
0x194: {  	[hbm4b:s30+s3] =	stream.linear.scatter [tilespmem:s24], [sflag:$0xA], $0x80, $0x38;
	[tilespmem:$0x18800] =	vst v63  }
0x195: {  	s1 =	sadd.s32 $0x4000, s1;
	s19 =	simm.s32 $0x4200;
	s24 =	simm.s32 $0x14DB8  }
.LBB2_16:
0x196: {  	[hbm4b:s7+s3] =	stream.linear.scatter [tilespmem:s24], [sflag:$0xA], $0x80, $0x38;
	[tilespmem:$0x18800] =	vst v63  }
0x197: {  	s7 =	smov.u32 s0;
	s0 =	smov.u32 s19  }
0x198: {  	s20 =	sadd.s32 $0x2100, s19;
	s0 =	sshra.s32 s0, $0x2;
	s24 =	sadd.s32 $0x14680, s7  }
0x199: {  	[hbm4b:s1+s3] =	stream.linear.scatter [tilespmem:s24], [sflag:$0xA], $0x80, $0x38;
	[tilespmem:$0x18800] =	vst v63  }
0x19a: {  	p0 =	sne.s32 s19, $0xE700;
	s19 =	sadd.s32 $0x14788, s7;
	s24 =	sadd.s32 $0x10, s1  }
0x19b: {  	[hbm4b:s24+s3] =	stream.linear.scatter [tilespmem:s19], [sflag:$0xA], $0x80, $0x38;
	[tilespmem:$0x18800] =	vst v63  }
0x19c: {  	s19 =	sadd.s32 $0x14890, s7;
	s24 =	sadd.s32 $0x20, s1  }
0x19d: {  	[hbm4b:s24+s3] =	stream.linear.scatter [tilespmem:s19], [sflag:$0xA], $0x80, $0x38;
	[tilespmem:$0x18800] =	vst v63  }
0x19e: {  	s19 =	sadd.s32 $0x14998, s7;
	s24 =	sadd.s32 $0x30, s1  }
0x19f: {  	[hbm4b:s24+s3] =	stream.linear.scatter [tilespmem:s19], [sflag:$0xA], $0x80, $0x38;
	[tilespmem:$0x18800] =	vst v63  }
0x1a0: {  	s19 =	sadd.s32 $0x14AA0, s7;
	s24 =	sadd.s32 $0x40, s1  }
0x1a1: {  	[hbm4b:s24+s3] =	stream.linear.scatter [tilespmem:s19], [sflag:$0xA], $0x80, $0x38;
	[tilespmem:$0x18800] =	vst v63  }
0x1a2: {  	s19 =	sadd.s32 $0x14BA8, s7;
	s24 =	sadd.s32 $0x50, s1  }
0x1a3: {  	[hbm4b:s24+s3] =	stream.linear.scatter [tilespmem:s19], [sflag:$0xA], $0x80, $0x38;
	[tilespmem:$0x18800] =	vst v63  }
.Ltmp7:
0x1a4: {  	_ = 	snop;
	(pc) =	sbr.rel @p0 .LBB2_16-.Ltmp7, $4  }
0x1a5: {  	s19 =	sadd.s32 $0x14CB0, s7;
	s24 =	sadd.s32 $0x60, s1  }
0x1a6: {  	[hbm4b:s24+s3] =	stream.linear.scatter [tilespmem:s19], [sflag:$0xA], $0x80, $0x38;
	[tilespmem:$0x18800] =	vst v63  }
0x1a7: {  	s24 =	sadd.s32 $0x14DB8, s7  }
0x1a8: {  	s7 =	sadd.s32 $0x70, s1;
	s1 =	sadd.s32 $0x4000, s1;
	s19 =	smov.u32 s20  }
0x1a9: {  	[hbm4b:s7+s3] =	stream.linear.scatter [tilespmem:s24], [sflag:$0xA], $0x80, $0x38;
	[tilespmem:$0x18800] =	vst v63  }
0x1aa: {  	s20 =	sadd.s32 $0x14680, s0  }
0x1ab: {  	[hbm4b:s1+s3] =	stream.linear.scatter [tilespmem:s20], [sflag:$0xA], $0x80, $0x38;
	[tilespmem:$0x18800] =	vst v63  }
0x1ac: {  	s24 =	sadd.s32 $0x14788, s0;
	s19 =	sadd.s32 $0x10, s1  }
0x1ad: {  	[hbm4b:s19+s3] =	stream.linear.scatter [tilespmem:s24], [sflag:$0xA], $0x80, $0x38;
	[tilespmem:$0x18800] =	vst v63  }
0x1ae: {  	s20 =	sadd.s32 $0x14890, s0;
	s24 =	sadd.s32 $0x20, s1  }
0x1af: {  	[hbm4b:s24+s3] =	stream.linear.scatter [tilespmem:s20], [sflag:$0xA], $0x80, $0x38;
	[tilespmem:$0x18800] =	vst v63  }
0x1b0: {  	s20 =	sadd.s32 $0x14998, s0;
	s24 =	sadd.s32 $0x30, s1  }
0x1b1: {  	[hbm4b:s24+s3] =	stream.linear.scatter [tilespmem:s20], [sflag:$0xA], $0x80, $0x38;
	[tilespmem:$0x18800] =	vst v63  }
0x1b2: {  	s20 =	sadd.s32 $0x14AA0, s0;
	s24 =	sadd.s32 $0x40, s1  }
0x1b3: {  	[hbm4b:s24+s3] =	stream.linear.scatter [tilespmem:s20], [sflag:$0xA], $0x80, $0x38;
	[tilespmem:$0x18800] =	vst v63  }
0x1b4: {  	s20 =	sadd.s32 $0x14BA8, s0;
	s24 =	sadd.s32 $0x50, s1  }
0x1b5: {  	[hbm4b:s24+s3] =	stream.linear.scatter [tilespmem:s20], [sflag:$0xA], $0x80, $0x38;
	[tilespmem:$0x18800] =	vst v63  }
0x1b6: {  	p0 =	sne.s32 s26, $0x63;
	s20 =	sadd.s32 $0x14CB0, s0;
	s24 =	sadd.s32 $0x60, s1  }
0x1b7: {  	[hbm4b:s24+s3] =	stream.linear.scatter [tilespmem:s20], [sflag:$0xA], $0x80, $0x38;
	[tilespmem:$0x18800] =	vst v63  }
0x1b8: {  	s7 =	sadd.s32 $0x14DB8, s0;
	s19 =	sadd.s32 $0x70, s1;
	s0 =	simm.s32 @p0 $0x1  }
0x1b9: {  	[hbm4b:s19+s3] =	stream.linear.scatter [tilespmem:s7], [sflag:$0xA], $0x80, $0x38;
	[tilespmem:$0x18800] =	vst v63  }
0x1ba: {  	_ =	swait.ge @p0 [sflag:s0], $0x100  }
0x1bb: {  	s1 =	simm.s32 @p0 $0x0;
	[sflag:s0] =	ssyncset.done @p0 $0x0  }
0x1bc: {  	s7 =	simm.s32 @p0 $0x400;
	[sflag:s0] =	ssyncadd.s32 @p0 $0xFFFFFF00;
	s0 =	simm.s32 @p0 $0x80  }
0x1bd: {  	[tilespmem:s7], [sflag:$0x5] =	stream.indirect.gather @p0 [hbm4b:s5+s0], $0x40, s1, s0, $0xb8;
	[tilespmem:$0x18800] =	vst v63  }
0x1be: {  	s7 =	simm.s32 @p0 $0x2400  }
0x1bf: {  	[tilespmem:s7], [sflag:$0x5] =	stream.indirect.gather @p0 [hbm4b:s5+s0], $0x40, s0, s0, $0xb8;
	[tilespmem:$0x18800] =	vst v63  }
0x1c0: {  	s7 =	simm.s32 @p0 $0x7;
	s0 =	sshll.u32 @p0 s26, $0xF  }
0x1c1: {  	_ =	swait.ge @p0 [sflag:s7], $0x4000;
	s19 =	sadd.s32 @p0 s12, s0  }
0x1c2: {  	[sflag:s7] =	ssyncset.done @p0 $0x0;
	s19 =	sshrl.u32 @p0 s19, $0x3  }
0x1c3: {  	[sflag:s7] =	ssyncadd.s32 @p0 $0xFFFFC000;
	s7 =	sadd.s32 @p0 s4, s19;
	s19 =	simm.s32 @p0 $0x200  }
0x1c4: {  	[tilespmem:s19], [sflag:$0x3] =	stream.linear.gather @p0 [hbm4b:s7+s1], $0x100, $0x38;
	[tilespmem:$0x18800] =	vst v63  }
0x1c5: {  	s1 =	simm.s32 @!p0 $0x7  }
0x1c6: {  	_ =	swait.ge @!p0 [sflag:s1], $0x4000  }
0x1c7: {  	[sflag:s1] =	ssyncset.done @!p0 $0x0  }
0x1c8: {  	[sflag:s1] =	ssyncadd.s32 @!p0 $0xFFFFC000  }
0x1c9: {  	_ =	swait.ge [sflag:s18], $0x2000  }
0x1ca: {  	[sflag:s18] =	ssyncset.done $0x0  }
0x1cb: {  	[sflag:s18] =	ssyncadd.s32 $0xFFFFE000  }
0x1cc: {  	_ =	swait.ge [sflag:s18], $0x2000  }
0x1cd: {  	[sflag:s18] =	ssyncset.done $0x0  }
0x1ce: {  	s20 =	simm.s32 $0x3;
	s19 =	simm.s32 $0x84F0;
	[sflag:s18] =	ssyncadd.s32 $0xFFFFE000  }
0x1cf: {  	v4 =	vmov s20;
	v5 =	vld [tilespmem:s19+$0xFFFFFFD0]  }
0x1d0: {  	v9 =	vand.u32 $0xFF, v4  }
0x1d1: {  	s24 =	simm.s32 $0x0;
	v4 =	vadd.s32 v0, v9  }
0x1d2: {  	v6 =	vmov s24;
	s20 =	simm.s32 $0x2;
	s7 =	simm.s32 $0x1;
	v7 =	vld [tilespmem:s19+$0xFFFFFF10]  }
0x1d3: {  	v8 =	vand.u32 $0xFC, v6;
	v11 =	vmov s20;
	v6 =	vmov s7;
	v10 =	vld [tilespmem:s19+$0xFFFFFF50]  }
0x1d4: {  	v12 =	vadd.s32 v0, v8;
	v15 =	vand.u32 $0xFD, v6;
	v6 =	vld [tilespmem:s19+$0xFFFFFF90];
	v5 =	vmul.f32 $8.000000000e+00, v5  }
0x1d5: {  	v17 =	vand.u32 $0xFE, v11;
	v13 =	vadd.s32 v0, v15  }
0x1d6: {  	v11 =	vadd.s32 v0, v17;
	[tilespmem:v4+s28+$0x0] =	vst.idx.msk $0xffff, v5  }
0x1d7: {  	v4 =	vmul.f32 $8.000000000e+00, v7;
	v5 =	vld [tilespmem:s19+$0xFFFFFFE0]  }
0x1d8: {  	v7 =	vmul.f32 $8.000000000e+00, v10  }
0x1d9: {  	[tilespmem:v12+s28+$0x0] =	vst.idx.msk $0xffff, v4;
	v4 =	vmul.f32 $8.000000000e+00, v6;
	v6 =	vadd.s32 v1, v9  }
0x1da: {  	[tilespmem:v13+s28+$0x0] =	vst.idx.msk $0xffff, v7;
	v10 =	vld [tilespmem:s19+$0xFFFFFF20]  }
0x1db: {  	v7 =	vld [tilespmem:s19+$0xFFFFFF60];
	[tilespmem:v11+s28+$0x0] =	vst.idx.msk $0xffff, v4  }
0x1dc: {  	v11 =	vld [tilespmem:s19+$0xFFFFFFA0];
	v4 =	vmul.f32 $8.000000000e+00, v5  }
0x1dd: {  	s24 =	simm.s32 $0x4;
	s20 =	simm.s32 $0x7;
	s1 =	simm.s32 $0x85F0;
	v12 =	vadd.s32 v1, v15  }
0x1de: {  	v14 =	vld [tilespmem:s1+$0xFFFFFFD0];
	v13 =	vadd.s32 v1, v17;
	v5 =	vmov s24;
	[tilespmem:v6+s28+$0x0] =	vst.idx.msk $0xffff, v4;
	v6 =	vmov s20  }
0x1df: {  	v16 =	vadd.s32 v1, v8;
	v4 =	vand.u32 $0xFC, v5;
	v5 =	vand.u32 $0xFF, v6;
	v18 =	vld [tilespmem:s19+$0xFFFFFFF0]  }
0x1e0: {  	v22 =	vadd.s32 v2, v9;
	v19 =	vld [tilespmem:s1+$0xFFFFFF10];
	s20 =	simm.s32 $0x5;
	v6 =	vmul.f32 $8.000000000e+00, v7;
	v20 =	vadd.s32 v0, v5  }
0x1e1: {  	v21 =	vld [tilespmem:s1+$0xFFFFFF50];
	s24 =	simm.s32 $0x6;
	v10 =	vmul.f32 $8.000000000e+00, v10;
	v7 =	vmul.f32 $8.000000000e+00, v11;
	v11 =	vmov s20  }
0x1e2: {  	v23 =	vadd.s32 v0, v4;
	[tilespmem:v12+s28+$0x0] =	vst.idx.msk $0xffff, v6;
	v12 =	vmov s24;
	v6 =	vand.u32 $0xFD, v11;
	v11 =	vld [tilespmem:s1+$0xFFFFFF90]  }
0x1e3: {  	[tilespmem:v13+s28+$0x0] =	vst.idx.msk $0xffff, v7;
	v13 =	vadd.s32 v0, v6;
	v7 =	vand.u32 $0xFE, v12;
	v12 =	vmul.f32 $8.000000000e+00, v14;
	v14 =	vld [tilespmem:s19+$0xFFFFFF70]  }
0x1e4: {  	[tilespmem:v16+s28+$0x0] =	vst.idx.msk $0xffff, v10;
	v10 =	vadd.s32 v0, v7;
	v16 =	vld [tilespmem:s19+$0xFFFFFFB0];
	v18 =	vmul.f32 $8.000000000e+00, v18  }
0x1e5: {  	v19 =	vmul.f32 $8.000000000e+00, v19;
	[tilespmem:v20+s28+$0x0] =	vst.idx.msk $0xffff, v12;
	v12 =	vld [tilespmem:s19+$0xFFFFFF30];
	v20 =	vadd.s32 v2, v15  }
0x1e6: {  	v25 =	vadd.s32 v2, v17;
	v21 =	vmul.f32 $8.000000000e+00, v21;
	v24 =	vld [tilespmem:s1+$0xFFFFFFE0];
	[tilespmem:v22+s28+$0x0] =	vst.idx.msk $0xffff, v18  }
0x1e7: {  	[tilespmem:v23+s28+$0x0] =	vst.idx.msk $0xffff, v19;
	v19 =	vadd.s32 v2, v8;
	v11 =	vmul.f32 $8.000000000e+00, v11;
	v22 =	vld [tilespmem:s19+$0x0]  }
0x1e8: {  	v23 =	vld [tilespmem:s1+$0xFFFFFF20];
	[tilespmem:v13+s28+$0x0] =	vst.idx.msk $0xffff, v21;
	v21 =	vadd.s32 v1, v5;
	v14 =	vmul.f32 $8.000000000e+00, v14  }
0x1e9: {  	v27 =	vadd.s32 v3, v9;
	v26 =	vld [tilespmem:s1+$0xFFFFFF60];
	[tilespmem:v10+s28+$0x0] =	vst.idx.msk $0xffff, v11;
	v10 =	vmul.f32 $8.000000000e+00, v16  }
0x1ea: {  	v18 =	vadd.s32 v1, v4;
	v13 =	vld [tilespmem:s1+$0xFFFFFFA0];
	v9 =	vmul.f32 $8.000000000e+00, v12;
	[tilespmem:v20+s28+$0x0] =	vst.idx.msk $0xffff, v14  }
0x1eb: {  	s30 =	simm.s32 $0x8;
	v16 =	vadd.s32 v1, v6;
	[tilespmem:v25+s28+$0x0] =	vst.idx.msk $0xffff, v10;
	v14 =	vmul.f32 $8.000000000e+00, v24;
	v12 =	vld [tilespmem:s19+$0xFFFFFF80]  }
0x1ec: {  	v20 =	vmov s30;
	v10 =	vadd.s32 v1, v7;
	v11 =	vld [tilespmem:s19+$0xFFFFFFC0];
	[tilespmem:v19+s28+$0x0] =	vst.idx.msk $0xffff, v9;
	v63 =	vmul.f32 $8.000000000e+00, v22  }
0x1ed: {  	s20 =	simm.s32 $0xB;
	s24 =	simm.s32 $0x86F0;
	v15 =	vadd.s32 v3, v15;
	v9 =	vand.u32 $0xFC, v20;
	v20 =	vmul.f32 $8.000000000e+00, v23;
	[tilespmem:v21+s28+$0x0] =	vst.idx.msk $0xffff, v14;
	v14 =	vld [tilespmem:s19+$0xFFFFFF40]  }
0x1ee: {  	v17 =	vadd.s32 v3, v17;
	v22 =	vmov s20;
	v19 =	vld [tilespmem:s24+$0xFFFFFFD0];
	s19 =	simm.s32 $0xC;
	v21 =	vmul.f32 $8.000000000e+00, v26;
	[tilespmem:v27+s28+$0x0] =	vst.idx.msk $0xffff, v63  }
.LBB2_18:
0x1ef: {  	p1 =	slt.u32 s19, $0xFC;
	s7 =	sadd.s32 $0x1, s30;
	v22 =	vand.u32 $0xFF, v22;
	[tilespmem:v18+s28+$0x0] =	vst.idx.msk $0xffff, v20;
	v13 =	vmul.f32 $8.000000000e+00, v13;
	v18 =	vld [tilespmem:s1+$0xFFFFFFF0];
	v20 =	vadd.s32 v3, v8;
	v8 =	vmovc v4  }
0x1f0: {  	v4 =	vmovc v9;
	v23 =	vld [tilespmem:s24+$0xFFFFFF10];
	v24 =	vmov s7;
	s7 =	sadd.s32 $0x2, s30;
	v25 =	vadd.s32 v0, v22;
	[tilespmem:v16+s28+$0x0] =	vst.idx.msk $0xffff, v21;
	v12 =	vmul.f32 $8.000000000e+00, v12;
	s30 =	smov.u32 s19  }
0x1f1: {  	v9 =	vld [tilespmem:s24+$0xFFFFFF50];
	v16 =	vmov s7;
	[tilespmem:v10+s28+$0x0] =	vst.idx.msk $0xffff, v13;
	v10 =	vadd.s32 v2, v5;
	v11 =	vmul.f32 $8.000000000e+00, v11  }
0x1f2: {  	v13 =	vadd.s32 v0, v4;
	v21 =	vand.u32 $0xFD, v24;
	v24 =	vld [tilespmem:s24+$0xFFFFFF90];
	v14 =	vmul.f32 $8.000000000e+00, v14;
	[tilespmem:v15+s28+$0x0] =	vst.idx.msk $0xffff, v12  }
0x1f3: {  	v12 =	vadd.s32 v0, v21;
	v26 =	vand.u32 $0xFE, v16;
	v15 =	vmul.f32 $8.000000000e+00, v19;
	v16 =	vld [tilespmem:s1+$0xFFFFFF70];
	[tilespmem:v17+s28+$0x0] =	vst.idx.msk $0xffff, v11  }
0x1f4: {  	v11 =	vadd.s32 v0, v26;
	v17 =	vld [tilespmem:s1+$0xFFFFFFB0];
	v18 =	vmul.f32 $8.000000000e+00, v18;
	[tilespmem:v20+s28+$0x0] =	vst.idx.msk $0xffff, v14  }
0x1f5: {  	v19 =	vadd.s32 v2, v6;
	v14 =	vmul.f32 $8.000000000e+00, v23;
	[tilespmem:v25+s28+$0x0] =	vst.idx.msk $0xffff, v15;
	v15 =	vld [tilespmem:s1+$0xFFFFFF30]  }
0x1f6: {  	v23 =	vadd.s32 v2, v7;
	v9 =	vmul.f32 $8.000000000e+00, v9;
	v20 =	vld [tilespmem:s24+$0xFFFFFFE0];
	[tilespmem:v10+s28+$0x0] =	vst.idx.msk $0xffff, v18  }
0x1f7: {  	[tilespmem:v13+s28+$0x0] =	vst.idx.msk $0xffff, v14;
	v10 =	vmul.f32 $8.000000000e+00, v24;
	v14 =	vadd.s32 v2, v8;
	v24 =	vld [tilespmem:s1+$0x0]  }
0x1f8: {  	v27 =	vadd.s32 v1, v22;
	v25 =	vld [tilespmem:s24+$0xFFFFFF20];
	[tilespmem:v12+s28+$0x0] =	vst.idx.msk $0xffff, v9;
	v9 =	vmul.f32 $8.000000000e+00, v16  }
0x1f9: {  	v29 =	vadd.s32 v3, v5;
	v5 =	vmov v22;
	v28 =	vld [tilespmem:s24+$0xFFFFFF60];
	[tilespmem:v11+s28+$0x0] =	vst.idx.msk $0xffff, v10;
	v10 =	vmul.f32 $8.000000000e+00, v17  }
.Ltmp8:
0x1fa: {  	v18 =	vadd.s32 v1, v4;
	v13 =	vld [tilespmem:s24+$0xFFFFFFA0];
	v11 =	vmul.f32 $8.000000000e+00, v15;
	[tilespmem:v19+s28+$0x0] =	vst.idx.msk $0xffff, v9;
	(pc) =	sbr.rel @p1 .LBB2_18-.Ltmp8, $4  }
0x1fb: {  	v16 =	vadd.s32 v1, v21;
	v15 =	vmul.f32 $8.000000000e+00, v20;
	v12 =	vld [tilespmem:s1+$0xFFFFFF80];
	[tilespmem:v23+s28+$0x0] =	vst.idx.msk $0xffff, v10  }
0x1fc: {  	v9 =	vmov s19;
	v10 =	vadd.s32 v1, v26;
	[tilespmem:v14+s28+$0x0] =	vst.idx.msk $0xffff, v11;
	v11 =	vld [tilespmem:s1+$0xFFFFFFC0];
	v23 =	vmul.f32 $8.000000000e+00, v24  }
0x1fd: {  	s7 =	sadd.s32 $0x3, s19;
	v9 =	vand.u32 $0xFC, v9;
	v20 =	vmul.f32 $8.000000000e+00, v25;
	[tilespmem:v27+s28+$0x0] =	vst.idx.msk $0xffff, v15;
	v14 =	vld [tilespmem:s1+$0xFFFFFF40];
	v15 =	vadd.s32 v3, v6;
	v6 =	vmovc v21;
	s1 =	smov.u32 s24;
	s24 =	sadd.s32 $0x100, s24  }
0x1fe: {  	v22 =	vmov s7;
	v17 =	vadd.s32 v3, v7;
	v7 =	vmovc v26;
	s19 =	sadd.s32 $0x4, s19;
	v19 =	vld [tilespmem:s24+$0xFFFFFFD0];
	v21 =	vmul.f32 $8.000000000e+00, v28;
	[tilespmem:v29+s28+$0x0] =	vst.idx.msk $0xffff, v23  }
0x1ff: {  	s7 =	sadd.s32 $0x1, s30;
	v22 =	vand.u32 $0xFF, v22;
	v28 =	vld [tilespmem:s24+$0xFFFFFF10]  }
0x200: {  	s20 =	sadd.s32 $0x2, s30;
	v24 =	vld [tilespmem:s24+$0xFFFFFF50];
	v23 =	vmov s7;
	v25 =	vadd.s32 v0, v22  }
0x201: {  	v27 =	vld [tilespmem:s24+$0xFFFFFF90];
	v51 =	vadd.s32 v0, v9;
	v26 =	vmov s20;
	v23 =	vand.u32 $0xFD, v23  }
0x202: {  	v26 =	vand.u32 $0xFE, v26;
	v29 =	vadd.s32 v0, v23  }
0x203: {  	[tilespmem:v18+s28+$0x0] =	vst.idx.msk $0xffff, v20;
	v30 =	vadd.s32 v0, v26;
	v19 =	vmul.f32 $8.000000000e+00, v19  }
0x204: {  	[tilespmem:v16+s28+$0x0] =	vst.idx.msk $0xffff, v21;
	v54 =	vmul.f32 $8.000000000e+00, v28  }
0x205: {  	v52 =	vmul.f32 $8.000000000e+00, v24;
	[tilespmem:v25+s28+$0x0] =	vst.idx.msk $0xffff, v19  }
0x206: {  	v53 =	vmul.f32 $8.000000000e+00, v27;
	v55 =	vld [tilespmem:s24+$0xFFFFFFE0];
	[tilespmem:v51+s28+$0x0] =	vst.idx.msk $0xffff, v54  }
0x207: {  	v13 =	vmul.f32 $8.000000000e+00, v13;
	v8 =	vadd.s32 v3, v8;
	[tilespmem:v29+s28+$0x0] =	vst.idx.msk $0xffff, v52;
	v59 =	vld [tilespmem:s24+$0xFFFFFF20]  }
0x208: {  	v12 =	vmul.f32 $8.000000000e+00, v12;
	v57 =	vadd.s32 v1, v22;
	[tilespmem:v30+s28+$0x0] =	vst.idx.msk $0xffff, v53;
	v56 =	vld [tilespmem:s24+$0xFFFFFF60]  }
0x209: {  	[tilespmem:v10+s28+$0x0] =	vst.idx.msk $0xffff, v13;
	v58 =	vmul.f32 $8.000000000e+00, v11;
	v28 =	vadd.s32 v1, v9;
	v19 =	vld [tilespmem:s24+$0xFFFFFFA0]  }
0x20a: {  	v61 =	vld [tilespmem:s1+$0xFFFFFFF0];
	v60 =	vadd.s32 v1, v23;
	v14 =	vmul.f32 $8.000000000e+00, v14;
	[tilespmem:v15+s28+$0x0] =	vst.idx.msk $0xffff, v12  }
0x20b: {  	v32 =	vld [tilespmem:s1+$0xFFFFFF30];
	v62 =	vadd.s32 v1, v26;
	[tilespmem:v17+s28+$0x0] =	vst.idx.msk $0xffff, v58;
	v16 =	vmul.f32 $8.000000000e+00, v55  }
0x20c: {  	[tilespmem:v8+s28+$0x0] =	vst.idx.msk $0xffff, v14;
	v29 =	vadd.s32 v2, v5;
	v30 =	vld [tilespmem:s1+$0xFFFFFFB0];
	v11 =	vmul.f32 $8.000000000e+00, v59  }
0x20d: {  	v38 =	vadd.s32 v2, v4;
	v63 =	vld [tilespmem:s1+$0xFFFFFF70];
	v31 =	vmul.f32 $8.000000000e+00, v56;
	[tilespmem:v57+s28+$0x0] =	vst.idx.msk $0xffff, v16  }
0x20e: {  	v35 =	vadd.s32 v2, v7;
	v34 =	vmul.f32 $8.000000000e+00, v19;
	v36 =	vld [tilespmem:s24+$0xFFFFFFF0];
	[tilespmem:v28+s28+$0x0] =	vst.idx.msk $0xffff, v11  }
0x20f: {  	v33 =	vadd.s32 v2, v6;
	v37 =	vmul.f32 $8.000000000e+00, v61;
	[tilespmem:v60+s28+$0x0] =	vst.idx.msk $0xffff, v31;
	v43 =	vld [tilespmem:s24+$0xFFFFFF30]  }
0x210: {  	v40 =	vadd.s32 v2, v22;
	v14 =	vmul.f32 $8.000000000e+00, v32;
	[tilespmem:v62+s28+$0x0] =	vst.idx.msk $0xffff, v34;
	v39 =	vld [tilespmem:s24+$0xFFFFFF70]  }
0x211: {  	v48 =	vadd.s32 v2, v9;
	[tilespmem:v29+s28+$0x0] =	vst.idx.msk $0xffff, v37;
	v42 =	vmul.f32 $8.000000000e+00, v30;
	v41 =	vld [tilespmem:s24+$0xFFFFFFB0]  }
0x212: {  	v44 =	vadd.s32 v2, v23;
	v15 =	vmul.f32 $8.000000000e+00, v63;
	[tilespmem:v38+s28+$0x0] =	vst.idx.msk $0xffff, v14;
	v45 =	vld [tilespmem:s1+$0x0]  }
0x213: {  	v46 =	vadd.s32 v2, v26;
	v14 =	vld [tilespmem:s1+$0xFFFFFF40];
	[tilespmem:v35+s28+$0x0] =	vst.idx.msk $0xffff, v42;
	v47 =	vmul.f32 $8.000000000e+00, v36  }
0x214: {  	v5 =	vadd.s32 v3, v5;
	[tilespmem:v33+s28+$0x0] =	vst.idx.msk $0xffff, v15;
	v49 =	vld [tilespmem:s1+$0xFFFFFFC0];
	v53 =	vmul.f32 $8.000000000e+00, v43  }
0x215: {  	v4 =	vadd.s32 v3, v4;
	v21 =	vld [tilespmem:s1+$0xFFFFFF80];
	v12 =	vmul.f32 $8.000000000e+00, v39;
	[tilespmem:v40+s28+$0x0] =	vst.idx.msk $0xffff, v47  }
0x216: {  	v52 =	vadd.s32 v3, v7;
	v51 =	vmul.f32 $8.000000000e+00, v41;
	v10 =	vld [tilespmem:s24+$0x0];
	[tilespmem:v48+s28+$0x0] =	vst.idx.msk $0xffff, v53  }
0x217: {  	v50 =	vadd.s32 v3, v6;
	v54 =	vmul.f32 $8.000000000e+00, v45;
	[tilespmem:v44+s28+$0x0] =	vst.idx.msk $0xffff, v12;
	v59 =	vld [tilespmem:s24+$0xFFFFFF40]  }
0x218: {  	v57 =	vadd.s32 v3, v22;
	v14 =	vmul.f32 $8.000000000e+00, v14;
	[tilespmem:v46+s28+$0x0] =	vst.idx.msk $0xffff, v51;
	v55 =	vld [tilespmem:s24+$0xFFFFFF80]  }
0x219: {  	v62 =	vadd.s32 v3, v9;
	[tilespmem:v5+s28+$0x0] =	vst.idx.msk $0xffff, v54;
	v5 =	vmul.f32 $8.000000000e+00, v49;
	v58 =	vld [tilespmem:s24+$0xFFFFFFC0]  }
0x21a: {  	v56 =	vmul.f32 $8.000000000e+00, v21;
	v60 =	vadd.s32 v3, v23;
	[tilespmem:v4+s28+$0x0] =	vst.idx.msk $0xffff, v14  }
0x21b: {  	v61 =	vadd.s32 v3, v26;
	[tilespmem:v52+s28+$0x0] =	vst.idx.msk $0xffff, v5;
	v5 =	vmul.f32 $8.000000000e+00, v10  }
0x21c: {  	[tilespmem:v50+s28+$0x0] =	vst.idx.msk $0xffff, v56;
	v63 =	vmul.f32 $8.000000000e+00, v59  }
0x21d: {  	v4 =	vmul.f32 $8.000000000e+00, v55;
	[tilespmem:v57+s28+$0x0] =	vst.idx.msk $0xffff, v5  }
0x21e: {  	s24 =	sor.u32 s11, s22;
	v5 =	vmul.f32 $8.000000000e+00, v58;
	[tilespmem:v62+s28+$0x0] =	vst.idx.msk $0xffff, v63  }
0x21f: {  	s1 =	sshrl.u32 s24, $0x3;
	[tilespmem:v60+s28+$0x0] =	vst.idx.msk $0xffff, v4  }
0x220: {  	s7 =	simm.s32 $0x10400;
	s19 =	sadd.s32 s2, s1;
	[tilespmem:v61+s28+$0x0] =	vst.idx.msk $0xffff, v5  }
0x221: {  	[hbm4b:s19+s3] =	stream.linear.scatter [tilespmem:s7], [sflag:$0x9], $0x80, $0x38;
	[tilespmem:$0x18800] =	vst v63  }
0x222: {  	s20 =	simm.s32 $0x10508;
	s24 =	sadd.s32 $0x10, s19  }
0x223: {  	[hbm4b:s24+s3] =	stream.linear.scatter [tilespmem:s20], [sflag:$0x9], $0x80, $0x38;
	[tilespmem:$0x18800] =	vst v63  }
0x224: {  	s20 =	simm.s32 $0x10610;
	s24 =	sadd.s32 $0x20, s19  }
0x225: {  	[hbm4b:s24+s3] =	stream.linear.scatter [tilespmem:s20], [sflag:$0x9], $0x80, $0x38;
	[tilespmem:$0x18800] =	vst v63  }
0x226: {  	s20 =	simm.s32 $0x10718;
	s24 =	sadd.s32 $0x30, s19  }
0x227: {  	[hbm4b:s24+s3] =	stream.linear.scatter [tilespmem:s20], [sflag:$0x9], $0x80, $0x38;
	[tilespmem:$0x18800] =	vst v63  }
0x228: {  	s20 =	simm.s32 $0x10820;
	s24 =	sadd.s32 $0x40, s19  }
0x229: {  	[hbm4b:s24+s3] =	stream.linear.scatter [tilespmem:s20], [sflag:$0x9], $0x80, $0x38;
	[tilespmem:$0x18800] =	vst v63  }
0x22a: {  	s30 =	simm.s32 $0x10B38;
	s20 =	simm.s32 $0x10928;
	s24 =	sadd.s32 $0x50, s19  }
0x22b: {  	[hbm4b:s24+s3] =	stream.linear.scatter [tilespmem:s20], [sflag:$0x9], $0x80, $0x38;
	[tilespmem:$0x18800] =	vst v63  }
0x22c: {  	s1 =	simm.s32 $0x840;
	s20 =	simm.s32 $0x10A30;
	s24 =	sadd.s32 $0x60, s19  }
0x22d: {  	[hbm4b:s24+s3] =	stream.linear.scatter [tilespmem:s20], [sflag:$0x9], $0x80, $0x38;
	[tilespmem:$0x18800] =	vst v63  }
0x22e: {  	s7 =	sadd.s32 $0x70, s19;
	s19 =	sadd.s32 $0x4000, s19;
	s24 =	simm.s32 $0x4200  }
.LBB2_20:
0x22f: {  	[hbm4b:s7+s3] =	stream.linear.scatter [tilespmem:s30], [sflag:$0x9], $0x80, $0x38;
	[tilespmem:$0x18800] =	vst v63  }
0x230: {  	s7 =	smov.u32 s1;
	s1 =	smov.u32 s24  }
0x231: {  	s20 =	sadd.s32 $0x2100, s24;
	s1 =	sshra.s32 s1, $0x2;
	s30 =	sadd.s32 $0x10400, s7  }
0x232: {  	[hbm4b:s19+s3] =	stream.linear.scatter [tilespmem:s30], [sflag:$0x9], $0x80, $0x38;
	[tilespmem:$0x18800] =	vst v63  }
0x233: {  	p1 =	sne.s32 s24, $0xE700;
	s24 =	sadd.s32 $0x10508, s7;
	s30 =	sadd.s32 $0x10, s19  }
0x234: {  	[hbm4b:s30+s3] =	stream.linear.scatter [tilespmem:s24], [sflag:$0x9], $0x80, $0x38;
	[tilespmem:$0x18800] =	vst v63  }
0x235: {  	s24 =	sadd.s32 $0x10610, s7;
	s30 =	sadd.s32 $0x20, s19  }
0x236: {  	[hbm4b:s30+s3] =	stream.linear.scatter [tilespmem:s24], [sflag:$0x9], $0x80, $0x38;
	[tilespmem:$0x18800] =	vst v63  }
0x237: {  	s24 =	sadd.s32 $0x10718, s7;
	s30 =	sadd.s32 $0x30, s19  }
0x238: {  	[hbm4b:s30+s3] =	stream.linear.scatter [tilespmem:s24], [sflag:$0x9], $0x80, $0x38;
	[tilespmem:$0x18800] =	vst v63  }
0x239: {  	s24 =	sadd.s32 $0x10820, s7;
	s30 =	sadd.s32 $0x40, s19  }
0x23a: {  	[hbm4b:s30+s3] =	stream.linear.scatter [tilespmem:s24], [sflag:$0x9], $0x80, $0x38;
	[tilespmem:$0x18800] =	vst v63  }
0x23b: {  	s24 =	sadd.s32 $0x10928, s7;
	s30 =	sadd.s32 $0x50, s19  }
0x23c: {  	[hbm4b:s30+s3] =	stream.linear.scatter [tilespmem:s24], [sflag:$0x9], $0x80, $0x38;
	[tilespmem:$0x18800] =	vst v63  }
.Ltmp9:
0x23d: {  	_ = 	snop;
	(pc) =	sbr.rel @p1 .LBB2_20-.Ltmp9, $4  }
0x23e: {  	s24 =	sadd.s32 $0x10A30, s7;
	s30 =	sadd.s32 $0x60, s19  }
0x23f: {  	[hbm4b:s30+s3] =	stream.linear.scatter [tilespmem:s24], [sflag:$0x9], $0x80, $0x38;
	[tilespmem:$0x18800] =	vst v63  }
0x240: {  	s30 =	sadd.s32 $0x10B38, s7  }
0x241: {  	s7 =	sadd.s32 $0x70, s19;
	s19 =	sadd.s32 $0x4000, s19;
	s24 =	smov.u32 s20  }
0x242: {  	[hbm4b:s7+s3] =	stream.linear.scatter [tilespmem:s30], [sflag:$0x9], $0x80, $0x38;
	[tilespmem:$0x18800] =	vst v63  }
0x243: {  	s20 =	sadd.s32 $0x10400, s1  }
0x244: {  	[hbm4b:s19+s3] =	stream.linear.scatter [tilespmem:s20], [sflag:$0x9], $0x80, $0x38;
	[tilespmem:$0x18800] =	vst v63  }
0x245: {  	s24 =	sadd.s32 $0x10508, s1;
	s20 =	sadd.s32 $0x10, s19  }
0x246: {  	[hbm4b:s20+s3] =	stream.linear.scatter [tilespmem:s24], [sflag:$0x9], $0x80, $0x38;
	[tilespmem:$0x18800] =	vst v63  }
0x247: {  	s20 =	sadd.s32 $0x10610, s1;
	s24 =	sadd.s32 $0x20, s19  }
0x248: {  	[hbm4b:s24+s3] =	stream.linear.scatter [tilespmem:s20], [sflag:$0x9], $0x80, $0x38;
	[tilespmem:$0x18800] =	vst v63  }
0x249: {  	s20 =	sadd.s32 $0x10718, s1;
	s24 =	sadd.s32 $0x30, s19  }
0x24a: {  	[hbm4b:s24+s3] =	stream.linear.scatter [tilespmem:s20], [sflag:$0x9], $0x80, $0x38;
	[tilespmem:$0x18800] =	vst v63  }
0x24b: {  	s20 =	sadd.s32 $0x10820, s1;
	s24 =	sadd.s32 $0x40, s19  }
0x24c: {  	[hbm4b:s24+s3] =	stream.linear.scatter [tilespmem:s20], [sflag:$0x9], $0x80, $0x38;
	[tilespmem:$0x18800] =	vst v63  }
0x24d: {  	s20 =	sadd.s32 $0x10928, s1;
	s24 =	sadd.s32 $0x50, s19  }
0x24e: {  	[hbm4b:s24+s3] =	stream.linear.scatter [tilespmem:s20], [sflag:$0x9], $0x80, $0x38;
	[tilespmem:$0x18800] =	vst v63  }
0x24f: {  	s20 =	sadd.s32 $0x10A30, s1;
	s24 =	sadd.s32 $0x60, s19  }
0x250: {  	[hbm4b:s24+s3] =	stream.linear.scatter [tilespmem:s20], [sflag:$0x9], $0x80, $0x38;
	[tilespmem:$0x18800] =	vst v63  }
0x251: {  	s24 =	sor.u32 s13, s22  }
0x252: {  	s7 =	sadd.s32 $0x10B38, s1;
	s20 =	sadd.s32 $0x70, s19;
	s1 =	sshrl.u32 s24, $0x3  }
0x253: {  	[hbm4b:s20+s3] =	stream.linear.scatter [tilespmem:s7], [sflag:$0x9], $0x80, $0x38;
	[tilespmem:$0x18800] =	vst v63  }
0x254: {  	s19 =	sadd.s32 s2, s1;
	s7 =	simm.s32 $0x10480  }
0x255: {  	[hbm4b:s19+s3] =	stream.linear.scatter [tilespmem:s7], [sflag:$0x9], $0x80, $0x38;
	[tilespmem:$0x18800] =	vst v63  }
0x256: {  	s20 =	simm.s32 $0x10588;
	s24 =	sadd.s32 $0x10, s19  }
0x257: {  	[hbm4b:s24+s3] =	stream.linear.scatter [tilespmem:s20], [sflag:$0x9], $0x80, $0x38;
	[tilespmem:$0x18800] =	vst v63  }
0x258: {  	s20 =	simm.s32 $0x10690;
	s24 =	sadd.s32 $0x20, s19  }
0x259: {  	[hbm4b:s24+s3] =	stream.linear.scatter [tilespmem:s20], [sflag:$0x9], $0x80, $0x38;
	[tilespmem:$0x18800] =	vst v63  }
0x25a: {  	s20 =	simm.s32 $0x10798;
	s24 =	sadd.s32 $0x30, s19  }
0x25b: {  	[hbm4b:s24+s3] =	stream.linear.scatter [tilespmem:s20], [sflag:$0x9], $0x80, $0x38;
	[tilespmem:$0x18800] =	vst v63  }
0x25c: {  	s20 =	simm.s32 $0x108A0;
	s24 =	sadd.s32 $0x40, s19  }
0x25d: {  	[hbm4b:s24+s3] =	stream.linear.scatter [tilespmem:s20], [sflag:$0x9], $0x80, $0x38;
	[tilespmem:$0x18800] =	vst v63  }
0x25e: {  	s30 =	simm.s32 $0x10BB8;
	s20 =	simm.s32 $0x109A8;
	s24 =	sadd.s32 $0x50, s19  }
0x25f: {  	[hbm4b:s24+s3] =	stream.linear.scatter [tilespmem:s20], [sflag:$0x9], $0x80, $0x38;
	[tilespmem:$0x18800] =	vst v63  }
0x260: {  	s1 =	simm.s32 $0x840;
	s20 =	simm.s32 $0x10AB0;
	s24 =	sadd.s32 $0x60, s19  }
0x261: {  	[hbm4b:s24+s3] =	stream.linear.scatter [tilespmem:s20], [sflag:$0x9], $0x80, $0x38;
	[tilespmem:$0x18800] =	vst v63  }
0x262: {  	s7 =	sadd.s32 $0x70, s19;
	s19 =	sadd.s32 $0x4000, s19;
	s24 =	simm.s32 $0x4200  }
.LBB2_22:
0x263: {  	[hbm4b:s7+s3] =	stream.linear.scatter [tilespmem:s30], [sflag:$0x9], $0x80, $0x38;
	[tilespmem:$0x18800] =	vst v63  }
0x264: {  	s7 =	smov.u32 s1;
	s1 =	smov.u32 s24  }
0x265: {  	s20 =	sadd.s32 $0x2100, s24;
	s1 =	sshra.s32 s1, $0x2;
	s30 =	sadd.s32 $0x10480, s7  }
0x266: {  	[hbm4b:s19+s3] =	stream.linear.scatter [tilespmem:s30], [sflag:$0x9], $0x80, $0x38;
	[tilespmem:$0x18800] =	vst v63  }
0x267: {  	p1 =	sne.s32 s24, $0xE700;
	s24 =	sadd.s32 $0x10588, s7;
	s30 =	sadd.s32 $0x10, s19  }
0x268: {  	[hbm4b:s30+s3] =	stream.linear.scatter [tilespmem:s24], [sflag:$0x9], $0x80, $0x38;
	[tilespmem:$0x18800] =	vst v63  }
0x269: {  	s24 =	sadd.s32 $0x10690, s7;
	s30 =	sadd.s32 $0x20, s19  }
0x26a: {  	[hbm4b:s30+s3] =	stream.linear.scatter [tilespmem:s24], [sflag:$0x9], $0x80, $0x38;
	[tilespmem:$0x18800] =	vst v63  }
0x26b: {  	s24 =	sadd.s32 $0x10798, s7;
	s30 =	sadd.s32 $0x30, s19  }
0x26c: {  	[hbm4b:s30+s3] =	stream.linear.scatter [tilespmem:s24], [sflag:$0x9], $0x80, $0x38;
	[tilespmem:$0x18800] =	vst v63  }
0x26d: {  	s24 =	sadd.s32 $0x108A0, s7;
	s30 =	sadd.s32 $0x40, s19  }
0x26e: {  	[hbm4b:s30+s3] =	stream.linear.scatter [tilespmem:s24], [sflag:$0x9], $0x80, $0x38;
	[tilespmem:$0x18800] =	vst v63  }
0x26f: {  	s24 =	sadd.s32 $0x109A8, s7;
	s30 =	sadd.s32 $0x50, s19  }
0x270: {  	[hbm4b:s30+s3] =	stream.linear.scatter [tilespmem:s24], [sflag:$0x9], $0x80, $0x38;
	[tilespmem:$0x18800] =	vst v63  }
.Ltmp10:
0x271: {  	_ = 	snop;
	(pc) =	sbr.rel @p1 .LBB2_22-.Ltmp10, $4  }
0x272: {  	s24 =	sadd.s32 $0x10AB0, s7;
	s30 =	sadd.s32 $0x60, s19  }
0x273: {  	[hbm4b:s30+s3] =	stream.linear.scatter [tilespmem:s24], [sflag:$0x9], $0x80, $0x38;
	[tilespmem:$0x18800] =	vst v63  }
0x274: {  	s30 =	sadd.s32 $0x10BB8, s7  }
0x275: {  	s7 =	sadd.s32 $0x70, s19;
	s19 =	sadd.s32 $0x4000, s19;
	s24 =	smov.u32 s20  }
0x276: {  	[hbm4b:s7+s3] =	stream.linear.scatter [tilespmem:s30], [sflag:$0x9], $0x80, $0x38;
	[tilespmem:$0x18800] =	vst v63  }
0x277: {  	s24 =	sadd.s32 $0x10480, s1  }
0x278: {  	[hbm4b:s19+s3] =	stream.linear.scatter [tilespmem:s24], [sflag:$0x9], $0x80, $0x38;
	[tilespmem:$0x18800] =	vst v63  }
0x279: {  	s30 =	sadd.s32 $0x10588, s1;
	s20 =	sadd.s32 $0x10, s19  }
0x27a: {  	[hbm4b:s20+s3] =	stream.linear.scatter [tilespmem:s30], [sflag:$0x9], $0x80, $0x38;
	[tilespmem:$0x18800] =	vst v63  }
0x27b: {  	s24 =	sadd.s32 $0x10690, s1;
	s30 =	sadd.s32 $0x20, s19  }
0x27c: {  	[hbm4b:s30+s3] =	stream.linear.scatter [tilespmem:s24], [sflag:$0x9], $0x80, $0x38;
	[tilespmem:$0x18800] =	vst v63  }
0x27d: {  	s24 =	sadd.s32 $0x10798, s1;
	s30 =	sadd.s32 $0x30, s19  }
0x27e: {  	[hbm4b:s30+s3] =	stream.linear.scatter [tilespmem:s24], [sflag:$0x9], $0x80, $0x38;
	[tilespmem:$0x18800] =	vst v63  }
0x27f: {  	s24 =	sadd.s32 $0x108A0, s1;
	s30 =	sadd.s32 $0x40, s19  }
0x280: {  	[hbm4b:s30+s3] =	stream.linear.scatter [tilespmem:s24], [sflag:$0x9], $0x80, $0x38;
	[tilespmem:$0x18800] =	vst v63  }
0x281: {  	s24 =	sadd.s32 $0x109A8, s1;
	s30 =	sadd.s32 $0x50, s19  }
0x282: {  	[hbm4b:s30+s3] =	stream.linear.scatter [tilespmem:s24], [sflag:$0x9], $0x80, $0x38;
	[tilespmem:$0x18800] =	vst v63  }
0x283: {  	s24 =	sadd.s32 $0x10AB0, s1;
	s30 =	sadd.s32 $0x60, s19  }
0x284: {  	[hbm4b:s30+s3] =	stream.linear.scatter [tilespmem:s24], [sflag:$0x9], $0x80, $0x38;
	[tilespmem:$0x18800] =	vst v63  }
0x285: {  	s20 =	sadd.s32 $0x10BB8, s1;
	s1 =	simm.s32 @p0 $0x2;
	s24 =	sadd.s32 $0x70, s19  }
0x286: {  	[hbm4b:s24+s3] =	stream.linear.scatter [tilespmem:s20], [sflag:$0x9], $0x80, $0x38;
	[tilespmem:$0x18800] =	vst v63  }
0x287: {  	_ =	swait.ge @p0 [sflag:s1], $0x100  }
0x288: {  	s7 =	simm.s32 @p0 $0x100;
	[sflag:s1] =	ssyncset.done @p0 $0x0  }
0x289: {  	s19 =	simm.s32 @p0 $0x4400;
	[sflag:s1] =	ssyncadd.s32 @p0 $0xFFFFFF00;
	s1 =	simm.s32 @p0 $0x80  }
0x28a: {  	[tilespmem:s19], [sflag:$0x6] =	stream.indirect.gather @p0 [hbm4b:s5+s1], $0x40, s7, s1, $0xb8;
	[tilespmem:$0x18800] =	vst v63  }
0x28b: {  	s7 =	simm.s32 @p0 $0x180;
	s19 =	simm.s32 @p0 $0x6400  }
0x28c: {  	[tilespmem:s19], [sflag:$0x6] =	stream.indirect.gather @p0 [hbm4b:s5+s1], $0x40, s7, s1, $0xb8;
	[tilespmem:$0x18800] =	vst v63  }
0x28d: {  	s0 =	sadd.s32 @p0 s17, s0;
	s1 =	simm.s32 @p0 $0x8  }
0x28e: {  	s0 =	sshrl.u32 @p0 s0, $0x3;
	_ =	swait.ge @p0 [sflag:s1], $0x4000  }
0x28f: {  	s0 =	sadd.s32 @p0 s4, s0;
	[sflag:s1] =	ssyncset.done @p0 $0x0  }
0x290: {  	s7 =	simm.s32 @p0 $0x300;
	[sflag:s1] =	ssyncadd.s32 @p0 $0xFFFFC000;
	s1 =	simm.s32 @p0 $0x0  }
0x291: {  	[tilespmem:s7], [sflag:$0x4] =	stream.linear.gather @p0 [hbm4b:s0+s1], $0x100, $0x38;
	[tilespmem:$0x18800] =	vst v63  }
0x292: {  	s0 =	simm.s32 @!p0 $0x8  }
0x293: {  	_ =	swait.ge @!p0 [sflag:s0], $0x4000  }
0x294: {  	[sflag:s0] =	ssyncset.done @!p0 $0x0  }
0x295: {  	[sflag:s0] =	ssyncadd.s32 @!p0 $0xFFFFC000  }
0x296: {  	_ =	swait.ge [sflag:s6], $0x2000  }
0x297: {  	[sflag:s6] =	ssyncset.done $0x0  }
0x298: {  	[sflag:s6] =	ssyncadd.s32 $0xFFFFE000  }
0x299: {  	_ =	swait.ge [sflag:s6], $0x2000  }
0x29a: {  	[sflag:s6] =	ssyncset.done $0x0  }
0x29b: {  	s30 =	simm.s32 $0x3;
	s19 =	simm.s32 $0xC4F0;
	[sflag:s6] =	ssyncadd.s32 $0xFFFFE000  }
0x29c: {  	v4 =	vmov s30;
	v5 =	vld [tilespmem:s19+$0xFFFFFFD0]  }
0x29d: {  	v9 =	vand.u32 $0xFF, v4  }
0x29e: {  	v4 =	vadd.s32 v0, v9;
	s1 =	simm.s32 $0x0  }
0x29f: {  	s20 =	simm.s32 $0x2;
	s7 =	simm.s32 $0x1;
	v6 =	vmov s1;
	v7 =	vld [tilespmem:s19+$0xFFFFFF10]  }
0x2a0: {  	v11 =	vmov s20;
	v8 =	vand.u32 $0xFC, v6;
	v6 =	vmov s7;
	v10 =	vld [tilespmem:s19+$0xFFFFFF50]  }
0x2a1: {  	v12 =	vadd.s32 v0, v8;
	v15 =	vand.u32 $0xFD, v6;
	v6 =	vld [tilespmem:s19+$0xFFFFFF90];
	v5 =	vmul.f32 $8.000000000e+00, v5  }
0x2a2: {  	v17 =	vand.u32 $0xFE, v11;
	v13 =	vadd.s32 v0, v15  }
0x2a3: {  	v11 =	vadd.s32 v0, v17;
	[tilespmem:v4+s9+$0x0] =	vst.idx.msk $0xffff, v5  }
0x2a4: {  	v4 =	vmul.f32 $8.000000000e+00, v7;
	v5 =	vld [tilespmem:s19+$0xFFFFFFE0]  }
0x2a5: {  	v7 =	vmul.f32 $8.000000000e+00, v10  }
0x2a6: {  	[tilespmem:v12+s9+$0x0] =	vst.idx.msk $0xffff, v4;
	v4 =	vmul.f32 $8.000000000e+00, v6;
	v6 =	vadd.s32 v1, v9  }
0x2a7: {  	[tilespmem:v13+s9+$0x0] =	vst.idx.msk $0xffff, v7;
	v10 =	vld [tilespmem:s19+$0xFFFFFF20]  }
0x2a8: {  	v7 =	vld [tilespmem:s19+$0xFFFFFF60];
	[tilespmem:v11+s9+$0x0] =	vst.idx.msk $0xffff, v4  }
0x2a9: {  	v11 =	vld [tilespmem:s19+$0xFFFFFFA0];
	v4 =	vmul.f32 $8.000000000e+00, v5  }
0x2aa: {  	s30 =	simm.s32 $0x7;
	s24 =	simm.s32 $0x4;
	s0 =	simm.s32 $0xC5F0;
	v12 =	vadd.s32 v1, v15  }
0x2ab: {  	v14 =	vld [tilespmem:s0+$0xFFFFFFD0];
	v13 =	vadd.s32 v1, v17;
	v5 =	vmov s24;
	[tilespmem:v6+s9+$0x0] =	vst.idx.msk $0xffff, v4;
	v6 =	vmov s30  }
0x2ac: {  	v16 =	vadd.s32 v1, v8;
	v4 =	vand.u32 $0xFC, v5;
	v5 =	vand.u32 $0xFF, v6;
	v18 =	vld [tilespmem:s19+$0xFFFFFFF0]  }
0x2ad: {  	s20 =	simm.s32 $0x5;
	v22 =	vadd.s32 v2, v9;
	v19 =	vld [tilespmem:s0+$0xFFFFFF10];
	v6 =	vmul.f32 $8.000000000e+00, v7;
	v20 =	vadd.s32 v0, v5  }
0x2ae: {  	v21 =	vld [tilespmem:s0+$0xFFFFFF50];
	s24 =	simm.s32 $0x6;
	v10 =	vmul.f32 $8.000000000e+00, v10;
	v7 =	vmul.f32 $8.000000000e+00, v11;
	v11 =	vmov s20  }
0x2af: {  	v23 =	vadd.s32 v0, v4;
	[tilespmem:v12+s9+$0x0] =	vst.idx.msk $0xffff, v6;
	v12 =	vmov s24;
	v6 =	vand.u32 $0xFD, v11;
	v11 =	vld [tilespmem:s0+$0xFFFFFF90]  }
0x2b0: {  	[tilespmem:v13+s9+$0x0] =	vst.idx.msk $0xffff, v7;
	v13 =	vadd.s32 v0, v6;
	v7 =	vand.u32 $0xFE, v12;
	v12 =	vmul.f32 $8.000000000e+00, v14;
	v14 =	vld [tilespmem:s19+$0xFFFFFF70]  }
0x2b1: {  	[tilespmem:v16+s9+$0x0] =	vst.idx.msk $0xffff, v10;
	v10 =	vadd.s32 v0, v7;
	v16 =	vld [tilespmem:s19+$0xFFFFFFB0];
	v18 =	vmul.f32 $8.000000000e+00, v18  }
0x2b2: {  	v19 =	vmul.f32 $8.000000000e+00, v19;
	[tilespmem:v20+s9+$0x0] =	vst.idx.msk $0xffff, v12;
	v12 =	vld [tilespmem:s19+$0xFFFFFF30];
	v20 =	vadd.s32 v2, v15  }
0x2b3: {  	v25 =	vadd.s32 v2, v17;
	v21 =	vmul.f32 $8.000000000e+00, v21;
	v24 =	vld [tilespmem:s0+$0xFFFFFFE0];
	[tilespmem:v22+s9+$0x0] =	vst.idx.msk $0xffff, v18  }
0x2b4: {  	[tilespmem:v23+s9+$0x0] =	vst.idx.msk $0xffff, v19;
	v19 =	vadd.s32 v2, v8;
	v11 =	vmul.f32 $8.000000000e+00, v11;
	v22 =	vld [tilespmem:s19+$0x0]  }
0x2b5: {  	v23 =	vld [tilespmem:s0+$0xFFFFFF20];
	[tilespmem:v13+s9+$0x0] =	vst.idx.msk $0xffff, v21;
	v21 =	vadd.s32 v1, v5;
	v14 =	vmul.f32 $8.000000000e+00, v14  }
0x2b6: {  	v27 =	vadd.s32 v3, v9;
	v26 =	vld [tilespmem:s0+$0xFFFFFF60];
	[tilespmem:v10+s9+$0x0] =	vst.idx.msk $0xffff, v11;
	v10 =	vmul.f32 $8.000000000e+00, v16  }
0x2b7: {  	v18 =	vadd.s32 v1, v4;
	v13 =	vld [tilespmem:s0+$0xFFFFFFA0];
	v9 =	vmul.f32 $8.000000000e+00, v12;
	[tilespmem:v20+s9+$0x0] =	vst.idx.msk $0xffff, v14  }
0x2b8: {  	s24 =	simm.s32 $0x8;
	v16 =	vadd.s32 v1, v6;
	[tilespmem:v25+s9+$0x0] =	vst.idx.msk $0xffff, v10;
	v14 =	vmul.f32 $8.000000000e+00, v24;
	v12 =	vld [tilespmem:s19+$0xFFFFFF80]  }
0x2b9: {  	v20 =	vmov s24;
	v10 =	vadd.s32 v1, v7;
	v11 =	vld [tilespmem:s19+$0xFFFFFFC0];
	[tilespmem:v19+s9+$0x0] =	vst.idx.msk $0xffff, v9;
	v63 =	vmul.f32 $8.000000000e+00, v22  }
0x2ba: {  	s1 =	simm.s32 $0xC6F0;
	s30 =	simm.s32 $0xB;
	v15 =	vadd.s32 v3, v15;
	v9 =	vand.u32 $0xFC, v20;
	v20 =	vmul.f32 $8.000000000e+00, v23;
	[tilespmem:v21+s9+$0x0] =	vst.idx.msk $0xffff, v14;
	v14 =	vld [tilespmem:s19+$0xFFFFFF40]  }
0x2bb: {  	v17 =	vadd.s32 v3, v17;
	v22 =	vmov s30;
	v19 =	vld [tilespmem:s1+$0xFFFFFFD0];
	s19 =	simm.s32 $0xC;
	v21 =	vmul.f32 $8.000000000e+00, v26;
	[tilespmem:v27+s9+$0x0] =	vst.idx.msk $0xffff, v63  }
.LBB2_24:
0x2bc: {  	p0 =	slt.u32 s19, $0xFC;
	s7 =	sadd.s32 $0x1, s24;
	v22 =	vand.u32 $0xFF, v22;
	[tilespmem:v18+s9+$0x0] =	vst.idx.msk $0xffff, v20;
	v13 =	vmul.f32 $8.000000000e+00, v13;
	v18 =	vld [tilespmem:s0+$0xFFFFFFF0];
	v20 =	vadd.s32 v3, v8;
	v8 =	vmovc v4  }
0x2bd: {  	v4 =	vmovc v9;
	v23 =	vld [tilespmem:s1+$0xFFFFFF10];
	v24 =	vmov s7;
	s7 =	sadd.s32 $0x2, s24;
	v25 =	vadd.s32 v0, v22;
	[tilespmem:v16+s9+$0x0] =	vst.idx.msk $0xffff, v21;
	v12 =	vmul.f32 $8.000000000e+00, v12;
	s24 =	smov.u32 s19  }
0x2be: {  	v9 =	vld [tilespmem:s1+$0xFFFFFF50];
	v16 =	vmov s7;
	[tilespmem:v10+s9+$0x0] =	vst.idx.msk $0xffff, v13;
	v10 =	vadd.s32 v2, v5;
	v11 =	vmul.f32 $8.000000000e+00, v11  }
0x2bf: {  	v13 =	vadd.s32 v0, v4;
	v21 =	vand.u32 $0xFD, v24;
	v24 =	vld [tilespmem:s1+$0xFFFFFF90];
	v14 =	vmul.f32 $8.000000000e+00, v14;
	[tilespmem:v15+s9+$0x0] =	vst.idx.msk $0xffff, v12  }
0x2c0: {  	v12 =	vadd.s32 v0, v21;
	v26 =	vand.u32 $0xFE, v16;
	v15 =	vmul.f32 $8.000000000e+00, v19;
	v16 =	vld [tilespmem:s0+$0xFFFFFF70];
	[tilespmem:v17+s9+$0x0] =	vst.idx.msk $0xffff, v11  }
0x2c1: {  	v11 =	vadd.s32 v0, v26;
	v17 =	vld [tilespmem:s0+$0xFFFFFFB0];
	v18 =	vmul.f32 $8.000000000e+00, v18;
	[tilespmem:v20+s9+$0x0] =	vst.idx.msk $0xffff, v14  }
0x2c2: {  	v19 =	vadd.s32 v2, v6;
	v14 =	vmul.f32 $8.000000000e+00, v23;
	[tilespmem:v25+s9+$0x0] =	vst.idx.msk $0xffff, v15;
	v15 =	vld [tilespmem:s0+$0xFFFFFF30]  }
0x2c3: {  	v23 =	vadd.s32 v2, v7;
	v9 =	vmul.f32 $8.000000000e+00, v9;
	v20 =	vld [tilespmem:s1+$0xFFFFFFE0];
	[tilespmem:v10+s9+$0x0] =	vst.idx.msk $0xffff, v18  }
0x2c4: {  	[tilespmem:v13+s9+$0x0] =	vst.idx.msk $0xffff, v14;
	v10 =	vmul.f32 $8.000000000e+00, v24;
	v14 =	vadd.s32 v2, v8;
	v24 =	vld [tilespmem:s0+$0x0]  }
0x2c5: {  	v27 =	vadd.s32 v1, v22;
	v25 =	vld [tilespmem:s1+$0xFFFFFF20];
	[tilespmem:v12+s9+$0x0] =	vst.idx.msk $0xffff, v9;
	v9 =	vmul.f32 $8.000000000e+00, v16  }
0x2c6: {  	v29 =	vadd.s32 v3, v5;
	v5 =	vmov v22;
	v28 =	vld [tilespmem:s1+$0xFFFFFF60];
	[tilespmem:v11+s9+$0x0] =	vst.idx.msk $0xffff, v10;
	v10 =	vmul.f32 $8.000000000e+00, v17  }
.Ltmp11:
0x2c7: {  	v18 =	vadd.s32 v1, v4;
	v13 =	vld [tilespmem:s1+$0xFFFFFFA0];
	v11 =	vmul.f32 $8.000000000e+00, v15;
	[tilespmem:v19+s9+$0x0] =	vst.idx.msk $0xffff, v9;
	(pc) =	sbr.rel @p0 .LBB2_24-.Ltmp11, $4  }
0x2c8: {  	v16 =	vadd.s32 v1, v21;
	v15 =	vmul.f32 $8.000000000e+00, v20;
	v12 =	vld [tilespmem:s0+$0xFFFFFF80];
	[tilespmem:v23+s9+$0x0] =	vst.idx.msk $0xffff, v10  }
0x2c9: {  	v9 =	vmov s19;
	v10 =	vadd.s32 v1, v26;
	[tilespmem:v14+s9+$0x0] =	vst.idx.msk $0xffff, v11;
	v11 =	vld [tilespmem:s0+$0xFFFFFFC0];
	v23 =	vmul.f32 $8.000000000e+00, v24  }
0x2ca: {  	s7 =	sadd.s32 $0x3, s19;
	v9 =	vand.u32 $0xFC, v9;
	v20 =	vmul.f32 $8.000000000e+00, v25;
	[tilespmem:v27+s9+$0x0] =	vst.idx.msk $0xffff, v15;
	v14 =	vld [tilespmem:s0+$0xFFFFFF40];
	v15 =	vadd.s32 v3, v6;
	v6 =	vmovc v21;
	s0 =	smov.u32 s1;
	s1 =	sadd.s32 $0x100, s1  }
0x2cb: {  	v22 =	vmov s7;
	v17 =	vadd.s32 v3, v7;
	v7 =	vmovc v26;
	s19 =	sadd.s32 $0x4, s19;
	v19 =	vld [tilespmem:s1+$0xFFFFFFD0];
	v21 =	vmul.f32 $8.000000000e+00, v28;
	[tilespmem:v29+s9+$0x0] =	vst.idx.msk $0xffff, v23  }
0x2cc: {  	s7 =	sadd.s32 $0x1, s24;
	v22 =	vand.u32 $0xFF, v22;
	v28 =	vld [tilespmem:s1+$0xFFFFFF10]  }
0x2cd: {  	s30 =	sadd.s32 $0x2, s24;
	v24 =	vld [tilespmem:s1+$0xFFFFFF50];
	v23 =	vmov s7;
	v25 =	vadd.s32 v0, v22  }
0x2ce: {  	v27 =	vld [tilespmem:s1+$0xFFFFFF90];
	v51 =	vadd.s32 v0, v9;
	v26 =	vmov s30;
	v23 =	vand.u32 $0xFD, v23  }
0x2cf: {  	v26 =	vand.u32 $0xFE, v26;
	v29 =	vadd.s32 v0, v23  }
0x2d0: {  	[tilespmem:v18+s9+$0x0] =	vst.idx.msk $0xffff, v20;
	v30 =	vadd.s32 v0, v26;
	v19 =	vmul.f32 $8.000000000e+00, v19  }
0x2d1: {  	[tilespmem:v16+s9+$0x0] =	vst.idx.msk $0xffff, v21;
	v54 =	vmul.f32 $8.000000000e+00, v28  }
0x2d2: {  	v52 =	vmul.f32 $8.000000000e+00, v24;
	[tilespmem:v25+s9+$0x0] =	vst.idx.msk $0xffff, v19  }
0x2d3: {  	v53 =	vmul.f32 $8.000000000e+00, v27;
	v55 =	vld [tilespmem:s1+$0xFFFFFFE0];
	[tilespmem:v51+s9+$0x0] =	vst.idx.msk $0xffff, v54  }
0x2d4: {  	v13 =	vmul.f32 $8.000000000e+00, v13;
	v8 =	vadd.s32 v3, v8;
	[tilespmem:v29+s9+$0x0] =	vst.idx.msk $0xffff, v52;
	v59 =	vld [tilespmem:s1+$0xFFFFFF20]  }
0x2d5: {  	v12 =	vmul.f32 $8.000000000e+00, v12;
	v57 =	vadd.s32 v1, v22;
	[tilespmem:v30+s9+$0x0] =	vst.idx.msk $0xffff, v53;
	v56 =	vld [tilespmem:s1+$0xFFFFFF60]  }
0x2d6: {  	[tilespmem:v10+s9+$0x0] =	vst.idx.msk $0xffff, v13;
	v58 =	vmul.f32 $8.000000000e+00, v11;
	v28 =	vadd.s32 v1, v9;
	v19 =	vld [tilespmem:s1+$0xFFFFFFA0]  }
0x2d7: {  	v61 =	vld [tilespmem:s0+$0xFFFFFFF0];
	v60 =	vadd.s32 v1, v23;
	v14 =	vmul.f32 $8.000000000e+00, v14;
	[tilespmem:v15+s9+$0x0] =	vst.idx.msk $0xffff, v12  }
0x2d8: {  	v32 =	vld [tilespmem:s0+$0xFFFFFF30];
	v62 =	vadd.s32 v1, v26;
	[tilespmem:v17+s9+$0x0] =	vst.idx.msk $0xffff, v58;
	v16 =	vmul.f32 $8.000000000e+00, v55  }
0x2d9: {  	[tilespmem:v8+s9+$0x0] =	vst.idx.msk $0xffff, v14;
	v29 =	vadd.s32 v2, v5;
	v30 =	vld [tilespmem:s0+$0xFFFFFFB0];
	v11 =	vmul.f32 $8.000000000e+00, v59  }
0x2da: {  	v38 =	vadd.s32 v2, v4;
	v63 =	vld [tilespmem:s0+$0xFFFFFF70];
	v31 =	vmul.f32 $8.000000000e+00, v56;
	[tilespmem:v57+s9+$0x0] =	vst.idx.msk $0xffff, v16  }
0x2db: {  	v35 =	vadd.s32 v2, v7;
	v34 =	vmul.f32 $8.000000000e+00, v19;
	v36 =	vld [tilespmem:s1+$0xFFFFFFF0];
	[tilespmem:v28+s9+$0x0] =	vst.idx.msk $0xffff, v11  }
0x2dc: {  	v33 =	vadd.s32 v2, v6;
	v37 =	vmul.f32 $8.000000000e+00, v61;
	[tilespmem:v60+s9+$0x0] =	vst.idx.msk $0xffff, v31;
	v43 =	vld [tilespmem:s1+$0xFFFFFF30]  }
0x2dd: {  	v40 =	vadd.s32 v2, v22;
	v14 =	vmul.f32 $8.000000000e+00, v32;
	[tilespmem:v62+s9+$0x0] =	vst.idx.msk $0xffff, v34;
	v39 =	vld [tilespmem:s1+$0xFFFFFF70]  }
0x2de: {  	v48 =	vadd.s32 v2, v9;
	[tilespmem:v29+s9+$0x0] =	vst.idx.msk $0xffff, v37;
	v42 =	vmul.f32 $8.000000000e+00, v30;
	v41 =	vld [tilespmem:s1+$0xFFFFFFB0]  }
0x2df: {  	v44 =	vadd.s32 v2, v23;
	v15 =	vmul.f32 $8.000000000e+00, v63;
	[tilespmem:v38+s9+$0x0] =	vst.idx.msk $0xffff, v14;
	v45 =	vld [tilespmem:s0+$0x0]  }
0x2e0: {  	v46 =	vadd.s32 v2, v26;
	v14 =	vld [tilespmem:s0+$0xFFFFFF40];
	[tilespmem:v35+s9+$0x0] =	vst.idx.msk $0xffff, v42;
	v47 =	vmul.f32 $8.000000000e+00, v36  }
0x2e1: {  	v5 =	vadd.s32 v3, v5;
	[tilespmem:v33+s9+$0x0] =	vst.idx.msk $0xffff, v15;
	v49 =	vld [tilespmem:s0+$0xFFFFFFC0];
	v53 =	vmul.f32 $8.000000000e+00, v43  }
0x2e2: {  	v4 =	vadd.s32 v3, v4;
	v21 =	vld [tilespmem:s0+$0xFFFFFF80];
	v12 =	vmul.f32 $8.000000000e+00, v39;
	[tilespmem:v40+s9+$0x0] =	vst.idx.msk $0xffff, v47  }
0x2e3: {  	v52 =	vadd.s32 v3, v7;
	v51 =	vmul.f32 $8.000000000e+00, v41;
	v10 =	vld [tilespmem:s1+$0x0];
	[tilespmem:v48+s9+$0x0] =	vst.idx.msk $0xffff, v53  }
0x2e4: {  	v50 =	vadd.s32 v3, v6;
	v54 =	vmul.f32 $8.000000000e+00, v45;
	[tilespmem:v44+s9+$0x0] =	vst.idx.msk $0xffff, v12;
	v59 =	vld [tilespmem:s1+$0xFFFFFF40]  }
0x2e5: {  	v57 =	vadd.s32 v3, v22;
	v14 =	vmul.f32 $8.000000000e+00, v14;
	[tilespmem:v46+s9+$0x0] =	vst.idx.msk $0xffff, v51;
	v55 =	vld [tilespmem:s1+$0xFFFFFF80]  }
0x2e6: {  	v62 =	vadd.s32 v3, v9;
	[tilespmem:v5+s9+$0x0] =	vst.idx.msk $0xffff, v54;
	v5 =	vmul.f32 $8.000000000e+00, v49;
	v58 =	vld [tilespmem:s1+$0xFFFFFFC0]  }
0x2e7: {  	v56 =	vmul.f32 $8.000000000e+00, v21;
	v60 =	vadd.s32 v3, v23;
	[tilespmem:v4+s9+$0x0] =	vst.idx.msk $0xffff, v14  }
0x2e8: {  	v61 =	vadd.s32 v3, v26;
	[tilespmem:v52+s9+$0x0] =	vst.idx.msk $0xffff, v5;
	v5 =	vmul.f32 $8.000000000e+00, v10  }
0x2e9: {  	[tilespmem:v50+s9+$0x0] =	vst.idx.msk $0xffff, v56;
	v63 =	vmul.f32 $8.000000000e+00, v59  }
0x2ea: {  	v4 =	vmul.f32 $8.000000000e+00, v55;
	[tilespmem:v57+s9+$0x0] =	vst.idx.msk $0xffff, v5  }
0x2eb: {  	s1 =	sor.u32 s15, s22;
	v5 =	vmul.f32 $8.000000000e+00, v58;
	[tilespmem:v62+s9+$0x0] =	vst.idx.msk $0xffff, v63  }
0x2ec: {  	s0 =	sshrl.u32 s1, $0x3;
	[tilespmem:v60+s9+$0x0] =	vst.idx.msk $0xffff, v4  }
0x2ed: {  	s7 =	simm.s32 $0x14600;
	s1 =	sadd.s32 s2, s0;
	[tilespmem:v61+s9+$0x0] =	vst.idx.msk $0xffff, v5  }
0x2ee: {  	[hbm4b:s1+s3] =	stream.linear.scatter [tilespmem:s7], [sflag:$0xA], $0x80, $0x38;
	[tilespmem:$0x18800] =	vst v63  }
0x2ef: {  	s19 =	simm.s32 $0x14708;
	s20 =	sadd.s32 $0x10, s1  }
0x2f0: {  	[hbm4b:s20+s3] =	stream.linear.scatter [tilespmem:s19], [sflag:$0xA], $0x80, $0x38;
	[tilespmem:$0x18800] =	vst v63  }
0x2f1: {  	s24 =	simm.s32 $0x14810;
	s30 =	sadd.s32 $0x20, s1  }
0x2f2: {  	[hbm4b:s30+s3] =	stream.linear.scatter [tilespmem:s24], [sflag:$0xA], $0x80, $0x38;
	[tilespmem:$0x18800] =	vst v63  }
0x2f3: {  	s19 =	simm.s32 $0x14918;
	s20 =	sadd.s32 $0x30, s1  }
0x2f4: {  	[hbm4b:s20+s3] =	stream.linear.scatter [tilespmem:s19], [sflag:$0xA], $0x80, $0x38;
	[tilespmem:$0x18800] =	vst v63  }
0x2f5: {  	s24 =	simm.s32 $0x14A20;
	s30 =	sadd.s32 $0x40, s1  }
0x2f6: {  	[hbm4b:s30+s3] =	stream.linear.scatter [tilespmem:s24], [sflag:$0xA], $0x80, $0x38;
	[tilespmem:$0x18800] =	vst v63  }
0x2f7: {  	s0 =	simm.s32 $0x840;
	s19 =	simm.s32 $0x14B28;
	s20 =	sadd.s32 $0x50, s1  }
0x2f8: {  	[hbm4b:s20+s3] =	stream.linear.scatter [tilespmem:s19], [sflag:$0xA], $0x80, $0x38;
	[tilespmem:$0x18800] =	vst v63  }
0x2f9: {  	s7 =	sadd.s32 $0x70, s1;
	s24 =	simm.s32 $0x14C30;
	s30 =	sadd.s32 $0x60, s1  }
0x2fa: {  	[hbm4b:s30+s3] =	stream.linear.scatter [tilespmem:s24], [sflag:$0xA], $0x80, $0x38;
	[tilespmem:$0x18800] =	vst v63  }
0x2fb: {  	s1 =	sadd.s32 $0x4000, s1;
	s19 =	simm.s32 $0x4200;
	s24 =	simm.s32 $0x14D38  }
.LBB2_26:
0x2fc: {  	[hbm4b:s7+s3] =	stream.linear.scatter [tilespmem:s24], [sflag:$0xA], $0x80, $0x38;
	[tilespmem:$0x18800] =	vst v63  }
0x2fd: {  	s7 =	smov.u32 s0;
	s0 =	smov.u32 s19  }
0x2fe: {  	s20 =	sadd.s32 $0x2100, s19;
	s0 =	sshra.s32 s0, $0x2;
	s24 =	sadd.s32 $0x14600, s7  }
0x2ff: {  	[hbm4b:s1+s3] =	stream.linear.scatter [tilespmem:s24], [sflag:$0xA], $0x80, $0x38;
	[tilespmem:$0x18800] =	vst v63  }
0x300: {  	p0 =	sne.s32 s19, $0xE700;
	s19 =	sadd.s32 $0x14708, s7;
	s24 =	sadd.s32 $0x10, s1  }
0x301: {  	[hbm4b:s24+s3] =	stream.linear.scatter [tilespmem:s19], [sflag:$0xA], $0x80, $0x38;
	[tilespmem:$0x18800] =	vst v63  }
0x302: {  	s19 =	sadd.s32 $0x14810, s7;
	s24 =	sadd.s32 $0x20, s1  }
0x303: {  	[hbm4b:s24+s3] =	stream.linear.scatter [tilespmem:s19], [sflag:$0xA], $0x80, $0x38;
	[tilespmem:$0x18800] =	vst v63  }
0x304: {  	s19 =	sadd.s32 $0x14918, s7;
	s24 =	sadd.s32 $0x30, s1  }
0x305: {  	[hbm4b:s24+s3] =	stream.linear.scatter [tilespmem:s19], [sflag:$0xA], $0x80, $0x38;
	[tilespmem:$0x18800] =	vst v63  }
0x306: {  	s19 =	sadd.s32 $0x14A20, s7;
	s24 =	sadd.s32 $0x40, s1  }
0x307: {  	[hbm4b:s24+s3] =	stream.linear.scatter [tilespmem:s19], [sflag:$0xA], $0x80, $0x38;
	[tilespmem:$0x18800] =	vst v63  }
0x308: {  	s19 =	sadd.s32 $0x14B28, s7;
	s24 =	sadd.s32 $0x50, s1  }
0x309: {  	[hbm4b:s24+s3] =	stream.linear.scatter [tilespmem:s19], [sflag:$0xA], $0x80, $0x38;
	[tilespmem:$0x18800] =	vst v63  }
.Ltmp12:
0x30a: {  	_ = 	snop;
	(pc) =	sbr.rel @p0 .LBB2_26-.Ltmp12, $4  }
0x30b: {  	s19 =	sadd.s32 $0x14C30, s7;
	s24 =	sadd.s32 $0x60, s1  }
0x30c: {  	[hbm4b:s24+s3] =	stream.linear.scatter [tilespmem:s19], [sflag:$0xA], $0x80, $0x38;
	[tilespmem:$0x18800] =	vst v63  }
0x30d: {  	s24 =	sadd.s32 $0x14D38, s7  }
0x30e: {  	s7 =	sadd.s32 $0x70, s1;
	s1 =	sadd.s32 $0x4000, s1;
	s19 =	smov.u32 s20  }
0x30f: {  	[hbm4b:s7+s3] =	stream.linear.scatter [tilespmem:s24], [sflag:$0xA], $0x80, $0x38;
	[tilespmem:$0x18800] =	vst v63  }
0x310: {  	s19 =	sadd.s32 $0x14600, s0  }
0x311: {  	[hbm4b:s1+s3] =	stream.linear.scatter [tilespmem:s19], [sflag:$0xA], $0x80, $0x38;
	[tilespmem:$0x18800] =	vst v63  }
0x312: {  	s20 =	sadd.s32 $0x14708, s0;
	s19 =	sadd.s32 $0x10, s1  }
0x313: {  	[hbm4b:s19+s3] =	stream.linear.scatter [tilespmem:s20], [sflag:$0xA], $0x80, $0x38;
	[tilespmem:$0x18800] =	vst v63  }
0x314: {  	s24 =	sadd.s32 $0x14810, s0;
	s30 =	sadd.s32 $0x20, s1  }
0x315: {  	[hbm4b:s30+s3] =	stream.linear.scatter [tilespmem:s24], [sflag:$0xA], $0x80, $0x38;
	[tilespmem:$0x18800] =	vst v63  }
0x316: {  	s19 =	sadd.s32 $0x14918, s0;
	s20 =	sadd.s32 $0x30, s1  }
0x317: {  	[hbm4b:s20+s3] =	stream.linear.scatter [tilespmem:s19], [sflag:$0xA], $0x80, $0x38;
	[tilespmem:$0x18800] =	vst v63  }
0x318: {  	s24 =	sadd.s32 $0x14A20, s0;
	s30 =	sadd.s32 $0x40, s1  }
0x319: {  	[hbm4b:s30+s3] =	stream.linear.scatter [tilespmem:s24], [sflag:$0xA], $0x80, $0x38;
	[tilespmem:$0x18800] =	vst v63  }
0x31a: {  	s19 =	sadd.s32 $0x14B28, s0;
	s20 =	sadd.s32 $0x50, s1  }
0x31b: {  	[hbm4b:s20+s3] =	stream.linear.scatter [tilespmem:s19], [sflag:$0xA], $0x80, $0x38;
	[tilespmem:$0x18800] =	vst v63  }
0x31c: {  	s24 =	sadd.s32 $0x14C30, s0;
	s30 =	sadd.s32 $0x60, s1  }
0x31d: {  	[hbm4b:s30+s3] =	stream.linear.scatter [tilespmem:s24], [sflag:$0xA], $0x80, $0x38;
	[tilespmem:$0x18800] =	vst v63  }
0x31e: {  	s24 =	sor.u32 s16, s22  }
0x31f: {  	s19 =	sadd.s32 $0x14D38, s0;
	s20 =	sadd.s32 $0x70, s1;
	s0 =	sshrl.u32 s24, $0x3  }
0x320: {  	[hbm4b:s20+s3] =	stream.linear.scatter [tilespmem:s19], [sflag:$0xA], $0x80, $0x38;
	[tilespmem:$0x18800] =	vst v63  }
0x321: {  	s30 =	simm.s32 $0x14680;
	s1 =	sadd.s32 s2, s0  }
0x322: {  	[hbm4b:s1+s3] =	stream.linear.scatter [tilespmem:s30], [sflag:$0xA], $0x80, $0x38;
	[tilespmem:$0x18800] =	vst v63  }
0x323: {  	s7 =	simm.s32 $0x14788;
	s19 =	sadd.s32 $0x10, s1  }
0x324: {  	[hbm4b:s19+s3] =	stream.linear.scatter [tilespmem:s7], [sflag:$0xA], $0x80, $0x38;
	[tilespmem:$0x18800] =	vst v63  }
0x325: {  	s24 =	simm.s32 $0x14998;
	s20 =	simm.s32 $0x14890;
	s22 =	sadd.s32 $0x20, s1  }
0x326: {  	[hbm4b:s22+s3] =	stream.linear.scatter [tilespmem:s20], [sflag:$0xA], $0x80, $0x38;
	[tilespmem:$0x18800] =	vst v63  }
0x327: {  	s0 =	simm.s32 $0x840;
	s30 =	sadd.s32 $0x30, s1;
	s7 =	simm.s32 $0x14AA0  }
0x328: {  	[hbm4b:s30+s3] =	stream.linear.scatter [tilespmem:s24], [sflag:$0xA], $0x80, $0x38;
	[tilespmem:$0x18800] =	vst v63  }
0x329: {  	s19 =	sadd.s32 $0x40, s1;
	s20 =	simm.s32 $0x14BA8;
	s22 =	sadd.s32 $0x50, s1  }
0x32a: {  	[hbm4b:s19+s3] =	stream.linear.scatter [tilespmem:s7], [sflag:$0xA], $0x80, $0x38;
	[tilespmem:$0x18800] =	vst v63  }
0x32b: {  	s24 =	simm.s32 $0x14CB0;
	s30 =	sadd.s32 $0x60, s1;
	s19 =	simm.s32 $0x4200  }
0x32c: {  	[hbm4b:s22+s3] =	stream.linear.scatter [tilespmem:s20], [sflag:$0xA], $0x80, $0x38;
	[tilespmem:$0x18800] =	vst v63  }
0x32d: {  	s7 =	sadd.s32 $0x70, s1;
	s1 =	sadd.s32 $0x4000, s1;
	s22 =	simm.s32 $0x14DB8  }
0x32e: {  	[hbm4b:s30+s3] =	stream.linear.scatter [tilespmem:s24], [sflag:$0xA], $0x80, $0x38;
	[tilespmem:$0x18800] =	vst v63  }
.LBB2_28:
0x32f: {  	[hbm4b:s7+s3] =	stream.linear.scatter [tilespmem:s22], [sflag:$0xA], $0x80, $0x38;
	[tilespmem:$0x18800] =	vst v63  }
0x330: {  	s7 =	smov.u32 s0;
	s0 =	smov.u32 s19  }
0x331: {  	s20 =	sadd.s32 $0x2100, s19;
	s0 =	sshra.s32 s0, $0x2;
	s22 =	sadd.s32 $0x14680, s7  }
0x332: {  	[hbm4b:s1+s3] =	stream.linear.scatter [tilespmem:s22], [sflag:$0xA], $0x80, $0x38;
	[tilespmem:$0x18800] =	vst v63  }
0x333: {  	p0 =	sne.s32 s19, $0xE700;
	s19 =	sadd.s32 $0x14788, s7;
	s22 =	sadd.s32 $0x10, s1  }
0x334: {  	[hbm4b:s22+s3] =	stream.linear.scatter [tilespmem:s19], [sflag:$0xA], $0x80, $0x38;
	[tilespmem:$0x18800] =	vst v63  }
0x335: {  	s19 =	sadd.s32 $0x14890, s7;
	s22 =	sadd.s32 $0x20, s1  }
0x336: {  	[hbm4b:s22+s3] =	stream.linear.scatter [tilespmem:s19], [sflag:$0xA], $0x80, $0x38;
	[tilespmem:$0x18800] =	vst v63  }
0x337: {  	s19 =	sadd.s32 $0x14998, s7;
	s22 =	sadd.s32 $0x30, s1  }
0x338: {  	[hbm4b:s22+s3] =	stream.linear.scatter [tilespmem:s19], [sflag:$0xA], $0x80, $0x38;
	[tilespmem:$0x18800] =	vst v63  }
0x339: {  	s19 =	sadd.s32 $0x14AA0, s7;
	s22 =	sadd.s32 $0x40, s1  }
0x33a: {  	[hbm4b:s22+s3] =	stream.linear.scatter [tilespmem:s19], [sflag:$0xA], $0x80, $0x38;
	[tilespmem:$0x18800] =	vst v63  }
0x33b: {  	s19 =	sadd.s32 $0x14BA8, s7;
	s22 =	sadd.s32 $0x50, s1  }
0x33c: {  	[hbm4b:s22+s3] =	stream.linear.scatter [tilespmem:s19], [sflag:$0xA], $0x80, $0x38;
	[tilespmem:$0x18800] =	vst v63  }
.Ltmp13:
0x33d: {  	_ = 	snop;
	(pc) =	sbr.rel @p0 .LBB2_28-.Ltmp13, $4  }
0x33e: {  	s19 =	sadd.s32 $0x14CB0, s7;
	s22 =	sadd.s32 $0x60, s1  }
0x33f: {  	[hbm4b:s22+s3] =	stream.linear.scatter [tilespmem:s19], [sflag:$0xA], $0x80, $0x38;
	[tilespmem:$0x18800] =	vst v63  }
0x340: {  	s22 =	sadd.s32 $0x14DB8, s7  }
0x341: {  	s7 =	sadd.s32 $0x70, s1;
	s1 =	sadd.s32 $0x4000, s1;
	s19 =	smov.u32 s20  }
0x342: {  	[hbm4b:s7+s3] =	stream.linear.scatter [tilespmem:s22], [sflag:$0xA], $0x80, $0x38;
	[tilespmem:$0x18800] =	vst v63  }
0x343: {  	s24 =	sadd.s32 $0x14680, s0  }
0x344: {  	[hbm4b:s1+s3] =	stream.linear.scatter [tilespmem:s24], [sflag:$0xA], $0x80, $0x38;
	[tilespmem:$0x18800] =	vst v63  }
0x345: {  	s30 =	sadd.s32 $0x14788, s0;
	s19 =	sadd.s32 $0x10, s1  }
0x346: {  	[hbm4b:s19+s3] =	stream.linear.scatter [tilespmem:s30], [sflag:$0xA], $0x80, $0x38;
	[tilespmem:$0x18800] =	vst v63  }
0x347: {  	s20 =	sadd.s32 $0x14890, s0;
	s22 =	sadd.s32 $0x20, s1  }
0x348: {  	[hbm4b:s22+s3] =	stream.linear.scatter [tilespmem:s20], [sflag:$0xA], $0x80, $0x38;
	[tilespmem:$0x18800] =	vst v63  }
0x349: {  	s24 =	sadd.s32 $0x14998, s0;
	s30 =	sadd.s32 $0x30, s1  }
0x34a: {  	[hbm4b:s30+s3] =	stream.linear.scatter [tilespmem:s24], [sflag:$0xA], $0x80, $0x38;
	[tilespmem:$0x18800] =	vst v63  }
0x34b: {  	s26 =	sadd.s32 $0x1, s26;
	s20 =	sadd.s32 $0x14AA0, s0;
	s22 =	sadd.s32 $0x40, s1  }
0x34c: {  	[hbm4b:s22+s3] =	stream.linear.scatter [tilespmem:s20], [sflag:$0xA], $0x80, $0x38;
	[tilespmem:$0x18800] =	vst v63  }
0x34d: {  	p0 =	sne.s32 s26, $0x64;
	s24 =	sadd.s32 $0x14BA8, s0;
	s30 =	sadd.s32 $0x50, s1  }
0x34e: {  	[hbm4b:s30+s3] =	stream.linear.scatter [tilespmem:s24], [sflag:$0xA], $0x80, $0x38;
	[tilespmem:$0x18800] =	vst v63  }
.Ltmp14:
0x34f: {  	_ = 	snop;
	(pc) =	sbr.rel @p0 .LBB2_2-.Ltmp14, $4  }
0x350: {  	s20 =	sadd.s32 $0x14CB0, s0;
	s22 =	sadd.s32 $0x60, s1  }
0x351: {  	[hbm4b:s22+s3] =	stream.linear.scatter [tilespmem:s20], [sflag:$0xA], $0x80, $0x38;
	[tilespmem:$0x18800] =	vst v63  }
0x352: {  	s24 =	sadd.s32 $0x14DB8, s0;
	s30 =	sadd.s32 $0x70, s1  }
0x353: {  	[hbm4b:s30+s3] =	stream.linear.scatter [tilespmem:s24], [sflag:$0xA], $0x80, $0x38;
	[tilespmem:$0x18800] =	vst v63  }
0x354: {  	_ =	swait.ge [sflag:s6], $0x2000  }
0x355: {  	[sflag:s6] =	ssyncset.done $0x0  }
0x356: {  	[sflag:s6] =	ssyncadd.s32 $0xFFFFE000  }
0x357: {  	_ =	swait.ge [sflag:s6], $0x2000  }
0x358: {  	[sflag:s6] =	ssyncset.done $0x0  }
0x359: {  	[sflag:s6] =	ssyncadd.s32 $0xFFFFE000  }
0x35a: {  	_ =	swait.ge [sflag:s18], $0x2000  }
0x35b: {  	[sflag:s18] =	ssyncset.done $0x0  }
0x35c: {  	[sflag:s18] =	ssyncadd.s32 $0xFFFFE000  }
0x35d: {  	_ =	swait.ge [sflag:s18], $0x2000  }
0x35e: {  	s1 =	rddreg [dreg:$0x8]  }
0x35f: {  	s0 =	rddreg [dreg:$0x7];
	s1 =	sadd.s32 $0x1, s1  }
0x360: {  	p0 =	sne.s32 s1, s0  }
.Ltmp15:
0x361: {  	_ = 	snop;
	(pc) =	sbr.rel @p0 .LBB2_1-.Ltmp15, $3  }
0x362: {  	_ =	sdelay $0x1  }
0x363: {  	[sflag:s18] =	ssyncset.done $0x0  }
0x364: {  	[sflag:s18] =	ssyncadd.s32 $0xFFFFE000  }
0x365: {  	_ =	sfence.sel $0x180000  }
0x366: {  	[bflag:$0x0] =	sbarrier.arrive $0xFFFF  }
0x367: {  	_ =	strace $0x90000047  }
0x368: {  	s0 =	stileid.u32;
	[bflag:$0x2] =	sbarrier.arrive $0xFFFF  }
0x369: {  	p0 =	sne.s32 s0, $0x0;
	s0 =	rddreg [dreg:$0x2]  }
0x36a: {  	s0 =	sadd.s32 @!p0 $0x100000, s0  }
0x36b: {  	[sflag:s0] =	ssyncadd.tile.s32 @!p0 $0x1;
	_ =	shalt  }
.Lfunc_end2:
_tile_overlayer_lowered:
.L_overlay_start_2:
0x36c: {  	(tag) =	ssettag $0x2  }
0x36d: {  	s0 =	rddreg [dreg:$0x0];
	s2 =	stileid.u32  }
0x36e: {  	s1 =	rddreg [dreg:$0x1];
	p0 =	sne.s32 s2, $0x0  }
0x36f: {  	s3 =	rddreg [dreg:$0x2];
	[bflag:$0x3] =	sbarrier.arrive $0xFFFF;
	s2 =	simm.s32 @!p0 $0x1C0B  }
0x370: {  	[timem:s3], [sflag:s2] =	dma.local @!p0 [hbm:s0], s1  }
0x371: {  	s0 =	simm.s32 @!p0 $0xB  }
0x372: {  	_ =	swait.ge @!p0 [sflag:s0], s1  }
0x373: {  	s1 =	ssub.s32 @!p0 $0x0, s1;
	[sflag:s0] =	ssyncset.done @!p0 $0x0  }
0x374: {  	[sflag:s0] =	ssyncadd.s32 @!p0 s1  }
0x375: {  	[bflag:$0x3] =	sbarrier.arrive $0xFFFF  }
0x376: {  	_ =	shalt  }

</sc_bundles>
